<compile_context>
chip_gen: v7x
topology: tpu7x:2x2x1
jax: 0.10.2.dev20260603
libtpu: 0.0.44.dev20260713+nightly
codegen_flags: <defaults>
</compile_context>

<pallas_src>
import functools

import jax
import jax.numpy as jnp
from jax import lax
from jax.experimental import pallas as pl
from jax.experimental.pallas import tpu as pltpu
from jax.experimental.pallas import tpu_sc as plsc

_MARGIN = 5.0
_NW = 32
_LANES = 16
_B = 1024
_ROWL = 2 * _B + 1
_CH = 4096
_UNROLL = 2


def _stage_scratch():
    return [
        pltpu.VMEM((_CH,), jnp.float32),
        pltpu.VMEM((_CH,), jnp.int32),
        pltpu.VMEM((_CH,), jnp.float32),
        pltpu.VMEM((_CH,), jnp.int32),
        pltpu.SemaphoreType.DMA,
        pltpu.SemaphoreType.DMA,
    ]


def _zero_ref(ref, nwords, dtype):
    z = jnp.zeros((_LANES,), dtype)
    nsteps = nwords // _LANES

    def zero_body(t, _):
        for u in range(_UNROLL):
            ref[pl.ds((t * _UNROLL + u) * _LANES, _LANES)] = z
        return 0

    lax.fori_loop(0, nsteps // _UNROLL, zero_body, 0)
    for t in range((nsteps // _UNROLL) * _UNROLL, nsteps):
        ref[pl.ds(t * _LANES, _LANES)] = z


def _scan_chunks(logits_hbm, labels_hbm, base, nchunk, bufs, per_vector):

    def start(c, buf):
        lv, bv, sm = buf
        off = base + c * _CH
        pltpu.async_copy(logits_hbm.at[pl.ds(off, _CH)], lv, sm)
        pltpu.async_copy(labels_hbm.at[pl.ds(off, _CH)], bv, sm)

    def wait(buf):
        lv, bv, sm = buf
        pltpu.make_async_copy(logits_hbm.at[pl.ds(base, _CH)], lv, sm).wait()
        pltpu.make_async_copy(labels_hbm.at[pl.ds(base, _CH)], bv, sm).wait()

    def process(lv, bv):
        @plsc.parallel_loop(0, _CH // _LANES, unroll=_UNROLL)
        def _(i):
            o = i * _LANES
            per_vector(lv[pl.ds(o, _LANES)], bv[pl.ds(o, _LANES)])

    start(0, bufs[0])
    start(1, bufs[1])

    def chunk_body(g, _):
        for b in range(2):
            c = g * 2 + b
            buf = bufs[b]
            wait(buf)
            process(buf[0], buf[1])

            @pl.when(c + 2 < nchunk)
            def _():
                start(c + 2, buf)

        return 0

    lax.fori_loop(0, nchunk // 2, chunk_body, 0)


def _merge_lanes(src, dst, dtype):
    for lab in range(2):
        def merge_body(g, _, lab=lab):
            col = lab * _B + g * _LANES
            acc = jnp.zeros((_LANES,), dtype)
            for l in range(_LANES):
                acc = acc + src[pl.ds(l * _ROWL + col, _LANES)]
            dst[lab, pl.ds(g * _LANES, _LANES)] = acc
            return 0

        lax.fori_loop(0, _B // _LANES, merge_body, 0)


def _keys(x, lb):
    iu = lax.bitcast_convert_type(x, jnp.int32)
    k0 = iu ^ ((iu >> 31) | jnp.int32(-2147483648))
    return k0 ^ (lb - 1)


def _make_sc_pass1(interpret=False):
    mesh = plsc.VectorSubcoreMesh(
        core_axis_name="c", subcore_axis_name="s", num_cores=2, num_subcores=16
    )
    out_type = jax.ShapeDtypeStruct((_NW, 2, _B), jnp.int32)
    scratch = _stage_scratch() + [
        pltpu.VMEM((_LANES * _ROWL,), jnp.int32),
        pltpu.VMEM((2, _B), jnp.int32),
    ]

    def body(logits_hbm, labels_hbm, cnt_out,
             logv0, labv0, logv1, labv1, sem0, sem1, cnth, mc):
        wid = lax.axis_index("s") * 2 + lax.axis_index("c")
        n_per_w = logits_hbm.shape[0] // _NW
        base = wid * n_per_w

        _zero_ref(cnth, _LANES * _ROWL, jnp.int32)

        lane = lax.broadcasted_iota(jnp.int32, (_LANES,), 0)
        lane_base = lane * _ROWL
        ones = jnp.ones((_LANES,), jnp.int32)

        def per_vector(x, lb):
            key = _keys(x, lb)
            bucket = lax.shift_right_logical(key, 22)
            flat = lane_base + ((lb << 10) | bucket)
            plsc.addupdate_scatter(cnth, [flat], ones)

        bufs = ((logv0, labv0, sem0), (logv1, labv1, sem1))
        _scan_chunks(logits_hbm, labels_hbm, base, n_per_w // _CH, bufs,
                     per_vector)

        _merge_lanes(cnth, mc, jnp.int32)
        pltpu.sync_copy(mc, cnt_out.at[wid])

    return pl.kernel(
        body,
        out_type=out_type,
        mesh=mesh,
        scratch_types=scratch,
        compiler_params=pltpu.CompilerParams(needs_layout_passes=False),
        interpret=interpret,
    )


def _make_sc_pass2(interpret=False):
    mesh = plsc.VectorSubcoreMesh(
        core_axis_name="c", subcore_axis_name="s", num_cores=2, num_subcores=16
    )
    out_type = (
        jax.ShapeDtypeStruct((_NW, 2, _B), jnp.int32),
        jax.ShapeDtypeStruct((_NW, 2, _B), jnp.float32),
        jax.ShapeDtypeStruct((_NW, 2, _LANES), jnp.float32),
    )
    scratch = _stage_scratch() + [
        pltpu.VMEM((_LANES * _ROWL,), jnp.int32),
        pltpu.VMEM((_LANES * _ROWL,), jnp.float32),
        pltpu.VMEM((3 * _LANES,), jnp.float32),
        pltpu.VMEM((2, _B), jnp.int32),
        pltpu.VMEM((2, _B), jnp.float32),
        pltpu.VMEM((2, _LANES), jnp.float32),
        pltpu.VMEM((16,), jnp.int32),
        pltpu.VMEM((16,), jnp.int32),
    ]

    def body(logits_hbm, labels_hbm, prefix_hbm, cnt_out, sum_out, bel_out,
             logv0, labv0, logv1, labv1, sem0, sem1,
             cnth, sumh, belh, mc, ms, bs, p0v, p1v):
        wid = lax.axis_index("s") * 2 + lax.axis_index("c")
        n_per_w = logits_hbm.shape[0] // _NW
        base = wid * n_per_w

        _zero_ref(cnth, _LANES * _ROWL, jnp.int32)
        _zero_ref(sumh, _LANES * _ROWL, jnp.float32)
        _zero_ref(belh, 3 * _LANES, jnp.float32)

        pltpu.sync_copy(prefix_hbm.at[0], p0v)
        pltpu.sync_copy(prefix_hbm.at[1], p1v)
        sel0 = p0v[...]
        sel1 = p1v[...]

        lane = lax.broadcasted_iota(jnp.int32, (_LANES,), 0)
        lane_base = lane * _ROWL
        lane3 = lane * 3
        ones = jnp.ones((_LANES,), jnp.int32)

        def per_vector(x, lb):
            ispos = lb == 1
            key = _keys(x, lb)
            y = jnp.where(ispos, x, -x)
            pref = lax.shift_right_logical(key, 22)
            selv = jnp.where(ispos, sel1, sel0)
            d = pref - selv
            meq = d == 0
            mlt = d < 0
            bucket = lax.shift_right_logical(key, 12) & (_B - 1)
            flat = lane_base + ((lb << 10) | bucket)
            plsc.addupdate_scatter(cnth, [flat], ones, mask=meq)
            plsc.addupdate_scatter(sumh, [flat], y, mask=meq)
            plsc.addupdate_scatter(belh, [lane3 + lb], y, mask=mlt)

        bufs = ((logv0, labv0, sem0), (logv1, labv1, sem1))
        _scan_chunks(logits_hbm, labels_hbm, base, n_per_w // _CH, bufs,
                     per_vector)

        _merge_lanes(cnth, mc, jnp.int32)
        _merge_lanes(sumh, ms, jnp.float32)
        for lb in range(2):
            bs[lb, :] = plsc.load_gather(belh, [lane3 + lb])
        pltpu.sync_copy(mc, cnt_out.at[wid])
        pltpu.sync_copy(ms, sum_out.at[wid])
        pltpu.sync_copy(bs, bel_out.at[wid])

    return pl.kernel(
        body,
        out_type=out_type,
        mesh=mesh,
        scratch_types=scratch,
        compiler_params=pltpu.CompilerParams(needs_layout_passes=False),
        interpret=interpret,
    )


def _shift_right_cols(x, s):
    pad = jnp.zeros((x.shape[0], s), x.dtype)
    return jnp.concatenate([pad, x[:, :-s]], axis=1)


def _cumsum_cols(x):
    s = 1
    while s < _B:
        x = x + _shift_right_cols(x, s)
        s *= 2
    return x


def _make_tc_select(interpret=False):

    def body(cnt_ref, pr_ref, cb_ref, kk_ref, nn_ref):
        C = jnp.sum(cnt_ref[...], axis=0)
        n_c = jnp.sum(C, axis=1, keepdims=True)
        rowi = lax.broadcasted_iota(jnp.int32, (2, 1), 0)
        divisor = jnp.where(rowi == 1, 2, 10)
        k_c = jnp.maximum(1, n_c // divisor)
        cum = _cumsum_cols(C)
        ltm = cum < k_c
        b_idx = jnp.sum(ltm.astype(jnp.int32), axis=1, keepdims=True)
        cb = jnp.sum(jnp.where(ltm, C, 0), axis=1, keepdims=True)
        pr_ref[...] = jnp.broadcast_to(b_idx, (2, 16))
        cb_ref[...] = jnp.broadcast_to(cb, (2, 16))
        kk_ref[...] = jnp.broadcast_to(k_c, (2, 16))
        nn_ref[...] = jnp.broadcast_to(n_c, (2, 16))

    return pl.pallas_call(
        body,
        out_shape=(
            jax.ShapeDtypeStruct((2, 16), jnp.int32),
            jax.ShapeDtypeStruct((2, 16), jnp.int32),
            jax.ShapeDtypeStruct((2, 16), jnp.int32),
            jax.ShapeDtypeStruct((2, 16), jnp.int32),
        ),
        interpret=interpret,
    )


def _make_tc_final(interpret=False):

    def body(cnt_ref, sum_ref, bel_ref, cb_in, kk_in, nn_in, loss_ref):
        C = jnp.sum(cnt_ref[...], axis=0)
        S = jnp.sum(sum_ref[...], axis=0)
        sbel = jnp.sum(jnp.sum(bel_ref[...], axis=0), axis=1, keepdims=True)
        prev_cb = cb_in[:, :1]
        k_c = kk_in[:, :1]
        n_c = nn_in[:, :1]
        need = k_c - prev_cb
        cum = _cumsum_cols(C)
        ltm = cum < need
        cb2 = jnp.sum(jnp.where(ltm, C, 0), axis=1, keepdims=True)
        sb2 = jnp.sum(jnp.where(ltm, S, 0.0), axis=1, keepdims=True)
        eqm = jnp.logical_and(jnp.logical_not(ltm), (cum - C) < need)
        c_at = jnp.sum(jnp.where(eqm, C, 0), axis=1, keepdims=True)
        s_at = jnp.sum(jnp.where(eqm, S, 0.0), axis=1, keepdims=True)
        r = (need - cb2).astype(jnp.float32)
        est = sbel + sb2 + r * s_at / jnp.maximum(c_at, 1).astype(jnp.float32)
        means = est / k_c.astype(jnp.float32)
        diff = jnp.sum(means)
        loss = jnp.maximum(_MARGIN - diff, 0.0)
        empty = jnp.sum(jnp.where(n_c == 0, 1, 0)) > 0
        loss = jnp.where(empty, 0.0, loss)
        loss_ref[...] = jnp.broadcast_to(loss, (1, 1))

    return pl.pallas_call(
        body,
        out_shape=jax.ShapeDtypeStruct((1, 1), jnp.float32),
        interpret=interpret,
    )


_sc_pass1_cached = functools.cache(_make_sc_pass1)
_sc_pass2_cached = functools.cache(_make_sc_pass2)
_tc_sel = _make_tc_select()
_tc_fin = _make_tc_final()


@jax.jit
def kernel(logits, labels):
    assert logits.shape[0] % (_NW * _CH) == 0
    cnt1 = _sc_pass1_cached()(logits, labels)
    pr1, cb1, kk1, nn1 = _tc_sel(cnt1)
    cnt2, sum2, bel = _sc_pass2_cached()(logits, labels, pr1)
    loss = _tc_fin(cnt2, sum2, bel, cb1, kk1, nn1)
    return loss.reshape(())

# --- scband reference (transcript-rebuilt; emitter-appended) ---
"""Pipeline reference for scband-dynamic-separation-loss-84834194030626 (READ-ONLY COPY).

The authoritative reference and input builder live on the scoring server;
editing this copy changes nothing except your own understanding.
"""

import jax, jax.numpy as jnp
import numpy as np

MARGIN = 5.0
HARD_MINING = True
N = 4194304


def setup_inputs(seed: int = 0) -> dict:
    key = jax.random.key(seed)
    k1, k2 = jax.random.split(key)
    logits = jax.random.normal(k1, (N,), dtype=jnp.float32)
    labels = jax.random.randint(k2, (N,), 0, 2, dtype=jnp.int32)
    return {"logits": logits, "labels": labels}


def reference(logits, labels):
    pos_mask = labels == 1
    neg_mask = labels == 0
    n_pos = jnp.sum(pos_mask).astype(jnp.int32)
    n_neg = jnp.sum(neg_mask).astype(jnp.int32)
    n = logits.shape[0]
    idx = jnp.arange(n, dtype=jnp.int32)
    if HARD_MINING:
        pos_k = jnp.maximum(1, n_pos // 2)
        neg_k = jnp.maximum(1, n_neg // 10)
        # torch.topk(largest=False) == smallest pos_k positives: sort ascending
        # with non-positives pushed to the end via +inf fill.
        pos_sorted = jnp.sort(jnp.where(pos_mask, logits, jnp.inf))
        # largest neg_k negatives: sort descending with non-negatives pushed
        # to the end via -inf fill (negate, sort ascending, negate back).
        neg_sorted = -jnp.sort(jnp.where(neg_mask, -logits, jnp.inf))
        pos_sel = idx < pos_k
        neg_sel = idx < neg_k
        pos_mean = jnp.where(pos_sel, pos_sorted, 0.0).sum() / pos_k
        neg_mean = jnp.where(neg_sel, neg_sorted, 0.0).sum() / neg_k
    else:
        pos_mean = jnp.where(pos_mask, logits, 0.0).sum() / n_pos
        neg_mean = jnp.where(neg_mask, logits, 0.0).sum() / n_neg
    diff = pos_mean - neg_mean
    loss = jax.nn.relu(MARGIN - diff)
    empty = (n_pos == 0) | (n_neg == 0)
    return jnp.where(empty, jnp.asarray(0.0, dtype=jnp.float32), loss).astype(jnp.float32)

if __name__ == "__main__":
    import jax
    _d = setup_inputs()
    print(jax.jit(kernel)(*tuple(_d.values())))

</pallas_src>

<mosaic_0001>
#map = affine_map<(d0, d1) -> (0)>
#map1 = affine_map<(d0, d1) -> (0, 0)>
#map2 = affine_map<(d0, d1) -> (0, 0, 0)>
module attributes {stable_mosaic.version = 14 : i64} {
  func.func @body(%arg0: i32, %arg1: i32, %arg2: memref<4194304xf32, #tpu.memory_space<hbm>>, %arg3: memref<4194304xi32, #tpu.memory_space<hbm>>, %arg4: memref<2x16xi32, #tpu.memory_space<hbm>>, %arg5: memref<32x2x1024xi32, #tpu.memory_space<hbm>>, %arg6: memref<32x2x1024xf32, #tpu.memory_space<hbm>>, %arg7: memref<32x2x16xf32, #tpu.memory_space<hbm>>, %arg8: memref<4096xf32, #tpu.memory_space<vmem>>, %arg9: memref<4096xi32, #tpu.memory_space<vmem>>, %arg10: memref<4096xf32, #tpu.memory_space<vmem>>, %arg11: memref<4096xi32, #tpu.memory_space<vmem>>, %arg12: memref<!tpu.dma_semaphore, #tpu.memory_space<semaphore_mem>>, %arg13: memref<!tpu.dma_semaphore, #tpu.memory_space<semaphore_mem>>, %arg14: memref<32784xi32, #tpu.memory_space<vmem>>, %arg15: memref<32784xf32, #tpu.memory_space<vmem>>, %arg16: memref<48xf32, #tpu.memory_space<vmem>>, %arg17: memref<2x1024xi32, #tpu.memory_space<vmem>>, %arg18: memref<2x1024xf32, #tpu.memory_space<vmem>>, %arg19: memref<2x16xf32, #tpu.memory_space<vmem>>, %arg20: memref<16xi32, #tpu.memory_space<vmem>>, %arg21: memref<16xi32, #tpu.memory_space<vmem>>) attributes {dimension_semantics = [#tpu.dimension_semantics<core_parallel>, #tpu.dimension_semantics<subcore_parallel>], iteration_bounds = array<i64: 2, 16>, scalar_prefetch = 0 : i64, scratch_operands = 14 : i64, tpu.core_type = #tpu.core_type<sc_vector_subcore>, window_params = [{transform_indices = #map}, {transform_indices = #map}, {transform_indices = #map1}, {transform_indices = #map2}, {transform_indices = #map2}, {transform_indices = #map2}]} {
    %mul3A = arith.constant 2 : i32
    %mul3A_0 = arith.muli %arg1, %mul3A : i32
    %add3A = arith.addi %mul3A_0, %arg0 : i32
    %mul3A_1 = arith.constant 131072 : i32
    %mul3A_2 = arith.muli %add3A, %mul3A_1 : i32
    %broadcast_in_dim3A = arith.constant 0 : i32
    %broadcast_in_dim3A_3 = vector.broadcast %broadcast_in_dim3A : i32 to vector<16xi32>
    %scan3A = arith.constant 0 : i32
    %scan3A_4 = arith.constant 0 : i32
    %scan3A_5 = arith.constant 1024 : i32
    %scan3A_6 = arith.addi %scan3A_4, %scan3A_5 : i32
    %scan3A_7 = arith.constant 1 : i32
    %scan3A_8 = scf.for %scan3A_119 = %scan3A_4 to %scan3A_6 step %scan3A_7 iter_args(%scan3A_120 = %scan3A) -> (i32)  : i32 {
      %mul3A_121 = arith.constant 2 : i32
      %mul3A_122 = arith.muli %scan3A_119, %mul3A_121 : i32
      %add3A_123 = arith.constant 0 : i32
      %add3A_124 = arith.addi %mul3A_122, %add3A_123 : i32
      %mul3A_125 = arith.constant 16 : i32
      %mul3A_126 = arith.muli %add3A_124, %mul3A_125 : i32
      %swap3A_127 = arith.index_cast %mul3A_126 : i32 to index
      %swap3A_128 = tpu.vector_load %arg14[%swap3A_127] {strides = array<i32>} : memref<32784xi32, #tpu.memory_space<vmem>>, vector<16xi32>,
      tpu.vector_store %arg14[%swap3A_127], %broadcast_in_dim3A_3 {strides = array<i32>} : memref<32784xi32, #tpu.memory_space<vmem>>, vector<16xi32>,
      %mul3A_129 = arith.constant 2 : i32
      %mul3A_130 = arith.muli %scan3A_119, %mul3A_129 : i32
      %add3A_131 = arith.constant 1 : i32
      %add3A_132 = arith.addi %mul3A_130, %add3A_131 : i32
      %mul3A_133 = arith.constant 16 : i32
      %mul3A_134 = arith.muli %add3A_132, %mul3A_133 : i32
      %swap3A_135 = arith.index_cast %mul3A_134 : i32 to index
      %swap3A_136 = tpu.vector_load %arg14[%swap3A_135] {strides = array<i32>} : memref<32784xi32, #tpu.memory_space<vmem>>, vector<16xi32>,
      tpu.vector_store %arg14[%swap3A_135], %broadcast_in_dim3A_3 {strides = array<i32>} : memref<32784xi32, #tpu.memory_space<vmem>>, vector<16xi32>,
      %scan3A_137 = arith.constant 0 : i32
      scf.yield %scan3A_137 : i32
    }
    %scan3A_9 = arith.constant 1024 : i32
    %swap3A = arith.constant 32768 : index
    %swap3A_10 = tpu.vector_load %arg14[%swap3A] {strides = array<i32>} : memref<32784xi32, #tpu.memory_space<vmem>>, vector<16xi32>,
    tpu.vector_store %arg14[%swap3A], %broadcast_in_dim3A_3 {strides = array<i32>} : memref<32784xi32, #tpu.memory_space<vmem>>, vector<16xi32>,
    %broadcast_in_dim3A_11 = arith.constant 0.000000e+00 : f32
    %broadcast_in_dim3A_12 = vector.broadcast %broadcast_in_dim3A_11 : f32 to vector<16xf32>
    %scan3A_13 = arith.constant 0 : i32
    %scan3A_14 = arith.constant 0 : i32
    %scan3A_15 = arith.constant 1024 : i32
    %scan3A_16 = arith.addi %scan3A_14, %scan3A_15 : i32
    %scan3A_17 = arith.constant 1 : i32
    %scan3A_18 = scf.for %scan3A_119 = %scan3A_14 to %scan3A_16 step %scan3A_17 iter_args(%scan3A_120 = %scan3A_13) -> (i32)  : i32 {
      %mul3A_121 = arith.constant 2 : i32
      %mul3A_122 = arith.muli %scan3A_119, %mul3A_121 : i32
      %add3A_123 = arith.constant 0 : i32
      %add3A_124 = arith.addi %mul3A_122, %add3A_123 : i32
      %mul3A_125 = arith.constant 16 : i32
      %mul3A_126 = arith.muli %add3A_124, %mul3A_125 : i32
      %swap3A_127 = arith.index_cast %mul3A_126 : i32 to index
      %swap3A_128 = tpu.vector_load %arg15[%swap3A_127] {strides = array<i32>} : memref<32784xf32, #tpu.memory_space<vmem>>, vector<16xf32>,
      tpu.vector_store %arg15[%swap3A_127], %broadcast_in_dim3A_12 {strides = array<i32>} : memref<32784xf32, #tpu.memory_space<vmem>>, vector<16xf32>,
      %mul3A_129 = arith.constant 2 : i32
      %mul3A_130 = arith.muli %scan3A_119, %mul3A_129 : i32
      %add3A_131 = arith.constant 1 : i32
      %add3A_132 = arith.addi %mul3A_130, %add3A_131 : i32
      %mul3A_133 = arith.constant 16 : i32
      %mul3A_134 = arith.muli %add3A_132, %mul3A_133 : i32
      %swap3A_135 = arith.index_cast %mul3A_134 : i32 to index
      %swap3A_136 = tpu.vector_load %arg15[%swap3A_135] {strides = array<i32>} : memref<32784xf32, #tpu.memory_space<vmem>>, vector<16xf32>,
      tpu.vector_store %arg15[%swap3A_135], %broadcast_in_dim3A_12 {strides = array<i32>} : memref<32784xf32, #tpu.memory_space<vmem>>, vector<16xf32>,
      %scan3A_137 = arith.constant 0 : i32
      scf.yield %scan3A_137 : i32
    }
    %scan3A_19 = arith.constant 1024 : i32
    %swap3A_20 = arith.constant 32768 : index
    %swap3A_21 = tpu.vector_load %arg15[%swap3A_20] {strides = array<i32>} : memref<32784xf32, #tpu.memory_space<vmem>>, vector<16xf32>,
    tpu.vector_store %arg15[%swap3A_20], %broadcast_in_dim3A_12 {strides = array<i32>} : memref<32784xf32, #tpu.memory_space<vmem>>, vector<16xf32>,
    %broadcast_in_dim3A_22 = arith.constant 0.000000e+00 : f32
    %broadcast_in_dim3A_23 = vector.broadcast %broadcast_in_dim3A_22 : f32 to vector<16xf32>
    %scan3A_24 = arith.constant 0 : i32
    %scan3A_25 = arith.constant 0 : i32
    %mul3A_26 = arith.constant 2 : i32
    %mul3A_27 = arith.muli %scan3A_25, %mul3A_26 : i32
    %add3A_28 = arith.constant 0 : i32
    %add3A_29 = arith.addi %mul3A_27, %add3A_28 : i32
    %mul3A_30 = arith.constant 16 : i32
    %mul3A_31 = arith.muli %add3A_29, %mul3A_30 : i32
    %swap3A_32 = arith.index_cast %mul3A_31 : i32 to index
    %swap3A_33 = tpu.vector_load %arg16[%swap3A_32] {strides = array<i32>} : memref<48xf32, #tpu.memory_space<vmem>>, vector<16xf32>,
    tpu.vector_store %arg16[%swap3A_32], %broadcast_in_dim3A_23 {strides = array<i32>} : memref<48xf32, #tpu.memory_space<vmem>>, vector<16xf32>,
    %mul3A_34 = arith.constant 2 : i32
    %mul3A_35 = arith.muli %scan3A_25, %mul3A_34 : i32
    %add3A_36 = arith.constant 1 : i32
    %add3A_37 = arith.addi %mul3A_35, %add3A_36 : i32
    %mul3A_38 = arith.constant 16 : i32
    %mul3A_39 = arith.muli %add3A_37, %mul3A_38 : i32
    %swap3A_40 = arith.index_cast %mul3A_39 : i32 to index
    %swap3A_41 = tpu.vector_load %arg16[%swap3A_40] {strides = array<i32>} : memref<48xf32, #tpu.memory_space<vmem>>, vector<16xf32>,
    tpu.vector_store %arg16[%swap3A_40], %broadcast_in_dim3A_23 {strides = array<i32>} : memref<48xf32, #tpu.memory_space<vmem>>, vector<16xf32>,
    %scan3A_42 = arith.constant 0 : i32
    %scan3A_43 = arith.constant 1 : i32
    %swap3A_44 = arith.constant 32 : index
    %swap3A_45 = tpu.vector_load %arg16[%swap3A_44] {strides = array<i32>} : memref<48xf32, #tpu.memory_space<vmem>>, vector<16xf32>,
    tpu.vector_store %arg16[%swap3A_44], %broadcast_in_dim3A_23 {strides = array<i32>} : memref<48xf32, #tpu.memory_space<vmem>>, vector<16xf32>,
    %run_scoped3A = arith.constant 0 : i32
    "tpu.region"() ({
      %run_scoped3A_119 = tpu.sem_alloc : memref<!tpu.dma_semaphore, #tpu.memory_space<semaphore_mem>>
      %dma_start3A_120 = arith.constant 0 : i32
      %dma_start3A_121 = tpu.memref_slice %arg4[%run_scoped3A, %dma_start3A_120] : memref<2x16xi32, #tpu.memory_space<hbm>> -> memref<1x16xi32, #tpu.memory_space<hbm>>
      %dma_start3A_122 = tpu.memref_squeeze %dma_start3A_121 : memref<1x16xi32, #tpu.memory_space<hbm>> -> memref<16xi32, #tpu.memory_space<hbm>>
      %dma_start3A_123 = arith.constant 0 : i32
      %dma_start3A_124 = tpu.memref_slice %arg4[%run_scoped3A, %dma_start3A_123] : memref<2x16xi32, #tpu.memory_space<hbm>> -> memref<1x16xi32, #tpu.memory_space<hbm>>
      %dma_start3A_125 = tpu.memref_squeeze %dma_start3A_124 : memref<1x16xi32, #tpu.memory_space<hbm>> -> memref<16xi32, #tpu.memory_space<hbm>>
      tpu.enqueue_dma source(%dma_start3A_125 : memref<16xi32, #tpu.memory_space<hbm>>) target(%arg20 : memref<16xi32, #tpu.memory_space<vmem>>) target_semaphore(%run_scoped3A_119 : memref<!tpu.dma_semaphore, #tpu.memory_space<semaphore_mem>>)
      %dma_wait3A = arith.constant 0 : i32
      %dma_wait3A_126 = tpu.memref_slice %arg4[%run_scoped3A, %dma_wait3A] : memref<2x16xi32, #tpu.memory_space<hbm>> -> memref<1x16xi32, #tpu.memory_space<hbm>>
      %dma_wait3A_127 = tpu.memref_squeeze %dma_wait3A_126 : memref<1x16xi32, #tpu.memory_space<hbm>> -> memref<16xi32, #tpu.memory_space<hbm>>
      %dma_wait3A_128 = arith.constant 0 : i32
      %dma_wait3A_129 = tpu.memref_slice %arg4[%run_scoped3A, %dma_wait3A_128] : memref<2x16xi32, #tpu.memory_space<hbm>> -> memref<1x16xi32, #tpu.memory_space<hbm>>
      %dma_wait3A_130 = tpu.memref_squeeze %dma_wait3A_129 : memref<1x16xi32, #tpu.memory_space<hbm>> -> memref<16xi32, #tpu.memory_space<hbm>>
      tpu.wait_dma2 semaphore(%run_scoped3A_119 : memref<!tpu.dma_semaphore, #tpu.memory_space<semaphore_mem>>) src(%dma_wait3A_130 : memref<16xi32, #tpu.memory_space<hbm>>) dst(%arg20 : memref<16xi32, #tpu.memory_space<vmem>>)
      tpu.yield
    }) : () -> ()
    %run_scoped3A_46 = arith.constant 1 : i32
    "tpu.region"() ({
      %run_scoped3A_119 = tpu.sem_alloc : memref<!tpu.dma_semaphore, #tpu.memory_space<semaphore_mem>>
      %dma_start3A_120 = arith.constant 0 : i32
      %dma_start3A_121 = tpu.memref_slice %arg4[%run_scoped3A_46, %dma_start3A_120] : memref<2x16xi32, #tpu.memory_space<hbm>> -> memref<1x16xi32, #tpu.memory_space<hbm>>
      %dma_start3A_122 = tpu.memref_squeeze %dma_start3A_121 : memref<1x16xi32, #tpu.memory_space<hbm>> -> memref<16xi32, #tpu.memory_space<hbm>>
      %dma_start3A_123 = arith.constant 0 : i32
      %dma_start3A_124 = tpu.memref_slice %arg4[%run_scoped3A_46, %dma_start3A_123] : memref<2x16xi32, #tpu.memory_space<hbm>> -> memref<1x16xi32, #tpu.memory_space<hbm>>
      %dma_start3A_125 = tpu.memref_squeeze %dma_start3A_124 : memref<1x16xi32, #tpu.memory_space<hbm>> -> memref<16xi32, #tpu.memory_space<hbm>>
      tpu.enqueue_dma source(%dma_start3A_125 : memref<16xi32, #tpu.memory_space<hbm>>) target(%arg21 : memref<16xi32, #tpu.memory_space<vmem>>) target_semaphore(%run_scoped3A_119 : memref<!tpu.dma_semaphore, #tpu.memory_space<semaphore_mem>>)
      %dma_wait3A = arith.constant 0 : i32
      %dma_wait3A_126 = tpu.memref_slice %arg4[%run_scoped3A_46, %dma_wait3A] : memref<2x16xi32, #tpu.memory_space<hbm>> -> memref<1x16xi32, #tpu.memory_space<hbm>>
      %dma_wait3A_127 = tpu.memref_squeeze %dma_wait3A_126 : memref<1x16xi32, #tpu.memory_space<hbm>> -> memref<16xi32, #tpu.memory_space<hbm>>
      %dma_wait3A_128 = arith.constant 0 : i32
      %dma_wait3A_129 = tpu.memref_slice %arg4[%run_scoped3A_46, %dma_wait3A_128] : memref<2x16xi32, #tpu.memory_space<hbm>> -> memref<1x16xi32, #tpu.memory_space<hbm>>
      %dma_wait3A_130 = tpu.memref_squeeze %dma_wait3A_129 : memref<1x16xi32, #tpu.memory_space<hbm>> -> memref<16xi32, #tpu.memory_space<hbm>>
      tpu.wait_dma2 semaphore(%run_scoped3A_119 : memref<!tpu.dma_semaphore, #tpu.memory_space<semaphore_mem>>) src(%dma_wait3A_130 : memref<16xi32, #tpu.memory_space<hbm>>) dst(%arg21 : memref<16xi32, #tpu.memory_space<vmem>>)
      tpu.yield
    }) : () -> ()
    %get3A = arith.constant 0 : index
    %get3A_47 = tpu.vector_load %arg20[%get3A] {strides = array<i32>} : memref<16xi32, #tpu.memory_space<vmem>>, vector<16xi32>,
    %get3A_48 = arith.constant 0 : index
    %get3A_49 = tpu.vector_load %arg21[%get3A_48] {strides = array<i32>} : memref<16xi32, #tpu.memory_space<vmem>>, vector<16xi32>,
    %iota3A = tpu.iota {dimensions = array<i32: 0>} : vector<16xi32>
    %mul3A_50 = arith.constant 2049 : i32
    %mul3A_51 = vector.broadcast %mul3A_50 : i32 to vector<16xi32>
    %mul3A_52 = arith.muli %iota3A, %mul3A_51 : vector<16xi32>
    %mul3A_53 = arith.constant 3 : i32
    %mul3A_54 = vector.broadcast %mul3A_53 : i32 to vector<16xi32>
    %mul3A_55 = arith.muli %iota3A, %mul3A_54 : vector<16xi32>
    %broadcast_in_dim3A_56 = arith.constant 1 : i32
    %broadcast_in_dim3A_57 = vector.broadcast %broadcast_in_dim3A_56 : i32 to vector<16xi32>
    %add3A_58 = arith.constant 0 : i32
    %add3A_59 = arith.addi %mul3A_2, %add3A_58 : i32
    %dma_start3A = tpu.memref_slice %arg2[%add3A_59] : memref<4194304xf32, #tpu.memory_space<hbm>> -> memref<4096xf32, #tpu.memory_space<hbm>>
    %dma_start3A_60 = tpu.memref_slice %arg2[%add3A_59] : memref<4194304xf32, #tpu.memory_space<hbm>> -> memref<4096xf32, #tpu.memory_space<hbm>>
    tpu.enqueue_dma source(%dma_start3A_60 : memref<4096xf32, #tpu.memory_space<hbm>>) target(%arg8 : memref<4096xf32, #tpu.memory_space<vmem>>) target_semaphore(%arg12 : memref<!tpu.dma_semaphore, #tpu.memory_space<semaphore_mem>>)
    %dma_start3A_61 = tpu.memref_slice %arg3[%add3A_59] : memref<4194304xi32, #tpu.memory_space<hbm>> -> memref<4096xi32, #tpu.memory_space<hbm>>
    %dma_start3A_62 = tpu.memref_slice %arg3[%add3A_59] : memref<4194304xi32, #tpu.memory_space<hbm>> -> memref<4096xi32, #tpu.memory_space<hbm>>
    tpu.enqueue_dma source(%dma_start3A_62 : memref<4096xi32, #tpu.memory_space<hbm>>) target(%arg9 : memref<4096xi32, #tpu.memory_space<vmem>>) target_semaphore(%arg12 : memref<!tpu.dma_semaphore, #tpu.memory_space<semaphore_mem>>)
    %add3A_63 = arith.constant 4096 : i32
    %add3A_64 = arith.addi %mul3A_2, %add3A_63 : i32
    %dma_start3A_65 = tpu.memref_slice %arg2[%add3A_64] : memref<4194304xf32, #tpu.memory_space<hbm>> -> memref<4096xf32, #tpu.memory_space<hbm>>
    %dma_start3A_66 = tpu.memref_slice %arg2[%add3A_64] : memref<4194304xf32, #tpu.memory_space<hbm>> -> memref<4096xf32, #tpu.memory_space<hbm>>
    tpu.enqueue_dma source(%dma_start3A_66 : memref<4096xf32, #tpu.memory_space<hbm>>) target(%arg10 : memref<4096xf32, #tpu.memory_space<vmem>>) target_semaphore(%arg13 : memref<!tpu.dma_semaphore, #tpu.memory_space<semaphore_mem>>)
    %dma_start3A_67 = tpu.memref_slice %arg3[%add3A_64] : memref<4194304xi32, #tpu.memory_space<hbm>> -> memref<4096xi32, #tpu.memory_space<hbm>>
    %dma_start3A_68 = tpu.memref_slice %arg3[%add3A_64] : memref<4194304xi32, #tpu.memory_space<hbm>> -> memref<4096xi32, #tpu.memory_space<hbm>>
    tpu.enqueue_dma source(%dma_start3A_68 : memref<4096xi32, #tpu.memory_space<hbm>>) target(%arg11 : memref<4096xi32, #tpu.memory_space<vmem>>) target_semaphore(%arg13 : memref<!tpu.dma_semaphore, #tpu.memory_space<semaphore_mem>>)
    %scan3A_69 = arith.constant 0 : i32
    %scan3A_70 = arith.constant 0 : i32
    %scan3A_71 = arith.constant 16 : i32
    %scan3A_72 = arith.addi %scan3A_70, %scan3A_71 : i32
    %scan3A_73 = arith.constant 1 : i32
    %scan3A_74 = scf.for %scan3A_119 = %scan3A_70 to %scan3A_72 step %scan3A_73 iter_args(%scan3A_120 = %scan3A_69) -> (i32)  : i32 {
      %mul3A_121 = arith.constant 2 : i32
      %mul3A_122 = arith.muli %scan3A_119, %mul3A_121 : i32
      %add3A_123 = arith.constant 0 : i32
      %add3A_124 = arith.addi %mul3A_122, %add3A_123 : i32
      %dma_wait3A = tpu.memref_slice %arg2[%mul3A_2] : memref<4194304xf32, #tpu.memory_space<hbm>> -> memref<4096xf32, #tpu.memory_space<hbm>>
      %dma_wait3A_125 = tpu.memref_slice %arg2[%mul3A_2] : memref<4194304xf32, #tpu.memory_space<hbm>> -> memref<4096xf32, #tpu.memory_space<hbm>>
      tpu.wait_dma2 semaphore(%arg12 : memref<!tpu.dma_semaphore, #tpu.memory_space<semaphore_mem>>) src(%dma_wait3A_125 : memref<4096xf32, #tpu.memory_space<hbm>>) dst(%arg8 : memref<4096xf32, #tpu.memory_space<vmem>>)
      %dma_wait3A_126 = tpu.memref_slice %arg3[%mul3A_2] : memref<4194304xi32, #tpu.memory_space<hbm>> -> memref<4096xi32, #tpu.memory_space<hbm>>
      %dma_wait3A_127 = tpu.memref_slice %arg3[%mul3A_2] : memref<4194304xi32, #tpu.memory_space<hbm>> -> memref<4096xi32, #tpu.memory_space<hbm>>
      tpu.wait_dma2 semaphore(%arg12 : memref<!tpu.dma_semaphore, #tpu.memory_space<semaphore_mem>>) src(%dma_wait3A_127 : memref<4096xi32, #tpu.memory_space<hbm>>) dst(%arg9 : memref<4096xi32, #tpu.memory_space<vmem>>)
      %parallel_loop3A = arith.constant 0 : i32
      %parallel_loop3A_128 = arith.constant 256 : i32
      %parallel_loop3A_129 = arith.constant 1 : i32
      scf.for %parallel_loop3A_153 = %parallel_loop3A to %parallel_loop3A_128 step %parallel_loop3A_129  : i32 {
        %parallel_loop3A_154 = arith.constant 16 : i32
        %parallel_loop3A_155 = arith.muli %parallel_loop3A_153, %parallel_loop3A_154 : i32
        %parallel_loop3A_156 = arith.index_cast %parallel_loop3A_155 : i32 to index
        %parallel_loop3A_157 = tpu.vector_load %arg8[%parallel_loop3A_156] {strides = array<i32>} : memref<4096xf32, #tpu.memory_space<vmem>>, vector<16xf32>,
        %parallel_loop3A_158 = arith.index_cast %parallel_loop3A_155 : i32 to index
        %parallel_loop3A_159 = tpu.vector_load %arg9[%parallel_loop3A_158] {strides = array<i32>} : memref<4096xi32, #tpu.memory_space<vmem>>, vector<16xi32>,
        %parallel_loop3A_160 = arith.constant 1 : i32
        %parallel_loop3A_161 = vector.broadcast %parallel_loop3A_160 : i32 to vector<16xi32>
        %parallel_loop3A_162 = arith.cmpi eq, %parallel_loop3A_159, %parallel_loop3A_161 : vector<16xi32>
        %parallel_loop3A_163 = tpu.bitcast %parallel_loop3A_157 : vector<16xf32> -> vector<16xi32>
        %parallel_loop3A_164 = arith.constant 31 : i32
        %parallel_loop3A_165 = vector.broadcast %parallel_loop3A_164 : i32 to vector<16xi32>
        %parallel_loop3A_166 = arith.shrsi %parallel_loop3A_163, %parallel_loop3A_165 : vector<16xi32>
        %parallel_loop3A_167 = arith.constant -2147483648 : i32
        %parallel_loop3A_168 = vector.broadcast %parallel_loop3A_167 : i32 to vector<16xi32>
        %parallel_loop3A_169 = arith.ori %parallel_loop3A_166, %parallel_loop3A_168 : vector<16xi32>
        %parallel_loop3A_170 = arith.xori %parallel_loop3A_163, %parallel_loop3A_169 : vector<16xi32>
        %parallel_loop3A_171 = arith.constant 1 : i32
        %parallel_loop3A_172 = vector.broadcast %parallel_loop3A_171 : i32 to vector<16xi32>
        %parallel_loop3A_173 = arith.subi %parallel_loop3A_159, %parallel_loop3A_172 : vector<16xi32>
        %parallel_loop3A_174 = arith.xori %parallel_loop3A_170, %parallel_loop3A_173 : vector<16xi32>
        %parallel_loop3A_175 = arith.constant 0.000000e+00 : f32
        %parallel_loop3A_176 = vector.broadcast %parallel_loop3A_175 : f32 to vector<16xf32>
        %parallel_loop3A_177 = arith.subf %parallel_loop3A_176, %parallel_loop3A_157 : vector<16xf32>
        %parallel_loop3A_178 = arith.select %parallel_loop3A_162, %parallel_loop3A_157, %parallel_loop3A_177 : vector<16xi1>, vector<16xf32>
        %parallel_loop3A_179 = arith.constant 22 : i32
        %parallel_loop3A_180 = vector.broadcast %parallel_loop3A_179 : i32 to vector<16xi32>
        %parallel_loop3A_181 = arith.shrui %parallel_loop3A_174, %parallel_loop3A_180 : vector<16xi32>
        %parallel_loop3A_182 = arith.select %parallel_loop3A_162, %get3A_49, %get3A_47 : vector<16xi1>, vector<16xi32>
        %parallel_loop3A_183 = arith.subi %parallel_loop3A_181, %parallel_loop3A_182 : vector<16xi32>
        %parallel_loop3A_184 = arith.constant 0 : i32
        %parallel_loop3A_185 = vector.broadcast %parallel_loop3A_184 : i32 to vector<16xi32>
        %parallel_loop3A_186 = arith.cmpi eq, %parallel_loop3A_183, %parallel_loop3A_185 : vector<16xi32>
        %parallel_loop3A_187 = arith.constant 0 : i32
        %parallel_loop3A_188 = vector.broadcast %parallel_loop3A_187 : i32 to vector<16xi32>
        %parallel_loop3A_189 = arith.cmpi slt, %parallel_loop3A_183, %parallel_loop3A_188 : vector<16xi32>
        %parallel_loop3A_190 = arith.constant 12 : i32
        %parallel_loop3A_191 = vector.broadcast %parallel_loop3A_190 : i32 to vector<16xi32>
        %parallel_loop3A_192 = arith.shrui %parallel_loop3A_174, %parallel_loop3A_191 : vector<16xi32>
        %parallel_loop3A_193 = arith.constant 1023 : i32
        %parallel_loop3A_194 = vector.broadcast %parallel_loop3A_193 : i32 to vector<16xi32>
        %parallel_loop3A_195 = arith.andi %parallel_loop3A_192, %parallel_loop3A_194 : vector<16xi32>
        %parallel_loop3A_196 = arith.constant 10 : i32
        %parallel_loop3A_197 = vector.broadcast %parallel_loop3A_196 : i32 to vector<16xi32>
        %parallel_loop3A_198 = arith.shli %parallel_loop3A_159, %parallel_loop3A_197 : vector<16xi32>
        %parallel_loop3A_199 = arith.ori %parallel_loop3A_198, %parallel_loop3A_195 : vector<16xi32>
        %parallel_loop3A_200 = arith.addi %mul3A_52, %parallel_loop3A_199 : vector<16xi32>
        tpu.vector_store_idx %arg14[%parallel_loop3A_200], %broadcast_in_dim3A_57 masked %parallel_loop3A_186 {add = true} : memref<32784xi32, #tpu.memory_space<vmem>>[vector<16xi32>], vector<16xi32>, vector<16xi1>
        tpu.vector_store_idx %arg15[%parallel_loop3A_200], %parallel_loop3A_178 masked %parallel_loop3A_186 {add = true} : memref<32784xf32, #tpu.memory_space<vmem>>[vector<16xi32>], vector<16xf32>, vector<16xi1>
        %parallel_loop3A_201 = arith.addi %mul3A_55, %parallel_loop3A_159 : vector<16xi32>
        tpu.vector_store_idx %arg16[%parallel_loop3A_201], %parallel_loop3A_178 masked %parallel_loop3A_189 {add = true} : memref<48xf32, #tpu.memory_space<vmem>>[vector<16xi32>], vector<16xf32>, vector<16xi1>
      } {sc.loop_unroll_factor = 2 : i64, sc.parallel_access}
      %add3A_130 = arith.constant 2 : i32
      %add3A_131 = arith.addi %add3A_124, %add3A_130 : i32
      %lt3A = arith.constant 32 : i32
      %lt3A_132 = arith.cmpi slt, %add3A_131, %lt3A : i32
      %convert_element_type3A = arith.extui %lt3A_132 : i1 to i32
      %cond3A = arith.constant 0 : i32
      %cond3A_133 = arith.cmpi ne, %convert_element_type3A, %cond3A : i32
      scf.if %cond3A_133 {
        %add3A_153 = arith.constant 2 : i32
        %add3A_154 = arith.addi %add3A_124, %add3A_153 : i32
        %mul3A_155 = arith.constant 4096 : i32
        %mul3A_156 = arith.muli %add3A_154, %mul3A_155 : i32
        %add3A_157 = arith.addi %mul3A_2, %mul3A_156 : i32
        %dma_start3A_158 = tpu.memref_slice %arg2[%add3A_157] : memref<4194304xf32, #tpu.memory_space<hbm>> -> memref<4096xf32, #tpu.memory_space<hbm>>
        %dma_start3A_159 = tpu.memref_slice %arg2[%add3A_157] : memref<4194304xf32, #tpu.memory_space<hbm>> -> memref<4096xf32, #tpu.memory_space<hbm>>
        tpu.enqueue_dma source(%dma_start3A_159 : memref<4096xf32, #tpu.memory_space<hbm>>) target(%arg8 : memref<4096xf32, #tpu.memory_space<vmem>>) target_semaphore(%arg12 : memref<!tpu.dma_semaphore, #tpu.memory_space<semaphore_mem>>)
        %dma_start3A_160 = tpu.memref_slice %arg3[%add3A_157] : memref<4194304xi32, #tpu.memory_space<hbm>> -> memref<4096xi32, #tpu.memory_space<hbm>>
        %dma_start3A_161 = tpu.memref_slice %arg3[%add3A_157] : memref<4194304xi32, #tpu.memory_space<hbm>> -> memref<4096xi32, #tpu.memory_space<hbm>>
        tpu.enqueue_dma source(%dma_start3A_161 : memref<4096xi32, #tpu.memory_space<hbm>>) target(%arg9 : memref<4096xi32, #tpu.memory_space<vmem>>) target_semaphore(%arg12 : memref<!tpu.dma_semaphore, #tpu.memory_space<semaphore_mem>>)
      } else {
      }
      %mul3A_134 = arith.constant 2 : i32
      %mul3A_135 = arith.muli %scan3A_119, %mul3A_134 : i32
      %add3A_136 = arith.constant 1 : i32
      %add3A_137 = arith.addi %mul3A_135, %add3A_136 : i32
      %dma_wait3A_138 = tpu.memref_slice %arg2[%mul3A_2] : memref<4194304xf32, #tpu.memory_space<hbm>> -> memref<4096xf32, #tpu.memory_space<hbm>>
      %dma_wait3A_139 = tpu.memref_slice %arg2[%mul3A_2] : memref<4194304xf32, #tpu.memory_space<hbm>> -> memref<4096xf32, #tpu.memory_space<hbm>>
      tpu.wait_dma2 semaphore(%arg13 : memref<!tpu.dma_semaphore, #tpu.memory_space<semaphore_mem>>) src(%dma_wait3A_139 : memref<4096xf32, #tpu.memory_space<hbm>>) dst(%arg10 : memref<4096xf32, #tpu.memory_space<vmem>>)
      %dma_wait3A_140 = tpu.memref_slice %arg3[%mul3A_2] : memref<4194304xi32, #tpu.memory_space<hbm>> -> memref<4096xi32, #tpu.memory_space<hbm>>
      %dma_wait3A_141 = tpu.memref_slice %arg3[%mul3A_2] : memref<4194304xi32, #tpu.memory_space<hbm>> -> memref<4096xi32, #tpu.memory_space<hbm>>
      tpu.wait_dma2 semaphore(%arg13 : memref<!tpu.dma_semaphore, #tpu.memory_space<semaphore_mem>>) src(%dma_wait3A_141 : memref<4096xi32, #tpu.memory_space<hbm>>) dst(%arg11 : memref<4096xi32, #tpu.memory_space<vmem>>)
      %parallel_loop3A_142 = arith.constant 0 : i32
      %parallel_loop3A_143 = arith.constant 256 : i32
      %parallel_loop3A_144 = arith.constant 1 : i32
      scf.for %parallel_loop3A_153 = %parallel_loop3A_142 to %parallel_loop3A_143 step %parallel_loop3A_144  : i32 {
        %parallel_loop3A_154 = arith.constant 16 : i32
        %parallel_loop3A_155 = arith.muli %parallel_loop3A_153, %parallel_loop3A_154 : i32
        %parallel_loop3A_156 = arith.index_cast %parallel_loop3A_155 : i32 to index
        %parallel_loop3A_157 = tpu.vector_load %arg10[%parallel_loop3A_156] {strides = array<i32>} : memref<4096xf32, #tpu.memory_space<vmem>>, vector<16xf32>,
        %parallel_loop3A_158 = arith.index_cast %parallel_loop3A_155 : i32 to index
        %parallel_loop3A_159 = tpu.vector_load %arg11[%parallel_loop3A_158] {strides = array<i32>} : memref<4096xi32, #tpu.memory_space<vmem>>, vector<16xi32>,
        %parallel_loop3A_160 = arith.constant 1 : i32
        %parallel_loop3A_161 = vector.broadcast %parallel_loop3A_160 : i32 to vector<16xi32>
        %parallel_loop3A_162 = arith.cmpi eq, %parallel_loop3A_159, %parallel_loop3A_161 : vector<16xi32>
        %parallel_loop3A_163 = tpu.bitcast %parallel_loop3A_157 : vector<16xf32> -> vector<16xi32>
        %parallel_loop3A_164 = arith.constant 31 : i32
        %parallel_loop3A_165 = vector.broadcast %parallel_loop3A_164 : i32 to vector<16xi32>
        %parallel_loop3A_166 = arith.shrsi %parallel_loop3A_163, %parallel_loop3A_165 : vector<16xi32>
        %parallel_loop3A_167 = arith.constant -2147483648 : i32
        %parallel_loop3A_168 = vector.broadcast %parallel_loop3A_167 : i32 to vector<16xi32>
        %parallel_loop3A_169 = arith.ori %parallel_loop3A_166, %parallel_loop3A_168 : vector<16xi32>
        %parallel_loop3A_170 = arith.xori %parallel_loop3A_163, %parallel_loop3A_169 : vector<16xi32>
        %parallel_loop3A_171 = arith.constant 1 : i32
        %parallel_loop3A_172 = vector.broadcast %parallel_loop3A_171 : i32 to vector<16xi32>
        %parallel_loop3A_173 = arith.subi %parallel_loop3A_159, %parallel_loop3A_172 : vector<16xi32>
        %parallel_loop3A_174 = arith.xori %parallel_loop3A_170, %parallel_loop3A_173 : vector<16xi32>
        %parallel_loop3A_175 = arith.constant 0.000000e+00 : f32
        %parallel_loop3A_176 = vector.broadcast %parallel_loop3A_175 : f32 to vector<16xf32>
        %parallel_loop3A_177 = arith.subf %parallel_loop3A_176, %parallel_loop3A_157 : vector<16xf32>
        %parallel_loop3A_178 = arith.select %parallel_loop3A_162, %parallel_loop3A_157, %parallel_loop3A_177 : vector<16xi1>, vector<16xf32>
        %parallel_loop3A_179 = arith.constant 22 : i32
        %parallel_loop3A_180 = vector.broadcast %parallel_loop3A_179 : i32 to vector<16xi32>
        %parallel_loop3A_181 = arith.shrui %parallel_loop3A_174, %parallel_loop3A_180 : vector<16xi32>
        %parallel_loop3A_182 = arith.select %parallel_loop3A_162, %get3A_49, %get3A_47 : vector<16xi1>, vector<16xi32>
        %parallel_loop3A_183 = arith.subi %parallel_loop3A_181, %parallel_loop3A_182 : vector<16xi32>
        %parallel_loop3A_184 = arith.constant 0 : i32
        %parallel_loop3A_185 = vector.broadcast %parallel_loop3A_184 : i32 to vector<16xi32>
        %parallel_loop3A_186 = arith.cmpi eq, %parallel_loop3A_183, %parallel_loop3A_185 : vector<16xi32>
        %parallel_loop3A_187 = arith.constant 0 : i32
        %parallel_loop3A_188 = vector.broadcast %parallel_loop3A_187 : i32 to vector<16xi32>
        %parallel_loop3A_189 = arith.cmpi slt, %parallel_loop3A_183, %parallel_loop3A_188 : vector<16xi32>
        %parallel_loop3A_190 = arith.constant 12 : i32
        %parallel_loop3A_191 = vector.broadcast %parallel_loop3A_190 : i32 to vector<16xi32>
        %parallel_loop3A_192 = arith.shrui %parallel_loop3A_174, %parallel_loop3A_191 : vector<16xi32>
        %parallel_loop3A_193 = arith.constant 1023 : i32
        %parallel_loop3A_194 = vector.broadcast %parallel_loop3A_193 : i32 to vector<16xi32>
        %parallel_loop3A_195 = arith.andi %parallel_loop3A_192, %parallel_loop3A_194 : vector<16xi32>
        %parallel_loop3A_196 = arith.constant 10 : i32
        %parallel_loop3A_197 = vector.broadcast %parallel_loop3A_196 : i32 to vector<16xi32>
        %parallel_loop3A_198 = arith.shli %parallel_loop3A_159, %parallel_loop3A_197 : vector<16xi32>
        %parallel_loop3A_199 = arith.ori %parallel_loop3A_198, %parallel_loop3A_195 : vector<16xi32>
        %parallel_loop3A_200 = arith.addi %mul3A_52, %parallel_loop3A_199 : vector<16xi32>
        tpu.vector_store_idx %arg14[%parallel_loop3A_200], %broadcast_in_dim3A_57 masked %parallel_loop3A_186 {add = true} : memref<32784xi32, #tpu.memory_space<vmem>>[vector<16xi32>], vector<16xi32>, vector<16xi1>
        tpu.vector_store_idx %arg15[%parallel_loop3A_200], %parallel_loop3A_178 masked %parallel_loop3A_186 {add = true} : memref<32784xf32, #tpu.memory_space<vmem>>[vector<16xi32>], vector<16xf32>, vector<16xi1>
        %parallel_loop3A_201 = arith.addi %mul3A_55, %parallel_loop3A_159 : vector<16xi32>
        tpu.vector_store_idx %arg16[%parallel_loop3A_201], %parallel_loop3A_178 masked %parallel_loop3A_189 {add = true} : memref<48xf32, #tpu.memory_space<vmem>>[vector<16xi32>], vector<16xf32>, vector<16xi1>
      } {sc.loop_unroll_factor = 2 : i64, sc.parallel_access}
      %add3A_145 = arith.constant 2 : i32
      %add3A_146 = arith.addi %add3A_137, %add3A_145 : i32
      %lt3A_147 = arith.constant 32 : i32
      %lt3A_148 = arith.cmpi slt, %add3A_146, %lt3A_147 : i32
      %convert_element_type3A_149 = arith.extui %lt3A_148 : i1 to i32
      %cond3A_150 = arith.constant 0 : i32
      %cond3A_151 = arith.cmpi ne, %convert_element_type3A_149, %cond3A_150 : i32
      scf.if %cond3A_151 {
        %add3A_153 = arith.constant 2 : i32
        %add3A_154 = arith.addi %add3A_137, %add3A_153 : i32
        %mul3A_155 = arith.constant 4096 : i32
        %mul3A_156 = arith.muli %add3A_154, %mul3A_155 : i32
        %add3A_157 = arith.addi %mul3A_2, %mul3A_156 : i32
        %dma_start3A_158 = tpu.memref_slice %arg2[%add3A_157] : memref<4194304xf32, #tpu.memory_space<hbm>> -> memref<4096xf32, #tpu.memory_space<hbm>>
        %dma_start3A_159 = tpu.memref_slice %arg2[%add3A_157] : memref<4194304xf32, #tpu.memory_space<hbm>> -> memref<4096xf32, #tpu.memory_space<hbm>>
        tpu.enqueue_dma source(%dma_start3A_159 : memref<4096xf32, #tpu.memory_space<hbm>>) target(%arg10 : memref<4096xf32, #tpu.memory_space<vmem>>) target_semaphore(%arg13 : memref<!tpu.dma_semaphore, #tpu.memory_space<semaphore_mem>>)
        %dma_start3A_160 = tpu.memref_slice %arg3[%add3A_157] : memref<4194304xi32, #tpu.memory_space<hbm>> -> memref<4096xi32, #tpu.memory_space<hbm>>
        %dma_start3A_161 = tpu.memref_slice %arg3[%add3A_157] : memref<4194304xi32, #tpu.memory_space<hbm>> -> memref<4096xi32, #tpu.memory_space<hbm>>
        tpu.enqueue_dma source(%dma_start3A_161 : memref<4096xi32, #tpu.memory_space<hbm>>) target(%arg11 : memref<4096xi32, #tpu.memory_space<vmem>>) target_semaphore(%arg13 : memref<!tpu.dma_semaphore, #tpu.memory_space<semaphore_mem>>)
      } else {
      }
      %scan3A_152 = arith.constant 0 : i32
      scf.yield %scan3A_152 : i32
    }
    %scan3A_75 = arith.constant 16 : i32
    %scan3A_76 = arith.constant 0 : i32
    %scan3A_77 = arith.constant 0 : i32
    %scan3A_78 = arith.constant 64 : i32
    %scan3A_79 = arith.addi %scan3A_77, %scan3A_78 : i32
    %scan3A_80 = arith.constant 1 : i32
    %scan3A_81 = scf.for %scan3A_119 = %scan3A_77 to %scan3A_79 step %scan3A_80 iter_args(%scan3A_120 = %scan3A_76) -> (i32)  : i32 {
      %mul3A_121 = arith.constant 16 : i32
      %mul3A_122 = arith.muli %scan3A_119, %mul3A_121 : i32
      %add3A_123 = arith.constant 0 : i32
      %add3A_124 = arith.addi %add3A_123, %mul3A_122 : i32
      %broadcast_in_dim3A_125 = arith.constant 0 : i32
      %broadcast_in_dim3A_126 = vector.broadcast %broadcast_in_dim3A_125 : i32 to vector<16xi32>
      %add3A_127 = arith.constant 0 : i32
      %add3A_128 = arith.addi %add3A_127, %add3A_124 : i32
      %get3A_129 = arith.index_cast %add3A_128 : i32 to index
      %get3A_130 = tpu.vector_load %arg14[%get3A_129] {strides = array<i32>} : memref<32784xi32, #tpu.memory_space<vmem>>, vector<16xi32>,
      %add3A_131 = arith.addi %broadcast_in_dim3A_126, %get3A_130 : vector<16xi32>
      %add3A_132 = arith.constant 2049 : i32
      %add3A_133 = arith.addi %add3A_132, %add3A_124 : i32
      %get3A_134 = arith.index_cast %add3A_133 : i32 to index
      %get3A_135 = tpu.vector_load %arg14[%get3A_134] {strides = array<i32>} : memref<32784xi32, #tpu.memory_space<vmem>>, vector<16xi32>,
      %add3A_136 = arith.addi %add3A_131, %get3A_135 : vector<16xi32>
      %add3A_137 = arith.constant 4098 : i32
      %add3A_138 = arith.addi %add3A_137, %add3A_124 : i32
      %get3A_139 = arith.index_cast %add3A_138 : i32 to index
      %get3A_140 = tpu.vector_load %arg14[%get3A_139] {strides = array<i32>} : memref<32784xi32, #tpu.memory_space<vmem>>, vector<16xi32>,
      %add3A_141 = arith.addi %add3A_136, %get3A_140 : vector<16xi32>
      %add3A_142 = arith.constant 6147 : i32
      %add3A_143 = arith.addi %add3A_142, %add3A_124 : i32
      %get3A_144 = arith.index_cast %add3A_143 : i32 to index
      %get3A_145 = tpu.vector_load %arg14[%get3A_144] {strides = array<i32>} : memref<32784xi32, #tpu.memory_space<vmem>>, vector<16xi32>,
      %add3A_146 = arith.addi %add3A_141, %get3A_145 : vector<16xi32>
      %add3A_147 = arith.constant 8196 : i32
      %add3A_148 = arith.addi %add3A_147, %add3A_124 : i32
      %get3A_149 = arith.index_cast %add3A_148 : i32 to index
      %get3A_150 = tpu.vector_load %arg14[%get3A_149] {strides = array<i32>} : memref<32784xi32, #tpu.memory_space<vmem>>, vector<16xi32>,
      %add3A_151 = arith.addi %add3A_146, %get3A_150 : vector<16xi32>
      %add3A_152 = arith.constant 10245 : i32
      %add3A_153 = arith.addi %add3A_152, %add3A_124 : i32
      %get3A_154 = arith.index_cast %add3A_153 : i32 to index
      %get3A_155 = tpu.vector_load %arg14[%get3A_154] {strides = array<i32>} : memref<32784xi32, #tpu.memory_space<vmem>>, vector<16xi32>,
      %add3A_156 = arith.addi %add3A_151, %get3A_155 : vector<16xi32>
      %add3A_157 = arith.constant 12294 : i32
      %add3A_158 = arith.addi %add3A_157, %add3A_124 : i32
      %get3A_159 = arith.index_cast %add3A_158 : i32 to index
      %get3A_160 = tpu.vector_load %arg14[%get3A_159] {strides = array<i32>} : memref<32784xi32, #tpu.memory_space<vmem>>, vector<16xi32>,
      %add3A_161 = arith.addi %add3A_156, %get3A_160 : vector<16xi32>
      %add3A_162 = arith.constant 14343 : i32
      %add3A_163 = arith.addi %add3A_162, %add3A_124 : i32
      %get3A_164 = arith.index_cast %add3A_163 : i32 to index
      %get3A_165 = tpu.vector_load %arg14[%get3A_164] {strides = array<i32>} : memref<32784xi32, #tpu.memory_space<vmem>>, vector<16xi32>,
      %add3A_166 = arith.addi %add3A_161, %get3A_165 : vector<16xi32>
      %add3A_167 = arith.constant 16392 : i32
      %add3A_168 = arith.addi %add3A_167, %add3A_124 : i32
      %get3A_169 = arith.index_cast %add3A_168 : i32 to index
      %get3A_170 = tpu.vector_load %arg14[%get3A_169] {strides = array<i32>} : memref<32784xi32, #tpu.memory_space<vmem>>, vector<16xi32>,
      %add3A_171 = arith.addi %add3A_166, %get3A_170 : vector<16xi32>
      %add3A_172 = arith.constant 18441 : i32
      %add3A_173 = arith.addi %add3A_172, %add3A_124 : i32
      %get3A_174 = arith.index_cast %add3A_173 : i32 to index
      %get3A_175 = tpu.vector_load %arg14[%get3A_174] {strides = array<i32>} : memref<32784xi32, #tpu.memory_space<vmem>>, vector<16xi32>,
      %add3A_176 = arith.addi %add3A_171, %get3A_175 : vector<16xi32>
      %add3A_177 = arith.constant 20490 : i32
      %add3A_178 = arith.addi %add3A_177, %add3A_124 : i32
      %get3A_179 = arith.index_cast %add3A_178 : i32 to index
      %get3A_180 = tpu.vector_load %arg14[%get3A_179] {strides = array<i32>} : memref<32784xi32, #tpu.memory_space<vmem>>, vector<16xi32>,
      %add3A_181 = arith.addi %add3A_176, %get3A_180 : vector<16xi32>
      %add3A_182 = arith.constant 22539 : i32
      %add3A_183 = arith.addi %add3A_182, %add3A_124 : i32
      %get3A_184 = arith.index_cast %add3A_183 : i32 to index
      %get3A_185 = tpu.vector_load %arg14[%get3A_184] {strides = array<i32>} : memref<32784xi32, #tpu.memory_space<vmem>>, vector<16xi32>,
      %add3A_186 = arith.addi %add3A_181, %get3A_185 : vector<16xi32>
      %add3A_187 = arith.constant 24588 : i32
      %add3A_188 = arith.addi %add3A_187, %add3A_124 : i32
      %get3A_189 = arith.index_cast %add3A_188 : i32 to index
      %get3A_190 = tpu.vector_load %arg14[%get3A_189] {strides = array<i32>} : memref<32784xi32, #tpu.memory_space<vmem>>, vector<16xi32>,
      %add3A_191 = arith.addi %add3A_186, %get3A_190 : vector<16xi32>
      %add3A_192 = arith.constant 26637 : i32
      %add3A_193 = arith.addi %add3A_192, %add3A_124 : i32
      %get3A_194 = arith.index_cast %add3A_193 : i32 to index
      %get3A_195 = tpu.vector_load %arg14[%get3A_194] {strides = array<i32>} : memref<32784xi32, #tpu.memory_space<vmem>>, vector<16xi32>,
      %add3A_196 = arith.addi %add3A_191, %get3A_195 : vector<16xi32>
      %add3A_197 = arith.constant 28686 : i32
      %add3A_198 = arith.addi %add3A_197, %add3A_124 : i32
      %get3A_199 = arith.index_cast %add3A_198 : i32 to index
      %get3A_200 = tpu.vector_load %arg14[%get3A_199] {strides = array<i32>} : memref<32784xi32, #tpu.memory_space<vmem>>, vector<16xi32>,
      %add3A_201 = arith.addi %add3A_196, %get3A_200 : vector<16xi32>
      %add3A_202 = arith.constant 30735 : i32
      %add3A_203 = arith.addi %add3A_202, %add3A_124 : i32
      %get3A_204 = arith.index_cast %add3A_203 : i32 to index
      %get3A_205 = tpu.vector_load %arg14[%get3A_204] {strides = array<i32>} : memref<32784xi32, #tpu.memory_space<vmem>>, vector<16xi32>,
      %add3A_206 = arith.addi %add3A_201, %get3A_205 : vector<16xi32>
      %mul3A_207 = arith.constant 16 : i32
      %mul3A_208 = arith.muli %scan3A_119, %mul3A_207 : i32
      %swap3A_209 = arith.constant 0 : i32
      %swap3A_210 = arith.index_cast %swap3A_209 : i32 to index
      %swap3A_211 = arith.index_cast %mul3A_208 : i32 to index
      %swap3A_212 = tpu.vector_load %arg17[%swap3A_210, %swap3A_211] {strides = array<i32>} : memref<2x1024xi32, #tpu.memory_space<vmem>>, vector<16xi32>,
      tpu.vector_store %arg17[%swap3A_210, %swap3A_211], %add3A_206 {strides = array<i32>} : memref<2x1024xi32, #tpu.memory_space<vmem>>, vector<16xi32>,
      %scan3A_213 = arith.constant 0 : i32
      scf.yield %scan3A_213 : i32
    }
    %scan3A_82 = arith.constant 64 : i32
    %scan3A_83 = arith.constant 0 : i32
    %scan3A_84 = arith.constant 0 : i32
    %scan3A_85 = arith.constant 64 : i32
    %scan3A_86 = arith.addi %scan3A_84, %scan3A_85 : i32
    %scan3A_87 = arith.constant 1 : i32
    %scan3A_88 = scf.for %scan3A_119 = %scan3A_84 to %scan3A_86 step %scan3A_87 iter_args(%scan3A_120 = %scan3A_83) -> (i32)  : i32 {
      %mul3A_121 = arith.constant 16 : i32
      %mul3A_122 = arith.muli %scan3A_119, %mul3A_121 : i32
      %add3A_123 = arith.constant 1024 : i32
      %add3A_124 = arith.addi %add3A_123, %mul3A_122 : i32
      %broadcast_in_dim3A_125 = arith.constant 0 : i32
      %broadcast_in_dim3A_126 = vector.broadcast %broadcast_in_dim3A_125 : i32 to vector<16xi32>
      %add3A_127 = arith.constant 0 : i32
      %add3A_128 = arith.addi %add3A_127, %add3A_124 : i32
      %get3A_129 = arith.index_cast %add3A_128 : i32 to index
      %get3A_130 = tpu.vector_load %arg14[%get3A_129] {strides = array<i32>} : memref<32784xi32, #tpu.memory_space<vmem>>, vector<16xi32>,
      %add3A_131 = arith.addi %broadcast_in_dim3A_126, %get3A_130 : vector<16xi32>
      %add3A_132 = arith.constant 2049 : i32
      %add3A_133 = arith.addi %add3A_132, %add3A_124 : i32
      %get3A_134 = arith.index_cast %add3A_133 : i32 to index
      %get3A_135 = tpu.vector_load %arg14[%get3A_134] {strides = array<i32>} : memref<32784xi32, #tpu.memory_space<vmem>>, vector<16xi32>,
      %add3A_136 = arith.addi %add3A_131, %get3A_135 : vector<16xi32>
      %add3A_137 = arith.constant 4098 : i32
      %add3A_138 = arith.addi %add3A_137, %add3A_124 : i32
      %get3A_139 = arith.index_cast %add3A_138 : i32 to index
      %get3A_140 = tpu.vector_load %arg14[%get3A_139] {strides = array<i32>} : memref<32784xi32, #tpu.memory_space<vmem>>, vector<16xi32>,
      %add3A_141 = arith.addi %add3A_136, %get3A_140 : vector<16xi32>
      %add3A_142 = arith.constant 6147 : i32
      %add3A_143 = arith.addi %add3A_142, %add3A_124 : i32
      %get3A_144 = arith.index_cast %add3A_143 : i32 to index
      %get3A_145 = tpu.vector_load %arg14[%get3A_144] {strides = array<i32>} : memref<32784xi32, #tpu.memory_space<vmem>>, vector<16xi32>,
      %add3A_146 = arith.addi %add3A_141, %get3A_145 : vector<16xi32>
      %add3A_147 = arith.constant 8196 : i32
      %add3A_148 = arith.addi %add3A_147, %add3A_124 : i32
      %get3A_149 = arith.index_cast %add3A_148 : i32 to index
      %get3A_150 = tpu.vector_load %arg14[%get3A_149] {strides = array<i32>} : memref<32784xi32, #tpu.memory_space<vmem>>, vector<16xi32>,
      %add3A_151 = arith.addi %add3A_146, %get3A_150 : vector<16xi32>
      %add3A_152 = arith.constant 10245 : i32
      %add3A_153 = arith.addi %add3A_152, %add3A_124 : i32
      %get3A_154 = arith.index_cast %add3A_153 : i32 to index
      %get3A_155 = tpu.vector_load %arg14[%get3A_154] {strides = array<i32>} : memref<32784xi32, #tpu.memory_space<vmem>>, vector<16xi32>,
      %add3A_156 = arith.addi %add3A_151, %get3A_155 : vector<16xi32>
      %add3A_157 = arith.constant 12294 : i32
      %add3A_158 = arith.addi %add3A_157, %add3A_124 : i32
      %get3A_159 = arith.index_cast %add3A_158 : i32 to index
      %get3A_160 = tpu.vector_load %arg14[%get3A_159] {strides = array<i32>} : memref<32784xi32, #tpu.memory_space<vmem>>, vector<16xi32>,
      %add3A_161 = arith.addi %add3A_156, %get3A_160 : vector<16xi32>
      %add3A_162 = arith.constant 14343 : i32
      %add3A_163 = arith.addi %add3A_162, %add3A_124 : i32
      %get3A_164 = arith.index_cast %add3A_163 : i32 to index
      %get3A_165 = tpu.vector_load %arg14[%get3A_164] {strides = array<i32>} : memref<32784xi32, #tpu.memory_space<vmem>>, vector<16xi32>,
      %add3A_166 = arith.addi %add3A_161, %get3A_165 : vector<16xi32>
      %add3A_167 = arith.constant 16392 : i32
      %add3A_168 = arith.addi %add3A_167, %add3A_124 : i32
      %get3A_169 = arith.index_cast %add3A_168 : i32 to index
      %get3A_170 = tpu.vector_load %arg14[%get3A_169] {strides = array<i32>} : memref<32784xi32, #tpu.memory_space<vmem>>, vector<16xi32>,
      %add3A_171 = arith.addi %add3A_166, %get3A_170 : vector<16xi32>
      %add3A_172 = arith.constant 18441 : i32
      %add3A_173 = arith.addi %add3A_172, %add3A_124 : i32
      %get3A_174 = arith.index_cast %add3A_173 : i32 to index
      %get3A_175 = tpu.vector_load %arg14[%get3A_174] {strides = array<i32>} : memref<32784xi32, #tpu.memory_space<vmem>>, vector<16xi32>,
      %add3A_176 = arith.addi %add3A_171, %get3A_175 : vector<16xi32>
      %add3A_177 = arith.constant 20490 : i32
      %add3A_178 = arith.addi %add3A_177, %add3A_124 : i32
      %get3A_179 = arith.index_cast %add3A_178 : i32 to index
      %get3A_180 = tpu.vector_load %arg14[%get3A_179] {strides = array<i32>} : memref<32784xi32, #tpu.memory_space<vmem>>, vector<16xi32>,
      %add3A_181 = arith.addi %add3A_176, %get3A_180 : vector<16xi32>
      %add3A_182 = arith.constant 22539 : i32
      %add3A_183 = arith.addi %add3A_182, %add3A_124 : i32
      %get3A_184 = arith.index_cast %add3A_183 : i32 to index
      %get3A_185 = tpu.vector_load %arg14[%get3A_184] {strides = array<i32>} : memref<32784xi32, #tpu.memory_space<vmem>>, vector<16xi32>,
      %add3A_186 = arith.addi %add3A_181, %get3A_185 : vector<16xi32>
      %add3A_187 = arith.constant 24588 : i32
      %add3A_188 = arith.addi %add3A_187, %add3A_124 : i32
      %get3A_189 = arith.index_cast %add3A_188 : i32 to index
      %get3A_190 = tpu.vector_load %arg14[%get3A_189] {strides = array<i32>} : memref<32784xi32, #tpu.memory_space<vmem>>, vector<16xi32>,
      %add3A_191 = arith.addi %add3A_186, %get3A_190 : vector<16xi32>
      %add3A_192 = arith.constant 26637 : i32
      %add3A_193 = arith.addi %add3A_192, %add3A_124 : i32
      %get3A_194 = arith.index_cast %add3A_193 : i32 to index
      %get3A_195 = tpu.vector_load %arg14[%get3A_194] {strides = array<i32>} : memref<32784xi32, #tpu.memory_space<vmem>>, vector<16xi32>,
      %add3A_196 = arith.addi %add3A_191, %get3A_195 : vector<16xi32>
      %add3A_197 = arith.constant 28686 : i32
      %add3A_198 = arith.addi %add3A_197, %add3A_124 : i32
      %get3A_199 = arith.index_cast %add3A_198 : i32 to index
      %get3A_200 = tpu.vector_load %arg14[%get3A_199] {strides = array<i32>} : memref<32784xi32, #tpu.memory_space<vmem>>, vector<16xi32>,
      %add3A_201 = arith.addi %add3A_196, %get3A_200 : vector<16xi32>
      %add3A_202 = arith.constant 30735 : i32
      %add3A_203 = arith.addi %add3A_202, %add3A_124 : i32
      %get3A_204 = arith.index_cast %add3A_203 : i32 to index
      %get3A_205 = tpu.vector_load %arg14[%get3A_204] {strides = array<i32>} : memref<32784xi32, #tpu.memory_space<vmem>>, vector<16xi32>,
      %add3A_206 = arith.addi %add3A_201, %get3A_205 : vector<16xi32>
      %mul3A_207 = arith.constant 16 : i32
      %mul3A_208 = arith.muli %scan3A_119, %mul3A_207 : i32
      %swap3A_209 = arith.constant 1 : i32
      %swap3A_210 = arith.index_cast %swap3A_209 : i32 to index
      %swap3A_211 = arith.index_cast %mul3A_208 : i32 to index
      %swap3A_212 = tpu.vector_load %arg17[%swap3A_210, %swap3A_211] {strides = array<i32>} : memref<2x1024xi32, #tpu.memory_space<vmem>>, vector<16xi32>,
      tpu.vector_store %arg17[%swap3A_210, %swap3A_211], %add3A_206 {strides = array<i32>} : memref<2x1024xi32, #tpu.memory_space<vmem>>, vector<16xi32>,
      %scan3A_213 = arith.constant 0 : i32
      scf.yield %scan3A_213 : i32
    }
    %scan3A_89 = arith.constant 64 : i32
    %scan3A_90 = arith.constant 0 : i32
    %scan3A_91 = arith.constant 0 : i32
    %scan3A_92 = arith.constant 64 : i32
    %scan3A_93 = arith.addi %scan3A_91, %scan3A_92 : i32
    %scan3A_94 = arith.constant 1 : i32
    %scan3A_95 = scf.for %scan3A_119 = %scan3A_91 to %scan3A_93 step %scan3A_94 iter_args(%scan3A_120 = %scan3A_90) -> (i32)  : i32 {
      %mul3A_121 = arith.constant 16 : i32
      %mul3A_122 = arith.muli %scan3A_119, %mul3A_121 : i32
      %add3A_123 = arith.constant 0 : i32
      %add3A_124 = arith.addi %add3A_123, %mul3A_122 : i32
      %broadcast_in_dim3A_125 = arith.constant 0.000000e+00 : f32
      %broadcast_in_dim3A_126 = vector.broadcast %broadcast_in_dim3A_125 : f32 to vector<16xf32>
      %add3A_127 = arith.constant 0 : i32
      %add3A_128 = arith.addi %add3A_127, %add3A_124 : i32
      %get3A_129 = arith.index_cast %add3A_128 : i32 to index
      %get3A_130 = tpu.vector_load %arg15[%get3A_129] {strides = array<i32>} : memref<32784xf32, #tpu.memory_space<vmem>>, vector<16xf32>,
      %add3A_131 = arith.addf %broadcast_in_dim3A_126, %get3A_130 : vector<16xf32>
      %add3A_132 = arith.constant 2049 : i32
      %add3A_133 = arith.addi %add3A_132, %add3A_124 : i32
      %get3A_134 = arith.index_cast %add3A_133 : i32 to index
      %get3A_135 = tpu.vector_load %arg15[%get3A_134] {strides = array<i32>} : memref<32784xf32, #tpu.memory_space<vmem>>, vector<16xf32>,
      %add3A_136 = arith.addf %add3A_131, %get3A_135 : vector<16xf32>
      %add3A_137 = arith.constant 4098 : i32
      %add3A_138 = arith.addi %add3A_137, %add3A_124 : i32
      %get3A_139 = arith.index_cast %add3A_138 : i32 to index
      %get3A_140 = tpu.vector_load %arg15[%get3A_139] {strides = array<i32>} : memref<32784xf32, #tpu.memory_space<vmem>>, vector<16xf32>,
      %add3A_141 = arith.addf %add3A_136, %get3A_140 : vector<16xf32>
      %add3A_142 = arith.constant 6147 : i32
      %add3A_143 = arith.addi %add3A_142, %add3A_124 : i32
      %get3A_144 = arith.index_cast %add3A_143 : i32 to index
      %get3A_145 = tpu.vector_load %arg15[%get3A_144] {strides = array<i32>} : memref<32784xf32, #tpu.memory_space<vmem>>, vector<16xf32>,
      %add3A_146 = arith.addf %add3A_141, %get3A_145 : vector<16xf32>
      %add3A_147 = arith.constant 8196 : i32
      %add3A_148 = arith.addi %add3A_147, %add3A_124 : i32
      %get3A_149 = arith.index_cast %add3A_148 : i32 to index
      %get3A_150 = tpu.vector_load %arg15[%get3A_149] {strides = array<i32>} : memref<32784xf32, #tpu.memory_space<vmem>>, vector<16xf32>,
      %add3A_151 = arith.addf %add3A_146, %get3A_150 : vector<16xf32>
      %add3A_152 = arith.constant 10245 : i32
      %add3A_153 = arith.addi %add3A_152, %add3A_124 : i32
      %get3A_154 = arith.index_cast %add3A_153 : i32 to index
      %get3A_155 = tpu.vector_load %arg15[%get3A_154] {strides = array<i32>} : memref<32784xf32, #tpu.memory_space<vmem>>, vector<16xf32>,
      %add3A_156 = arith.addf %add3A_151, %get3A_155 : vector<16xf32>
      %add3A_157 = arith.constant 12294 : i32
      %add3A_158 = arith.addi %add3A_157, %add3A_124 : i32
      %get3A_159 = arith.index_cast %add3A_158 : i32 to index
      %get3A_160 = tpu.vector_load %arg15[%get3A_159] {strides = array<i32>} : memref<32784xf32, #tpu.memory_space<vmem>>, vector<16xf32>,
      %add3A_161 = arith.addf %add3A_156, %get3A_160 : vector<16xf32>
      %add3A_162 = arith.constant 14343 : i32
      %add3A_163 = arith.addi %add3A_162, %add3A_124 : i32
      %get3A_164 = arith.index_cast %add3A_163 : i32 to index
      %get3A_165 = tpu.vector_load %arg15[%get3A_164] {strides = array<i32>} : memref<32784xf32, #tpu.memory_space<vmem>>, vector<16xf32>,
      %add3A_166 = arith.addf %add3A_161, %get3A_165 : vector<16xf32>
      %add3A_167 = arith.constant 16392 : i32
      %add3A_168 = arith.addi %add3A_167, %add3A_124 : i32
      %get3A_169 = arith.index_cast %add3A_168 : i32 to index
      %get3A_170 = tpu.vector_load %arg15[%get3A_169] {strides = array<i32>} : memref<32784xf32, #tpu.memory_space<vmem>>, vector<16xf32>,
      %add3A_171 = arith.addf %add3A_166, %get3A_170 : vector<16xf32>
      %add3A_172 = arith.constant 18441 : i32
      %add3A_173 = arith.addi %add3A_172, %add3A_124 : i32
      %get3A_174 = arith.index_cast %add3A_173 : i32 to index
      %get3A_175 = tpu.vector_load %arg15[%get3A_174] {strides = array<i32>} : memref<32784xf32, #tpu.memory_space<vmem>>, vector<16xf32>,
      %add3A_176 = arith.addf %add3A_171, %get3A_175 : vector<16xf32>
      %add3A_177 = arith.constant 20490 : i32
      %add3A_178 = arith.addi %add3A_177, %add3A_124 : i32
      %get3A_179 = arith.index_cast %add3A_178 : i32 to index
      %get3A_180 = tpu.vector_load %arg15[%get3A_179] {strides = array<i32>} : memref<32784xf32, #tpu.memory_space<vmem>>, vector<16xf32>,
      %add3A_181 = arith.addf %add3A_176, %get3A_180 : vector<16xf32>
      %add3A_182 = arith.constant 22539 : i32
      %add3A_183 = arith.addi %add3A_182, %add3A_124 : i32
      %get3A_184 = arith.index_cast %add3A_183 : i32 to index
      %get3A_185 = tpu.vector_load %arg15[%get3A_184] {strides = array<i32>} : memref<32784xf32, #tpu.memory_space<vmem>>, vector<16xf32>,
      %add3A_186 = arith.addf %add3A_181, %get3A_185 : vector<16xf32>
      %add3A_187 = arith.constant 24588 : i32
      %add3A_188 = arith.addi %add3A_187, %add3A_124 : i32
      %get3A_189 = arith.index_cast %add3A_188 : i32 to index
      %get3A_190 = tpu.vector_load %arg15[%get3A_189] {strides = array<i32>} : memref<32784xf32, #tpu.memory_space<vmem>>, vector<16xf32>,
      %add3A_191 = arith.addf %add3A_186, %get3A_190 : vector<16xf32>
      %add3A_192 = arith.constant 26637 : i32
      %add3A_193 = arith.addi %add3A_192, %add3A_124 : i32
      %get3A_194 = arith.index_cast %add3A_193 : i32 to index
      %get3A_195 = tpu.vector_load %arg15[%get3A_194] {strides = array<i32>} : memref<32784xf32, #tpu.memory_space<vmem>>, vector<16xf32>,
      %add3A_196 = arith.addf %add3A_191, %get3A_195 : vector<16xf32>
      %add3A_197 = arith.constant 28686 : i32
      %add3A_198 = arith.addi %add3A_197, %add3A_124 : i32
      %get3A_199 = arith.index_cast %add3A_198 : i32 to index
      %get3A_200 = tpu.vector_load %arg15[%get3A_199] {strides = array<i32>} : memref<32784xf32, #tpu.memory_space<vmem>>, vector<16xf32>,
      %add3A_201 = arith.addf %add3A_196, %get3A_200 : vector<16xf32>
      %add3A_202 = arith.constant 30735 : i32
      %add3A_203 = arith.addi %add3A_202, %add3A_124 : i32
      %get3A_204 = arith.index_cast %add3A_203 : i32 to index
      %get3A_205 = tpu.vector_load %arg15[%get3A_204] {strides = array<i32>} : memref<32784xf32, #tpu.memory_space<vmem>>, vector<16xf32>,
      %add3A_206 = arith.addf %add3A_201, %get3A_205 : vector<16xf32>
      %mul3A_207 = arith.constant 16 : i32
      %mul3A_208 = arith.muli %scan3A_119, %mul3A_207 : i32
      %swap3A_209 = arith.constant 0 : i32
      %swap3A_210 = arith.index_cast %swap3A_209 : i32 to index
      %swap3A_211 = arith.index_cast %mul3A_208 : i32 to index
      %swap3A_212 = tpu.vector_load %arg18[%swap3A_210, %swap3A_211] {strides = array<i32>} : memref<2x1024xf32, #tpu.memory_space<vmem>>, vector<16xf32>,
      tpu.vector_store %arg18[%swap3A_210, %swap3A_211], %add3A_206 {strides = array<i32>} : memref<2x1024xf32, #tpu.memory_space<vmem>>, vector<16xf32>,
      %scan3A_213 = arith.constant 0 : i32
      scf.yield %scan3A_213 : i32
    }
    %scan3A_96 = arith.constant 64 : i32
    %scan3A_97 = arith.constant 0 : i32
    %scan3A_98 = arith.constant 0 : i32
    %scan3A_99 = arith.constant 64 : i32
    %scan3A_100 = arith.addi %scan3A_98, %scan3A_99 : i32
    %scan3A_101 = arith.constant 1 : i32
    %scan3A_102 = scf.for %scan3A_119 = %scan3A_98 to %scan3A_100 step %scan3A_101 iter_args(%scan3A_120 = %scan3A_97) -> (i32)  : i32 {
      %mul3A_121 = arith.constant 16 : i32
      %mul3A_122 = arith.muli %scan3A_119, %mul3A_121 : i32
      %add3A_123 = arith.constant 1024 : i32
      %add3A_124 = arith.addi %add3A_123, %mul3A_122 : i32
      %broadcast_in_dim3A_125 = arith.constant 0.000000e+00 : f32
      %broadcast_in_dim3A_126 = vector.broadcast %broadcast_in_dim3A_125 : f32 to vector<16xf32>
      %add3A_127 = arith.constant 0 : i32
      %add3A_128 = arith.addi %add3A_127, %add3A_124 : i32
      %get3A_129 = arith.index_cast %add3A_128 : i32 to index
      %get3A_130 = tpu.vector_load %arg15[%get3A_129] {strides = array<i32>} : memref<32784xf32, #tpu.memory_space<vmem>>, vector<16xf32>,
      %add3A_131 = arith.addf %broadcast_in_dim3A_126, %get3A_130 : vector<16xf32>
      %add3A_132 = arith.constant 2049 : i32
      %add3A_133 = arith.addi %add3A_132, %add3A_124 : i32
      %get3A_134 = arith.index_cast %add3A_133 : i32 to index
      %get3A_135 = tpu.vector_load %arg15[%get3A_134] {strides = array<i32>} : memref<32784xf32, #tpu.memory_space<vmem>>, vector<16xf32>,
      %add3A_136 = arith.addf %add3A_131, %get3A_135 : vector<16xf32>
      %add3A_137 = arith.constant 4098 : i32
      %add3A_138 = arith.addi %add3A_137, %add3A_124 : i32
      %get3A_139 = arith.index_cast %add3A_138 : i32 to index
      %get3A_140 = tpu.vector_load %arg15[%get3A_139] {strides = array<i32>} : memref<32784xf32, #tpu.memory_space<vmem>>, vector<16xf32>,
      %add3A_141 = arith.addf %add3A_136, %get3A_140 : vector<16xf32>
      %add3A_142 = arith.constant 6147 : i32
      %add3A_143 = arith.addi %add3A_142, %add3A_124 : i32
      %get3A_144 = arith.index_cast %add3A_143 : i32 to index
      %get3A_145 = tpu.vector_load %arg15[%get3A_144] {strides = array<i32>} : memref<32784xf32, #tpu.memory_space<vmem>>, vector<16xf32>,
      %add3A_146 = arith.addf %add3A_141, %get3A_145 : vector<16xf32>
      %add3A_147 = arith.constant 8196 : i32
      %add3A_148 = arith.addi %add3A_147, %add3A_124 : i32
      %get3A_149 = arith.index_cast %add3A_148 : i32 to index
      %get3A_150 = tpu.vector_load %arg15[%get3A_149] {strides = array<i32>} : memref<32784xf32, #tpu.memory_space<vmem>>, vector<16xf32>,
      %add3A_151 = arith.addf %add3A_146, %get3A_150 : vector<16xf32>
      %add3A_152 = arith.constant 10245 : i32
      %add3A_153 = arith.addi %add3A_152, %add3A_124 : i32
      %get3A_154 = arith.index_cast %add3A_153 : i32 to index
      %get3A_155 = tpu.vector_load %arg15[%get3A_154] {strides = array<i32>} : memref<32784xf32, #tpu.memory_space<vmem>>, vector<16xf32>,
      %add3A_156 = arith.addf %add3A_151, %get3A_155 : vector<16xf32>
      %add3A_157 = arith.constant 12294 : i32
      %add3A_158 = arith.addi %add3A_157, %add3A_124 : i32
      %get3A_159 = arith.index_cast %add3A_158 : i32 to index
      %get3A_160 = tpu.vector_load %arg15[%get3A_159] {strides = array<i32>} : memref<32784xf32, #tpu.memory_space<vmem>>, vector<16xf32>,
      %add3A_161 = arith.addf %add3A_156, %get3A_160 : vector<16xf32>
      %add3A_162 = arith.constant 14343 : i32
      %add3A_163 = arith.addi %add3A_162, %add3A_124 : i32
      %get3A_164 = arith.index_cast %add3A_163 : i32 to index
      %get3A_165 = tpu.vector_load %arg15[%get3A_164] {strides = array<i32>} : memref<32784xf32, #tpu.memory_space<vmem>>, vector<16xf32>,
      %add3A_166 = arith.addf %add3A_161, %get3A_165 : vector<16xf32>
      %add3A_167 = arith.constant 16392 : i32
      %add3A_168 = arith.addi %add3A_167, %add3A_124 : i32
      %get3A_169 = arith.index_cast %add3A_168 : i32 to index
      %get3A_170 = tpu.vector_load %arg15[%get3A_169] {strides = array<i32>} : memref<32784xf32, #tpu.memory_space<vmem>>, vector<16xf32>,
      %add3A_171 = arith.addf %add3A_166, %get3A_170 : vector<16xf32>
      %add3A_172 = arith.constant 18441 : i32
      %add3A_173 = arith.addi %add3A_172, %add3A_124 : i32
      %get3A_174 = arith.index_cast %add3A_173 : i32 to index
      %get3A_175 = tpu.vector_load %arg15[%get3A_174] {strides = array<i32>} : memref<32784xf32, #tpu.memory_space<vmem>>, vector<16xf32>,
      %add3A_176 = arith.addf %add3A_171, %get3A_175 : vector<16xf32>
      %add3A_177 = arith.constant 20490 : i32
      %add3A_178 = arith.addi %add3A_177, %add3A_124 : i32
      %get3A_179 = arith.index_cast %add3A_178 : i32 to index
      %get3A_180 = tpu.vector_load %arg15[%get3A_179] {strides = array<i32>} : memref<32784xf32, #tpu.memory_space<vmem>>, vector<16xf32>,
      %add3A_181 = arith.addf %add3A_176, %get3A_180 : vector<16xf32>
      %add3A_182 = arith.constant 22539 : i32
      %add3A_183 = arith.addi %add3A_182, %add3A_124 : i32
      %get3A_184 = arith.index_cast %add3A_183 : i32 to index
      %get3A_185 = tpu.vector_load %arg15[%get3A_184] {strides = array<i32>} : memref<32784xf32, #tpu.memory_space<vmem>>, vector<16xf32>,
      %add3A_186 = arith.addf %add3A_181, %get3A_185 : vector<16xf32>
      %add3A_187 = arith.constant 24588 : i32
      %add3A_188 = arith.addi %add3A_187, %add3A_124 : i32
      %get3A_189 = arith.index_cast %add3A_188 : i32 to index
      %get3A_190 = tpu.vector_load %arg15[%get3A_189] {strides = array<i32>} : memref<32784xf32, #tpu.memory_space<vmem>>, vector<16xf32>,
      %add3A_191 = arith.addf %add3A_186, %get3A_190 : vector<16xf32>
      %add3A_192 = arith.constant 26637 : i32
      %add3A_193 = arith.addi %add3A_192, %add3A_124 : i32
      %get3A_194 = arith.index_cast %add3A_193 : i32 to index
      %get3A_195 = tpu.vector_load %arg15[%get3A_194] {strides = array<i32>} : memref<32784xf32, #tpu.memory_space<vmem>>, vector<16xf32>,
      %add3A_196 = arith.addf %add3A_191, %get3A_195 : vector<16xf32>
      %add3A_197 = arith.constant 28686 : i32
      %add3A_198 = arith.addi %add3A_197, %add3A_124 : i32
      %get3A_199 = arith.index_cast %add3A_198 : i32 to index
      %get3A_200 = tpu.vector_load %arg15[%get3A_199] {strides = array<i32>} : memref<32784xf32, #tpu.memory_space<vmem>>, vector<16xf32>,
      %add3A_201 = arith.addf %add3A_196, %get3A_200 : vector<16xf32>
      %add3A_202 = arith.constant 30735 : i32
      %add3A_203 = arith.addi %add3A_202, %add3A_124 : i32
      %get3A_204 = arith.index_cast %add3A_203 : i32 to index
      %get3A_205 = tpu.vector_load %arg15[%get3A_204] {strides = array<i32>} : memref<32784xf32, #tpu.memory_space<vmem>>, vector<16xf32>,
      %add3A_206 = arith.addf %add3A_201, %get3A_205 : vector<16xf32>
      %mul3A_207 = arith.constant 16 : i32
      %mul3A_208 = arith.muli %scan3A_119, %mul3A_207 : i32
      %swap3A_209 = arith.constant 1 : i32
      %swap3A_210 = arith.index_cast %swap3A_209 : i32 to index
      %swap3A_211 = arith.index_cast %mul3A_208 : i32 to index
      %swap3A_212 = tpu.vector_load %arg18[%swap3A_210, %swap3A_211] {strides = array<i32>} : memref<2x1024xf32, #tpu.memory_space<vmem>>, vector<16xf32>,
      tpu.vector_store %arg18[%swap3A_210, %swap3A_211], %add3A_206 {strides = array<i32>} : memref<2x1024xf32, #tpu.memory_space<vmem>>, vector<16xf32>,
      %scan3A_213 = arith.constant 0 : i32
      scf.yield %scan3A_213 : i32
    }
    %scan3A_103 = arith.constant 64 : i32
    %add3A_104 = arith.constant 0 : i32
    %add3A_105 = vector.broadcast %add3A_104 : i32 to vector<16xi32>
    %add3A_106 = arith.addi %mul3A_55, %add3A_105 : vector<16xi32>
    %gather3A = tpu.vector_load_idx %arg16[%add3A_106] : memref<48xf32, #tpu.memory_space<vmem>>[vector<16xi32>], vector<16xf32>,
    %swap3A_107 = arith.constant 0 : i32
    %swap3A_108 = arith.index_cast %swap3A_107 : i32 to index
    %swap3A_109 = arith.constant 0 : index
    %swap3A_110 = tpu.vector_load %arg19[%swap3A_108, %swap3A_109] {strides = array<i32>} : memref<2x16xf32, #tpu.memory_space<vmem>>, vector<16xf32>,
    tpu.vector_store %arg19[%swap3A_108, %swap3A_109], %gather3A {strides = array<i32>} : memref<2x16xf32, #tpu.memory_space<vmem>>, vector<16xf32>,
    %add3A_111 = arith.constant 1 : i32
    %add3A_112 = vector.broadcast %add3A_111 : i32 to vector<16xi32>
    %add3A_113 = arith.addi %mul3A_55, %add3A_112 : vector<16xi32>
    %gather3A_114 = tpu.vector_load_idx %arg16[%add3A_113] : memref<48xf32, #tpu.memory_space<vmem>>[vector<16xi32>], vector<16xf32>,
    %swap3A_115 = arith.constant 1 : i32
    %swap3A_116 = arith.index_cast %swap3A_115 : i32 to index
    %swap3A_117 = arith.constant 0 : index
    %swap3A_118 = tpu.vector_load %arg19[%swap3A_116, %swap3A_117] {strides = array<i32>} : memref<2x16xf32, #tpu.memory_space<vmem>>, vector<16xf32>,
    tpu.vector_store %arg19[%swap3A_116, %swap3A_117], %gather3A_114 {strides = array<i32>} : memref<2x16xf32, #tpu.memory_space<vmem>>, vector<16xf32>,
    "tpu.region"() ({
      %run_scoped3A_119 = tpu.sem_alloc : memref<!tpu.dma_semaphore, #tpu.memory_space<semaphore_mem>>
      %dma_start3A_120 = arith.constant 0 : i32
      %dma_start3A_121 = arith.constant 0 : i32
      %dma_start3A_122 = tpu.memref_slice %arg5[%add3A, %dma_start3A_120, %dma_start3A_121] : memref<32x2x1024xi32, #tpu.memory_space<hbm>> -> memref<1x2x1024xi32, #tpu.memory_space<hbm>>
      %dma_start3A_123 = tpu.memref_squeeze %dma_start3A_122 : memref<1x2x1024xi32, #tpu.memory_space<hbm>> -> memref<2x1024xi32, #tpu.memory_space<hbm>>
      %dma_start3A_124 = arith.constant 0 : i32
      %dma_start3A_125 = arith.constant 0 : i32
      %dma_start3A_126 = tpu.memref_slice %arg5[%add3A, %dma_start3A_124, %dma_start3A_125] : memref<32x2x1024xi32, #tpu.memory_space<hbm>> -> memref<1x2x1024xi32, #tpu.memory_space<hbm>>
      %dma_start3A_127 = tpu.memref_squeeze %dma_start3A_126 : memref<1x2x1024xi32, #tpu.memory_space<hbm>> -> memref<2x1024xi32, #tpu.memory_space<hbm>>
      tpu.enqueue_dma source(%arg17 : memref<2x1024xi32, #tpu.memory_space<vmem>>) target(%dma_start3A_127 : memref<2x1024xi32, #tpu.memory_space<hbm>>) target_semaphore(%run_scoped3A_119 : memref<!tpu.dma_semaphore, #tpu.memory_space<semaphore_mem>>)
      %dma_wait3A = arith.constant 0 : i32
      %dma_wait3A_128 = arith.constant 0 : i32
      %dma_wait3A_129 = tpu.memref_slice %arg5[%add3A, %dma_wait3A, %dma_wait3A_128] : memref<32x2x1024xi32, #tpu.memory_space<hbm>> -> memref<1x2x1024xi32, #tpu.memory_space<hbm>>
      %dma_wait3A_130 = tpu.memref_squeeze %dma_wait3A_129 : memref<1x2x1024xi32, #tpu.memory_space<hbm>> -> memref<2x1024xi32, #tpu.memory_space<hbm>>
      %dma_wait3A_131 = arith.constant 0 : i32
      %dma_wait3A_132 = arith.constant 0 : i32
      %dma_wait3A_133 = tpu.memref_slice %arg5[%add3A, %dma_wait3A_131, %dma_wait3A_132] : memref<32x2x1024xi32, #tpu.memory_space<hbm>> -> memref<1x2x1024xi32, #tpu.memory_space<hbm>>
      %dma_wait3A_134 = tpu.memref_squeeze %dma_wait3A_133 : memref<1x2x1024xi32, #tpu.memory_space<hbm>> -> memref<2x1024xi32, #tpu.memory_space<hbm>>
      tpu.wait_dma2 semaphore(%run_scoped3A_119 : memref<!tpu.dma_semaphore, #tpu.memory_space<semaphore_mem>>) src(%arg17 : memref<2x1024xi32, #tpu.memory_space<vmem>>) dst(%dma_wait3A_134 : memref<2x1024xi32, #tpu.memory_space<hbm>>)
      tpu.yield
    }) : () -> ()
    "tpu.region"() ({
      %run_scoped3A_119 = tpu.sem_alloc : memref<!tpu.dma_semaphore, #tpu.memory_space<semaphore_mem>>
      %dma_start3A_120 = arith.constant 0 : i32
      %dma_start3A_121 = arith.constant 0 : i32
      %dma_start3A_122 = tpu.memref_slice %arg6[%add3A, %dma_start3A_120, %dma_start3A_121] : memref<32x2x1024xf32, #tpu.memory_space<hbm>> -> memref<1x2x1024xf32, #tpu.memory_space<hbm>>
      %dma_start3A_123 = tpu.memref_squeeze %dma_start3A_122 : memref<1x2x1024xf32, #tpu.memory_space<hbm>> -> memref<2x1024xf32, #tpu.memory_space<hbm>>
      %dma_start3A_124 = arith.constant 0 : i32
      %dma_start3A_125 = arith.constant 0 : i32
      %dma_start3A_126 = tpu.memref_slice %arg6[%add3A, %dma_start3A_124, %dma_start3A_125] : memref<32x2x1024xf32, #tpu.memory_space<hbm>> -> memref<1x2x1024xf32, #tpu.memory_space<hbm>>
      %dma_start3A_127 = tpu.memref_squeeze %dma_start3A_126 : memref<1x2x1024xf32, #tpu.memory_space<hbm>> -> memref<2x1024xf32, #tpu.memory_space<hbm>>
      tpu.enqueue_dma source(%arg18 : memref<2x1024xf32, #tpu.memory_space<vmem>>) target(%dma_start3A_127 : memref<2x1024xf32, #tpu.memory_space<hbm>>) target_semaphore(%run_scoped3A_119 : memref<!tpu.dma_semaphore, #tpu.memory_space<semaphore_mem>>)
      %dma_wait3A = arith.constant 0 : i32
      %dma_wait3A_128 = arith.constant 0 : i32
      %dma_wait3A_129 = tpu.memref_slice %arg6[%add3A, %dma_wait3A, %dma_wait3A_128] : memref<32x2x1024xf32, #tpu.memory_space<hbm>> -> memref<1x2x1024xf32, #tpu.memory_space<hbm>>
      %dma_wait3A_130 = tpu.memref_squeeze %dma_wait3A_129 : memref<1x2x1024xf32, #tpu.memory_space<hbm>> -> memref<2x1024xf32, #tpu.memory_space<hbm>>
      %dma_wait3A_131 = arith.constant 0 : i32
      %dma_wait3A_132 = arith.constant 0 : i32
      %dma_wait3A_133 = tpu.memref_slice %arg6[%add3A, %dma_wait3A_131, %dma_wait3A_132] : memref<32x2x1024xf32, #tpu.memory_space<hbm>> -> memref<1x2x1024xf32, #tpu.memory_space<hbm>>
      %dma_wait3A_134 = tpu.memref_squeeze %dma_wait3A_133 : memref<1x2x1024xf32, #tpu.memory_space<hbm>> -> memref<2x1024xf32, #tpu.memory_space<hbm>>
      tpu.wait_dma2 semaphore(%run_scoped3A_119 : memref<!tpu.dma_semaphore, #tpu.memory_space<semaphore_mem>>) src(%arg18 : memref<2x1024xf32, #tpu.memory_space<vmem>>) dst(%dma_wait3A_134 : memref<2x1024xf32, #tpu.memory_space<hbm>>)
      tpu.yield
    }) : () -> ()
    "tpu.region"() ({
      %run_scoped3A_119 = tpu.sem_alloc : memref<!tpu.dma_semaphore, #tpu.memory_space<semaphore_mem>>
      %dma_start3A_120 = arith.constant 0 : i32
      %dma_start3A_121 = arith.constant 0 : i32
      %dma_start3A_122 = tpu.memref_slice %arg7[%add3A, %dma_start3A_120, %dma_start3A_121] : memref<32x2x16xf32, #tpu.memory_space<hbm>> -> memref<1x2x16xf32, #tpu.memory_space<hbm>>
      %dma_start3A_123 = tpu.memref_squeeze %dma_start3A_122 : memref<1x2x16xf32, #tpu.memory_space<hbm>> -> memref<2x16xf32, #tpu.memory_space<hbm>>
      %dma_start3A_124 = arith.constant 0 : i32
      %dma_start3A_125 = arith.constant 0 : i32
      %dma_start3A_126 = tpu.memref_slice %arg7[%add3A, %dma_start3A_124, %dma_start3A_125] : memref<32x2x16xf32, #tpu.memory_space<hbm>> -> memref<1x2x16xf32, #tpu.memory_space<hbm>>
      %dma_start3A_127 = tpu.memref_squeeze %dma_start3A_126 : memref<1x2x16xf32, #tpu.memory_space<hbm>> -> memref<2x16xf32, #tpu.memory_space<hbm>>
      tpu.enqueue_dma source(%arg19 : memref<2x16xf32, #tpu.memory_space<vmem>>) target(%dma_start3A_127 : memref<2x16xf32, #tpu.memory_space<hbm>>) target_semaphore(%run_scoped3A_119 : memref<!tpu.dma_semaphore, #tpu.memory_space<semaphore_mem>>)
      %dma_wait3A = arith.constant 0 : i32
      %dma_wait3A_128 = arith.constant 0 : i32
      %dma_wait3A_129 = tpu.memref_slice %arg7[%add3A, %dma_wait3A, %dma_wait3A_128] : memref<32x2x16xf32, #tpu.memory_space<hbm>> -> memref<1x2x16xf32, #tpu.memory_space<hbm>>
      %dma_wait3A_130 = tpu.memref_squeeze %dma_wait3A_129 : memref<1x2x16xf32, #tpu.memory_space<hbm>> -> memref<2x16xf32, #tpu.memory_space<hbm>>
      %dma_wait3A_131 = arith.constant 0 : i32
      %dma_wait3A_132 = arith.constant 0 : i32
      %dma_wait3A_133 = tpu.memref_slice %arg7[%add3A, %dma_wait3A_131, %dma_wait3A_132] : memref<32x2x16xf32, #tpu.memory_space<hbm>> -> memref<1x2x16xf32, #tpu.memory_space<hbm>>
      %dma_wait3A_134 = tpu.memref_squeeze %dma_wait3A_133 : memref<1x2x16xf32, #tpu.memory_space<hbm>> -> memref<2x16xf32, #tpu.memory_space<hbm>>
      tpu.wait_dma2 semaphore(%run_scoped3A_119 : memref<!tpu.dma_semaphore, #tpu.memory_space<semaphore_mem>>) src(%arg19 : memref<2x16xf32, #tpu.memory_space<vmem>>) dst(%dma_wait3A_134 : memref<2x16xf32, #tpu.memory_space<hbm>>)
      tpu.yield
    }) : () -> ()
    return
  }
}

#map = affine_map<(d0, d1) -> (0)>
#map1 = affine_map<(d0, d1) -> (0, 0, 0)>
module attributes {stable_mosaic.version = 14 : i64} {
  func.func @body(%arg0: i32, %arg1: i32, %arg2: memref<4194304xf32, #tpu.memory_space<hbm>>, %arg3: memref<4194304xi32, #tpu.memory_space<hbm>>, %arg4: memref<32x2x1024xi32, #tpu.memory_space<hbm>>, %arg5: memref<4096xf32, #tpu.memory_space<vmem>>, %arg6: memref<4096xi32, #tpu.memory_space<vmem>>, %arg7: memref<4096xf32, #tpu.memory_space<vmem>>, %arg8: memref<4096xi32, #tpu.memory_space<vmem>>, %arg9: memref<!tpu.dma_semaphore, #tpu.memory_space<semaphore_mem>>, %arg10: memref<!tpu.dma_semaphore, #tpu.memory_space<semaphore_mem>>, %arg11: memref<32784xi32, #tpu.memory_space<vmem>>, %arg12: memref<2x1024xi32, #tpu.memory_space<vmem>>) attributes {dimension_semantics = [#tpu.dimension_semantics<core_parallel>, #tpu.dimension_semantics<subcore_parallel>], iteration_bounds = array<i64: 2, 16>, scalar_prefetch = 0 : i64, scratch_operands = 8 : i64, tpu.core_type = #tpu.core_type<sc_vector_subcore>, window_params = [{transform_indices = #map}, {transform_indices = #map}, {transform_indices = #map1}]} {
    %mul3A = arith.constant 2 : i32
    %mul3A_0 = arith.muli %arg1, %mul3A : i32
    %add3A = arith.addi %mul3A_0, %arg0 : i32
    %mul3A_1 = arith.constant 131072 : i32
    %mul3A_2 = arith.muli %add3A, %mul3A_1 : i32
    %broadcast_in_dim3A = arith.constant 0 : i32
    %broadcast_in_dim3A_3 = vector.broadcast %broadcast_in_dim3A : i32 to vector<16xi32>
    %scan3A = arith.constant 0 : i32
    %scan3A_4 = arith.constant 0 : i32
    %scan3A_5 = arith.constant 1024 : i32
    %scan3A_6 = arith.addi %scan3A_4, %scan3A_5 : i32
    %scan3A_7 = arith.constant 1 : i32
    %scan3A_8 = scf.for %scan3A_48 = %scan3A_4 to %scan3A_6 step %scan3A_7 iter_args(%scan3A_49 = %scan3A) -> (i32)  : i32 {
      %mul3A_50 = arith.constant 2 : i32
      %mul3A_51 = arith.muli %scan3A_48, %mul3A_50 : i32
      %add3A_52 = arith.constant 0 : i32
      %add3A_53 = arith.addi %mul3A_51, %add3A_52 : i32
      %mul3A_54 = arith.constant 16 : i32
      %mul3A_55 = arith.muli %add3A_53, %mul3A_54 : i32
      %swap3A_56 = arith.index_cast %mul3A_55 : i32 to index
      %swap3A_57 = tpu.vector_load %arg11[%swap3A_56] {strides = array<i32>} : memref<32784xi32, #tpu.memory_space<vmem>>, vector<16xi32>,
      tpu.vector_store %arg11[%swap3A_56], %broadcast_in_dim3A_3 {strides = array<i32>} : memref<32784xi32, #tpu.memory_space<vmem>>, vector<16xi32>,
      %mul3A_58 = arith.constant 2 : i32
      %mul3A_59 = arith.muli %scan3A_48, %mul3A_58 : i32
      %add3A_60 = arith.constant 1 : i32
      %add3A_61 = arith.addi %mul3A_59, %add3A_60 : i32
      %mul3A_62 = arith.constant 16 : i32
      %mul3A_63 = arith.muli %add3A_61, %mul3A_62 : i32
      %swap3A_64 = arith.index_cast %mul3A_63 : i32 to index
      %swap3A_65 = tpu.vector_load %arg11[%swap3A_64] {strides = array<i32>} : memref<32784xi32, #tpu.memory_space<vmem>>, vector<16xi32>,
      tpu.vector_store %arg11[%swap3A_64], %broadcast_in_dim3A_3 {strides = array<i32>} : memref<32784xi32, #tpu.memory_space<vmem>>, vector<16xi32>,
      %scan3A_66 = arith.constant 0 : i32
      scf.yield %scan3A_66 : i32
    }
    %scan3A_9 = arith.constant 1024 : i32
    %swap3A = arith.constant 32768 : index
    %swap3A_10 = tpu.vector_load %arg11[%swap3A] {strides = array<i32>} : memref<32784xi32, #tpu.memory_space<vmem>>, vector<16xi32>,
    tpu.vector_store %arg11[%swap3A], %broadcast_in_dim3A_3 {strides = array<i32>} : memref<32784xi32, #tpu.memory_space<vmem>>, vector<16xi32>,
    %iota3A = tpu.iota {dimensions = array<i32: 0>} : vector<16xi32>
    %mul3A_11 = arith.constant 2049 : i32
    %mul3A_12 = vector.broadcast %mul3A_11 : i32 to vector<16xi32>
    %mul3A_13 = arith.muli %iota3A, %mul3A_12 : vector<16xi32>
    %broadcast_in_dim3A_14 = arith.constant 1 : i32
    %broadcast_in_dim3A_15 = vector.broadcast %broadcast_in_dim3A_14 : i32 to vector<16xi32>
    %add3A_16 = arith.constant 0 : i32
    %add3A_17 = arith.addi %mul3A_2, %add3A_16 : i32
    %dma_start3A = tpu.memref_slice %arg2[%add3A_17] : memref<4194304xf32, #tpu.memory_space<hbm>> -> memref<4096xf32, #tpu.memory_space<hbm>>
    %dma_start3A_18 = tpu.memref_slice %arg2[%add3A_17] : memref<4194304xf32, #tpu.memory_space<hbm>> -> memref<4096xf32, #tpu.memory_space<hbm>>
    tpu.enqueue_dma source(%dma_start3A_18 : memref<4096xf32, #tpu.memory_space<hbm>>) target(%arg5 : memref<4096xf32, #tpu.memory_space<vmem>>) target_semaphore(%arg9 : memref<!tpu.dma_semaphore, #tpu.memory_space<semaphore_mem>>)
    %dma_start3A_19 = tpu.memref_slice %arg3[%add3A_17] : memref<4194304xi32, #tpu.memory_space<hbm>> -> memref<4096xi32, #tpu.memory_space<hbm>>
    %dma_start3A_20 = tpu.memref_slice %arg3[%add3A_17] : memref<4194304xi32, #tpu.memory_space<hbm>> -> memref<4096xi32, #tpu.memory_space<hbm>>
    tpu.enqueue_dma source(%dma_start3A_20 : memref<4096xi32, #tpu.memory_space<hbm>>) target(%arg6 : memref<4096xi32, #tpu.memory_space<vmem>>) target_semaphore(%arg9 : memref<!tpu.dma_semaphore, #tpu.memory_space<semaphore_mem>>)
    %add3A_21 = arith.constant 4096 : i32
    %add3A_22 = arith.addi %mul3A_2, %add3A_21 : i32
    %dma_start3A_23 = tpu.memref_slice %arg2[%add3A_22] : memref<4194304xf32, #tpu.memory_space<hbm>> -> memref<4096xf32, #tpu.memory_space<hbm>>
    %dma_start3A_24 = tpu.memref_slice %arg2[%add3A_22] : memref<4194304xf32, #tpu.memory_space<hbm>> -> memref<4096xf32, #tpu.memory_space<hbm>>
    tpu.enqueue_dma source(%dma_start3A_24 : memref<4096xf32, #tpu.memory_space<hbm>>) target(%arg7 : memref<4096xf32, #tpu.memory_space<vmem>>) target_semaphore(%arg10 : memref<!tpu.dma_semaphore, #tpu.memory_space<semaphore_mem>>)
    %dma_start3A_25 = tpu.memref_slice %arg3[%add3A_22] : memref<4194304xi32, #tpu.memory_space<hbm>> -> memref<4096xi32, #tpu.memory_space<hbm>>
    %dma_start3A_26 = tpu.memref_slice %arg3[%add3A_22] : memref<4194304xi32, #tpu.memory_space<hbm>> -> memref<4096xi32, #tpu.memory_space<hbm>>
    tpu.enqueue_dma source(%dma_start3A_26 : memref<4096xi32, #tpu.memory_space<hbm>>) target(%arg8 : memref<4096xi32, #tpu.memory_space<vmem>>) target_semaphore(%arg10 : memref<!tpu.dma_semaphore, #tpu.memory_space<semaphore_mem>>)
    %scan3A_27 = arith.constant 0 : i32
    %scan3A_28 = arith.constant 0 : i32
    %scan3A_29 = arith.constant 16 : i32
    %scan3A_30 = arith.addi %scan3A_28, %scan3A_29 : i32
    %scan3A_31 = arith.constant 1 : i32
    %scan3A_32 = scf.for %scan3A_48 = %scan3A_28 to %scan3A_30 step %scan3A_31 iter_args(%scan3A_49 = %scan3A_27) -> (i32)  : i32 {
      %mul3A_50 = arith.constant 2 : i32
      %mul3A_51 = arith.muli %scan3A_48, %mul3A_50 : i32
      %add3A_52 = arith.constant 0 : i32
      %add3A_53 = arith.addi %mul3A_51, %add3A_52 : i32
      %dma_wait3A = tpu.memref_slice %arg2[%mul3A_2] : memref<4194304xf32, #tpu.memory_space<hbm>> -> memref<4096xf32, #tpu.memory_space<hbm>>
      %dma_wait3A_54 = tpu.memref_slice %arg2[%mul3A_2] : memref<4194304xf32, #tpu.memory_space<hbm>> -> memref<4096xf32, #tpu.memory_space<hbm>>
      tpu.wait_dma2 semaphore(%arg9 : memref<!tpu.dma_semaphore, #tpu.memory_space<semaphore_mem>>) src(%dma_wait3A_54 : memref<4096xf32, #tpu.memory_space<hbm>>) dst(%arg5 : memref<4096xf32, #tpu.memory_space<vmem>>)
      %dma_wait3A_55 = tpu.memref_slice %arg3[%mul3A_2] : memref<4194304xi32, #tpu.memory_space<hbm>> -> memref<4096xi32, #tpu.memory_space<hbm>>
      %dma_wait3A_56 = tpu.memref_slice %arg3[%mul3A_2] : memref<4194304xi32, #tpu.memory_space<hbm>> -> memref<4096xi32, #tpu.memory_space<hbm>>
      tpu.wait_dma2 semaphore(%arg9 : memref<!tpu.dma_semaphore, #tpu.memory_space<semaphore_mem>>) src(%dma_wait3A_56 : memref<4096xi32, #tpu.memory_space<hbm>>) dst(%arg6 : memref<4096xi32, #tpu.memory_space<vmem>>)
      %parallel_loop3A = arith.constant 0 : i32
      %parallel_loop3A_57 = arith.constant 256 : i32
      %parallel_loop3A_58 = arith.constant 1 : i32
      scf.for %parallel_loop3A_82 = %parallel_loop3A to %parallel_loop3A_57 step %parallel_loop3A_58  : i32 {
        %parallel_loop3A_83 = arith.constant 16 : i32
        %parallel_loop3A_84 = arith.muli %parallel_loop3A_82, %parallel_loop3A_83 : i32
        %parallel_loop3A_85 = arith.index_cast %parallel_loop3A_84 : i32 to index
        %parallel_loop3A_86 = tpu.vector_load %arg5[%parallel_loop3A_85] {strides = array<i32>} : memref<4096xf32, #tpu.memory_space<vmem>>, vector<16xf32>,
        %parallel_loop3A_87 = arith.index_cast %parallel_loop3A_84 : i32 to index
        %parallel_loop3A_88 = tpu.vector_load %arg6[%parallel_loop3A_87] {strides = array<i32>} : memref<4096xi32, #tpu.memory_space<vmem>>, vector<16xi32>,
        %parallel_loop3A_89 = tpu.bitcast %parallel_loop3A_86 : vector<16xf32> -> vector<16xi32>
        %parallel_loop3A_90 = arith.constant 31 : i32
        %parallel_loop3A_91 = vector.broadcast %parallel_loop3A_90 : i32 to vector<16xi32>
        %parallel_loop3A_92 = arith.shrsi %parallel_loop3A_89, %parallel_loop3A_91 : vector<16xi32>
        %parallel_loop3A_93 = arith.constant -2147483648 : i32
        %parallel_loop3A_94 = vector.broadcast %parallel_loop3A_93 : i32 to vector<16xi32>
        %parallel_loop3A_95 = arith.ori %parallel_loop3A_92, %parallel_loop3A_94 : vector<16xi32>
        %parallel_loop3A_96 = arith.xori %parallel_loop3A_89, %parallel_loop3A_95 : vector<16xi32>
        %parallel_loop3A_97 = arith.constant 1 : i32
        %parallel_loop3A_98 = vector.broadcast %parallel_loop3A_97 : i32 to vector<16xi32>
        %parallel_loop3A_99 = arith.subi %parallel_loop3A_88, %parallel_loop3A_98 : vector<16xi32>
        %parallel_loop3A_100 = arith.xori %parallel_loop3A_96, %parallel_loop3A_99 : vector<16xi32>
        %parallel_loop3A_101 = arith.constant 22 : i32
        %parallel_loop3A_102 = vector.broadcast %parallel_loop3A_101 : i32 to vector<16xi32>
        %parallel_loop3A_103 = arith.shrui %parallel_loop3A_100, %parallel_loop3A_102 : vector<16xi32>
        %parallel_loop3A_104 = arith.constant 10 : i32
        %parallel_loop3A_105 = vector.broadcast %parallel_loop3A_104 : i32 to vector<16xi32>
        %parallel_loop3A_106 = arith.shli %parallel_loop3A_88, %parallel_loop3A_105 : vector<16xi32>
        %parallel_loop3A_107 = arith.ori %parallel_loop3A_106, %parallel_loop3A_103 : vector<16xi32>
        %parallel_loop3A_108 = arith.addi %mul3A_13, %parallel_loop3A_107 : vector<16xi32>
        tpu.vector_store_idx %arg11[%parallel_loop3A_108], %broadcast_in_dim3A_15 {add = true} : memref<32784xi32, #tpu.memory_space<vmem>>[vector<16xi32>], vector<16xi32>,
      } {sc.loop_unroll_factor = 2 : i64, sc.parallel_access}
      %add3A_59 = arith.constant 2 : i32
      %add3A_60 = arith.addi %add3A_53, %add3A_59 : i32
      %lt3A = arith.constant 32 : i32
      %lt3A_61 = arith.cmpi slt, %add3A_60, %lt3A : i32
      %convert_element_type3A = arith.extui %lt3A_61 : i1 to i32
      %cond3A = arith.constant 0 : i32
      %cond3A_62 = arith.cmpi ne, %convert_element_type3A, %cond3A : i32
      scf.if %cond3A_62 {
        %add3A_82 = arith.constant 2 : i32
        %add3A_83 = arith.addi %add3A_53, %add3A_82 : i32
        %mul3A_84 = arith.constant 4096 : i32
        %mul3A_85 = arith.muli %add3A_83, %mul3A_84 : i32
        %add3A_86 = arith.addi %mul3A_2, %mul3A_85 : i32
        %dma_start3A_87 = tpu.memref_slice %arg2[%add3A_86] : memref<4194304xf32, #tpu.memory_space<hbm>> -> memref<4096xf32, #tpu.memory_space<hbm>>
        %dma_start3A_88 = tpu.memref_slice %arg2[%add3A_86] : memref<4194304xf32, #tpu.memory_space<hbm>> -> memref<4096xf32, #tpu.memory_space<hbm>>
        tpu.enqueue_dma source(%dma_start3A_88 : memref<4096xf32, #tpu.memory_space<hbm>>) target(%arg5 : memref<4096xf32, #tpu.memory_space<vmem>>) target_semaphore(%arg9 : memref<!tpu.dma_semaphore, #tpu.memory_space<semaphore_mem>>)
        %dma_start3A_89 = tpu.memref_slice %arg3[%add3A_86] : memref<4194304xi32, #tpu.memory_space<hbm>> -> memref<4096xi32, #tpu.memory_space<hbm>>
        %dma_start3A_90 = tpu.memref_slice %arg3[%add3A_86] : memref<4194304xi32, #tpu.memory_space<hbm>> -> memref<4096xi32, #tpu.memory_space<hbm>>
        tpu.enqueue_dma source(%dma_start3A_90 : memref<4096xi32, #tpu.memory_space<hbm>>) target(%arg6 : memref<4096xi32, #tpu.memory_space<vmem>>) target_semaphore(%arg9 : memref<!tpu.dma_semaphore, #tpu.memory_space<semaphore_mem>>)
      } else {
      }
      %mul3A_63 = arith.constant 2 : i32
      %mul3A_64 = arith.muli %scan3A_48, %mul3A_63 : i32
      %add3A_65 = arith.constant 1 : i32
      %add3A_66 = arith.addi %mul3A_64, %add3A_65 : i32
      %dma_wait3A_67 = tpu.memref_slice %arg2[%mul3A_2] : memref<4194304xf32, #tpu.memory_space<hbm>> -> memref<4096xf32, #tpu.memory_space<hbm>>
      %dma_wait3A_68 = tpu.memref_slice %arg2[%mul3A_2] : memref<4194304xf32, #tpu.memory_space<hbm>> -> memref<4096xf32, #tpu.memory_space<hbm>>
      tpu.wait_dma2 semaphore(%arg10 : memref<!tpu.dma_semaphore, #tpu.memory_space<semaphore_mem>>) src(%dma_wait3A_68 : memref<4096xf32, #tpu.memory_space<hbm>>) dst(%arg7 : memref<4096xf32, #tpu.memory_space<vmem>>)
      %dma_wait3A_69 = tpu.memref_slice %arg3[%mul3A_2] : memref<4194304xi32, #tpu.memory_space<hbm>> -> memref<4096xi32, #tpu.memory_space<hbm>>
      %dma_wait3A_70 = tpu.memref_slice %arg3[%mul3A_2] : memref<4194304xi32, #tpu.memory_space<hbm>> -> memref<4096xi32, #tpu.memory_space<hbm>>
      tpu.wait_dma2 semaphore(%arg10 : memref<!tpu.dma_semaphore, #tpu.memory_space<semaphore_mem>>) src(%dma_wait3A_70 : memref<4096xi32, #tpu.memory_space<hbm>>) dst(%arg8 : memref<4096xi32, #tpu.memory_space<vmem>>)
      %parallel_loop3A_71 = arith.constant 0 : i32
      %parallel_loop3A_72 = arith.constant 256 : i32
      %parallel_loop3A_73 = arith.constant 1 : i32
      scf.for %parallel_loop3A_82 = %parallel_loop3A_71 to %parallel_loop3A_72 step %parallel_loop3A_73  : i32 {
        %parallel_loop3A_83 = arith.constant 16 : i32
        %parallel_loop3A_84 = arith.muli %parallel_loop3A_82, %parallel_loop3A_83 : i32
        %parallel_loop3A_85 = arith.index_cast %parallel_loop3A_84 : i32 to index
        %parallel_loop3A_86 = tpu.vector_load %arg7[%parallel_loop3A_85] {strides = array<i32>} : memref<4096xf32, #tpu.memory_space<vmem>>, vector<16xf32>,
        %parallel_loop3A_87 = arith.index_cast %parallel_loop3A_84 : i32 to index
        %parallel_loop3A_88 = tpu.vector_load %arg8[%parallel_loop3A_87] {strides = array<i32>} : memref<4096xi32, #tpu.memory_space<vmem>>, vector<16xi32>,
        %parallel_loop3A_89 = tpu.bitcast %parallel_loop3A_86 : vector<16xf32> -> vector<16xi32>
        %parallel_loop3A_90 = arith.constant 31 : i32
        %parallel_loop3A_91 = vector.broadcast %parallel_loop3A_90 : i32 to vector<16xi32>
        %parallel_loop3A_92 = arith.shrsi %parallel_loop3A_89, %parallel_loop3A_91 : vector<16xi32>
        %parallel_loop3A_93 = arith.constant -2147483648 : i32
        %parallel_loop3A_94 = vector.broadcast %parallel_loop3A_93 : i32 to vector<16xi32>
        %parallel_loop3A_95 = arith.ori %parallel_loop3A_92, %parallel_loop3A_94 : vector<16xi32>
        %parallel_loop3A_96 = arith.xori %parallel_loop3A_89, %parallel_loop3A_95 : vector<16xi32>
        %parallel_loop3A_97 = arith.constant 1 : i32
        %parallel_loop3A_98 = vector.broadcast %parallel_loop3A_97 : i32 to vector<16xi32>
        %parallel_loop3A_99 = arith.subi %parallel_loop3A_88, %parallel_loop3A_98 : vector<16xi32>
        %parallel_loop3A_100 = arith.xori %parallel_loop3A_96, %parallel_loop3A_99 : vector<16xi32>
        %parallel_loop3A_101 = arith.constant 22 : i32
        %parallel_loop3A_102 = vector.broadcast %parallel_loop3A_101 : i32 to vector<16xi32>
        %parallel_loop3A_103 = arith.shrui %parallel_loop3A_100, %parallel_loop3A_102 : vector<16xi32>
        %parallel_loop3A_104 = arith.constant 10 : i32
        %parallel_loop3A_105 = vector.broadcast %parallel_loop3A_104 : i32 to vector<16xi32>
        %parallel_loop3A_106 = arith.shli %parallel_loop3A_88, %parallel_loop3A_105 : vector<16xi32>
        %parallel_loop3A_107 = arith.ori %parallel_loop3A_106, %parallel_loop3A_103 : vector<16xi32>
        %parallel_loop3A_108 = arith.addi %mul3A_13, %parallel_loop3A_107 : vector<16xi32>
        tpu.vector_store_idx %arg11[%parallel_loop3A_108], %broadcast_in_dim3A_15 {add = true} : memref<32784xi32, #tpu.memory_space<vmem>>[vector<16xi32>], vector<16xi32>,
      } {sc.loop_unroll_factor = 2 : i64, sc.parallel_access}
      %add3A_74 = arith.constant 2 : i32
      %add3A_75 = arith.addi %add3A_66, %add3A_74 : i32
      %lt3A_76 = arith.constant 32 : i32
      %lt3A_77 = arith.cmpi slt, %add3A_75, %lt3A_76 : i32
      %convert_element_type3A_78 = arith.extui %lt3A_77 : i1 to i32
      %cond3A_79 = arith.constant 0 : i32
      %cond3A_80 = arith.cmpi ne, %convert_element_type3A_78, %cond3A_79 : i32
      scf.if %cond3A_80 {
        %add3A_82 = arith.constant 2 : i32
        %add3A_83 = arith.addi %add3A_66, %add3A_82 : i32
        %mul3A_84 = arith.constant 4096 : i32
        %mul3A_85 = arith.muli %add3A_83, %mul3A_84 : i32
        %add3A_86 = arith.addi %mul3A_2, %mul3A_85 : i32
        %dma_start3A_87 = tpu.memref_slice %arg2[%add3A_86] : memref<4194304xf32, #tpu.memory_space<hbm>> -> memref<4096xf32, #tpu.memory_space<hbm>>
        %dma_start3A_88 = tpu.memref_slice %arg2[%add3A_86] : memref<4194304xf32, #tpu.memory_space<hbm>> -> memref<4096xf32, #tpu.memory_space<hbm>>
        tpu.enqueue_dma source(%dma_start3A_88 : memref<4096xf32, #tpu.memory_space<hbm>>) target(%arg7 : memref<4096xf32, #tpu.memory_space<vmem>>) target_semaphore(%arg10 : memref<!tpu.dma_semaphore, #tpu.memory_space<semaphore_mem>>)
        %dma_start3A_89 = tpu.memref_slice %arg3[%add3A_86] : memref<4194304xi32, #tpu.memory_space<hbm>> -> memref<4096xi32, #tpu.memory_space<hbm>>
        %dma_start3A_90 = tpu.memref_slice %arg3[%add3A_86] : memref<4194304xi32, #tpu.memory_space<hbm>> -> memref<4096xi32, #tpu.memory_space<hbm>>
        tpu.enqueue_dma source(%dma_start3A_90 : memref<4096xi32, #tpu.memory_space<hbm>>) target(%arg8 : memref<4096xi32, #tpu.memory_space<vmem>>) target_semaphore(%arg10 : memref<!tpu.dma_semaphore, #tpu.memory_space<semaphore_mem>>)
      } else {
      }
      %scan3A_81 = arith.constant 0 : i32
      scf.yield %scan3A_81 : i32
    }
    %scan3A_33 = arith.constant 16 : i32
    %scan3A_34 = arith.constant 0 : i32
    %scan3A_35 = arith.constant 0 : i32
    %scan3A_36 = arith.constant 64 : i32
    %scan3A_37 = arith.addi %scan3A_35, %scan3A_36 : i32
    %scan3A_38 = arith.constant 1 : i32
    %scan3A_39 = scf.for %scan3A_48 = %scan3A_35 to %scan3A_37 step %scan3A_38 iter_args(%scan3A_49 = %scan3A_34) -> (i32)  : i32 {
      %mul3A_50 = arith.constant 16 : i32
      %mul3A_51 = arith.muli %scan3A_48, %mul3A_50 : i32
      %add3A_52 = arith.constant 0 : i32
      %add3A_53 = arith.addi %add3A_52, %mul3A_51 : i32
      %broadcast_in_dim3A_54 = arith.constant 0 : i32
      %broadcast_in_dim3A_55 = vector.broadcast %broadcast_in_dim3A_54 : i32 to vector<16xi32>
      %add3A_56 = arith.constant 0 : i32
      %add3A_57 = arith.addi %add3A_56, %add3A_53 : i32
      %get3A = arith.index_cast %add3A_57 : i32 to index
      %get3A_58 = tpu.vector_load %arg11[%get3A] {strides = array<i32>} : memref<32784xi32, #tpu.memory_space<vmem>>, vector<16xi32>,
      %add3A_59 = arith.addi %broadcast_in_dim3A_55, %get3A_58 : vector<16xi32>
      %add3A_60 = arith.constant 2049 : i32
      %add3A_61 = arith.addi %add3A_60, %add3A_53 : i32
      %get3A_62 = arith.index_cast %add3A_61 : i32 to index
      %get3A_63 = tpu.vector_load %arg11[%get3A_62] {strides = array<i32>} : memref<32784xi32, #tpu.memory_space<vmem>>, vector<16xi32>,
      %add3A_64 = arith.addi %add3A_59, %get3A_63 : vector<16xi32>
      %add3A_65 = arith.constant 4098 : i32
      %add3A_66 = arith.addi %add3A_65, %add3A_53 : i32
      %get3A_67 = arith.index_cast %add3A_66 : i32 to index
      %get3A_68 = tpu.vector_load %arg11[%get3A_67] {strides = array<i32>} : memref<32784xi32, #tpu.memory_space<vmem>>, vector<16xi32>,
      %add3A_69 = arith.addi %add3A_64, %get3A_68 : vector<16xi32>
      %add3A_70 = arith.constant 6147 : i32
      %add3A_71 = arith.addi %add3A_70, %add3A_53 : i32
      %get3A_72 = arith.index_cast %add3A_71 : i32 to index
      %get3A_73 = tpu.vector_load %arg11[%get3A_72] {strides = array<i32>} : memref<32784xi32, #tpu.memory_space<vmem>>, vector<16xi32>,
      %add3A_74 = arith.addi %add3A_69, %get3A_73 : vector<16xi32>
      %add3A_75 = arith.constant 8196 : i32
      %add3A_76 = arith.addi %add3A_75, %add3A_53 : i32
      %get3A_77 = arith.index_cast %add3A_76 : i32 to index
      %get3A_78 = tpu.vector_load %arg11[%get3A_77] {strides = array<i32>} : memref<32784xi32, #tpu.memory_space<vmem>>, vector<16xi32>,
      %add3A_79 = arith.addi %add3A_74, %get3A_78 : vector<16xi32>
      %add3A_80 = arith.constant 10245 : i32
      %add3A_81 = arith.addi %add3A_80, %add3A_53 : i32
      %get3A_82 = arith.index_cast %add3A_81 : i32 to index
      %get3A_83 = tpu.vector_load %arg11[%get3A_82] {strides = array<i32>} : memref<32784xi32, #tpu.memory_space<vmem>>, vector<16xi32>,
      %add3A_84 = arith.addi %add3A_79, %get3A_83 : vector<16xi32>
      %add3A_85 = arith.constant 12294 : i32
      %add3A_86 = arith.addi %add3A_85, %add3A_53 : i32
      %get3A_87 = arith.index_cast %add3A_86 : i32 to index
      %get3A_88 = tpu.vector_load %arg11[%get3A_87] {strides = array<i32>} : memref<32784xi32, #tpu.memory_space<vmem>>, vector<16xi32>,
      %add3A_89 = arith.addi %add3A_84, %get3A_88 : vector<16xi32>
      %add3A_90 = arith.constant 14343 : i32
      %add3A_91 = arith.addi %add3A_90, %add3A_53 : i32
      %get3A_92 = arith.index_cast %add3A_91 : i32 to index
      %get3A_93 = tpu.vector_load %arg11[%get3A_92] {strides = array<i32>} : memref<32784xi32, #tpu.memory_space<vmem>>, vector<16xi32>,
      %add3A_94 = arith.addi %add3A_89, %get3A_93 : vector<16xi32>
      %add3A_95 = arith.constant 16392 : i32
      %add3A_96 = arith.addi %add3A_95, %add3A_53 : i32
      %get3A_97 = arith.index_cast %add3A_96 : i32 to index
      %get3A_98 = tpu.vector_load %arg11[%get3A_97] {strides = array<i32>} : memref<32784xi32, #tpu.memory_space<vmem>>, vector<16xi32>,
      %add3A_99 = arith.addi %add3A_94, %get3A_98 : vector<16xi32>
      %add3A_100 = arith.constant 18441 : i32
      %add3A_101 = arith.addi %add3A_100, %add3A_53 : i32
      %get3A_102 = arith.index_cast %add3A_101 : i32 to index
      %get3A_103 = tpu.vector_load %arg11[%get3A_102] {strides = array<i32>} : memref<32784xi32, #tpu.memory_space<vmem>>, vector<16xi32>,
      %add3A_104 = arith.addi %add3A_99, %get3A_103 : vector<16xi32>
      %add3A_105 = arith.constant 20490 : i32
      %add3A_106 = arith.addi %add3A_105, %add3A_53 : i32
      %get3A_107 = arith.index_cast %add3A_106 : i32 to index
      %get3A_108 = tpu.vector_load %arg11[%get3A_107] {strides = array<i32>} : memref<32784xi32, #tpu.memory_space<vmem>>, vector<16xi32>,
      %add3A_109 = arith.addi %add3A_104, %get3A_108 : vector<16xi32>
      %add3A_110 = arith.constant 22539 : i32
      %add3A_111 = arith.addi %add3A_110, %add3A_53 : i32
      %get3A_112 = arith.index_cast %add3A_111 : i32 to index
      %get3A_113 = tpu.vector_load %arg11[%get3A_112] {strides = array<i32>} : memref<32784xi32, #tpu.memory_space<vmem>>, vector<16xi32>,
      %add3A_114 = arith.addi %add3A_109, %get3A_113 : vector<16xi32>
      %add3A_115 = arith.constant 24588 : i32
      %add3A_116 = arith.addi %add3A_115, %add3A_53 : i32
      %get3A_117 = arith.index_cast %add3A_116 : i32 to index
      %get3A_118 = tpu.vector_load %arg11[%get3A_117] {strides = array<i32>} : memref<32784xi32, #tpu.memory_space<vmem>>, vector<16xi32>,
      %add3A_119 = arith.addi %add3A_114, %get3A_118 : vector<16xi32>
      %add3A_120 = arith.constant 26637 : i32
      %add3A_121 = arith.addi %add3A_120, %add3A_53 : i32
      %get3A_122 = arith.index_cast %add3A_121 : i32 to index
      %get3A_123 = tpu.vector_load %arg11[%get3A_122] {strides = array<i32>} : memref<32784xi32, #tpu.memory_space<vmem>>, vector<16xi32>,
      %add3A_124 = arith.addi %add3A_119, %get3A_123 : vector<16xi32>
      %add3A_125 = arith.constant 28686 : i32
      %add3A_126 = arith.addi %add3A_125, %add3A_53 : i32
      %get3A_127 = arith.index_cast %add3A_126 : i32 to index
      %get3A_128 = tpu.vector_load %arg11[%get3A_127] {strides = array<i32>} : memref<32784xi32, #tpu.memory_space<vmem>>, vector<16xi32>,
      %add3A_129 = arith.addi %add3A_124, %get3A_128 : vector<16xi32>
      %add3A_130 = arith.constant 30735 : i32
      %add3A_131 = arith.addi %add3A_130, %add3A_53 : i32
      %get3A_132 = arith.index_cast %add3A_131 : i32 to index
      %get3A_133 = tpu.vector_load %arg11[%get3A_132] {strides = array<i32>} : memref<32784xi32, #tpu.memory_space<vmem>>, vector<16xi32>,
      %add3A_134 = arith.addi %add3A_129, %get3A_133 : vector<16xi32>
      %mul3A_135 = arith.constant 16 : i32
      %mul3A_136 = arith.muli %scan3A_48, %mul3A_135 : i32
      %swap3A_137 = arith.constant 0 : i32
      %swap3A_138 = arith.index_cast %swap3A_137 : i32 to index
      %swap3A_139 = arith.index_cast %mul3A_136 : i32 to index
      %swap3A_140 = tpu.vector_load %arg12[%swap3A_138, %swap3A_139] {strides = array<i32>} : memref<2x1024xi32, #tpu.memory_space<vmem>>, vector<16xi32>,
      tpu.vector_store %arg12[%swap3A_138, %swap3A_139], %add3A_134 {strides = array<i32>} : memref<2x1024xi32, #tpu.memory_space<vmem>>, vector<16xi32>,
      %scan3A_141 = arith.constant 0 : i32
      scf.yield %scan3A_141 : i32
    }
    %scan3A_40 = arith.constant 64 : i32
    %scan3A_41 = arith.constant 0 : i32
    %scan3A_42 = arith.constant 0 : i32
    %scan3A_43 = arith.constant 64 : i32
    %scan3A_44 = arith.addi %scan3A_42, %scan3A_43 : i32
    %scan3A_45 = arith.constant 1 : i32
    %scan3A_46 = scf.for %scan3A_48 = %scan3A_42 to %scan3A_44 step %scan3A_45 iter_args(%scan3A_49 = %scan3A_41) -> (i32)  : i32 {
      %mul3A_50 = arith.constant 16 : i32
      %mul3A_51 = arith.muli %scan3A_48, %mul3A_50 : i32
      %add3A_52 = arith.constant 1024 : i32
      %add3A_53 = arith.addi %add3A_52, %mul3A_51 : i32
      %broadcast_in_dim3A_54 = arith.constant 0 : i32
      %broadcast_in_dim3A_55 = vector.broadcast %broadcast_in_dim3A_54 : i32 to vector<16xi32>
      %add3A_56 = arith.constant 0 : i32
      %add3A_57 = arith.addi %add3A_56, %add3A_53 : i32
      %get3A = arith.index_cast %add3A_57 : i32 to index
      %get3A_58 = tpu.vector_load %arg11[%get3A] {strides = array<i32>} : memref<32784xi32, #tpu.memory_space<vmem>>, vector<16xi32>,
      %add3A_59 = arith.addi %broadcast_in_dim3A_55, %get3A_58 : vector<16xi32>
      %add3A_60 = arith.constant 2049 : i32
      %add3A_61 = arith.addi %add3A_60, %add3A_53 : i32
      %get3A_62 = arith.index_cast %add3A_61 : i32 to index
      %get3A_63 = tpu.vector_load %arg11[%get3A_62] {strides = array<i32>} : memref<32784xi32, #tpu.memory_space<vmem>>, vector<16xi32>,
      %add3A_64 = arith.addi %add3A_59, %get3A_63 : vector<16xi32>
      %add3A_65 = arith.constant 4098 : i32
      %add3A_66 = arith.addi %add3A_65, %add3A_53 : i32
      %get3A_67 = arith.index_cast %add3A_66 : i32 to index
      %get3A_68 = tpu.vector_load %arg11[%get3A_67] {strides = array<i32>} : memref<32784xi32, #tpu.memory_space<vmem>>, vector<16xi32>,
      %add3A_69 = arith.addi %add3A_64, %get3A_68 : vector<16xi32>
      %add3A_70 = arith.constant 6147 : i32
      %add3A_71 = arith.addi %add3A_70, %add3A_53 : i32
      %get3A_72 = arith.index_cast %add3A_71 : i32 to index
      %get3A_73 = tpu.vector_load %arg11[%get3A_72] {strides = array<i32>} : memref<32784xi32, #tpu.memory_space<vmem>>, vector<16xi32>,
      %add3A_74 = arith.addi %add3A_69, %get3A_73 : vector<16xi32>
      %add3A_75 = arith.constant 8196 : i32
      %add3A_76 = arith.addi %add3A_75, %add3A_53 : i32
      %get3A_77 = arith.index_cast %add3A_76 : i32 to index
      %get3A_78 = tpu.vector_load %arg11[%get3A_77] {strides = array<i32>} : memref<32784xi32, #tpu.memory_space<vmem>>, vector<16xi32>,
      %add3A_79 = arith.addi %add3A_74, %get3A_78 : vector<16xi32>
      %add3A_80 = arith.constant 10245 : i32
      %add3A_81 = arith.addi %add3A_80, %add3A_53 : i32
      %get3A_82 = arith.index_cast %add3A_81 : i32 to index
      %get3A_83 = tpu.vector_load %arg11[%get3A_82] {strides = array<i32>} : memref<32784xi32, #tpu.memory_space<vmem>>, vector<16xi32>,
      %add3A_84 = arith.addi %add3A_79, %get3A_83 : vector<16xi32>
      %add3A_85 = arith.constant 12294 : i32
      %add3A_86 = arith.addi %add3A_85, %add3A_53 : i32
      %get3A_87 = arith.index_cast %add3A_86 : i32 to index
      %get3A_88 = tpu.vector_load %arg11[%get3A_87] {strides = array<i32>} : memref<32784xi32, #tpu.memory_space<vmem>>, vector<16xi32>,
      %add3A_89 = arith.addi %add3A_84, %get3A_88 : vector<16xi32>
      %add3A_90 = arith.constant 14343 : i32
      %add3A_91 = arith.addi %add3A_90, %add3A_53 : i32
      %get3A_92 = arith.index_cast %add3A_91 : i32 to index
      %get3A_93 = tpu.vector_load %arg11[%get3A_92] {strides = array<i32>} : memref<32784xi32, #tpu.memory_space<vmem>>, vector<16xi32>,
      %add3A_94 = arith.addi %add3A_89, %get3A_93 : vector<16xi32>
      %add3A_95 = arith.constant 16392 : i32
      %add3A_96 = arith.addi %add3A_95, %add3A_53 : i32
      %get3A_97 = arith.index_cast %add3A_96 : i32 to index
      %get3A_98 = tpu.vector_load %arg11[%get3A_97] {strides = array<i32>} : memref<32784xi32, #tpu.memory_space<vmem>>, vector<16xi32>,
      %add3A_99 = arith.addi %add3A_94, %get3A_98 : vector<16xi32>
      %add3A_100 = arith.constant 18441 : i32
      %add3A_101 = arith.addi %add3A_100, %add3A_53 : i32
      %get3A_102 = arith.index_cast %add3A_101 : i32 to index
      %get3A_103 = tpu.vector_load %arg11[%get3A_102] {strides = array<i32>} : memref<32784xi32, #tpu.memory_space<vmem>>, vector<16xi32>,
      %add3A_104 = arith.addi %add3A_99, %get3A_103 : vector<16xi32>
      %add3A_105 = arith.constant 20490 : i32
      %add3A_106 = arith.addi %add3A_105, %add3A_53 : i32
      %get3A_107 = arith.index_cast %add3A_106 : i32 to index
      %get3A_108 = tpu.vector_load %arg11[%get3A_107] {strides = array<i32>} : memref<32784xi32, #tpu.memory_space<vmem>>, vector<16xi32>,
      %add3A_109 = arith.addi %add3A_104, %get3A_108 : vector<16xi32>
      %add3A_110 = arith.constant 22539 : i32
      %add3A_111 = arith.addi %add3A_110, %add3A_53 : i32
      %get3A_112 = arith.index_cast %add3A_111 : i32 to index
      %get3A_113 = tpu.vector_load %arg11[%get3A_112] {strides = array<i32>} : memref<32784xi32, #tpu.memory_space<vmem>>, vector<16xi32>,
      %add3A_114 = arith.addi %add3A_109, %get3A_113 : vector<16xi32>
      %add3A_115 = arith.constant 24588 : i32
      %add3A_116 = arith.addi %add3A_115, %add3A_53 : i32
      %get3A_117 = arith.index_cast %add3A_116 : i32 to index
      %get3A_118 = tpu.vector_load %arg11[%get3A_117] {strides = array<i32>} : memref<32784xi32, #tpu.memory_space<vmem>>, vector<16xi32>,
      %add3A_119 = arith.addi %add3A_114, %get3A_118 : vector<16xi32>
      %add3A_120 = arith.constant 26637 : i32
      %add3A_121 = arith.addi %add3A_120, %add3A_53 : i32
      %get3A_122 = arith.index_cast %add3A_121 : i32 to index
      %get3A_123 = tpu.vector_load %arg11[%get3A_122] {strides = array<i32>} : memref<32784xi32, #tpu.memory_space<vmem>>, vector<16xi32>,
      %add3A_124 = arith.addi %add3A_119, %get3A_123 : vector<16xi32>
      %add3A_125 = arith.constant 28686 : i32
      %add3A_126 = arith.addi %add3A_125, %add3A_53 : i32
      %get3A_127 = arith.index_cast %add3A_126 : i32 to index
      %get3A_128 = tpu.vector_load %arg11[%get3A_127] {strides = array<i32>} : memref<32784xi32, #tpu.memory_space<vmem>>, vector<16xi32>,
      %add3A_129 = arith.addi %add3A_124, %get3A_128 : vector<16xi32>
      %add3A_130 = arith.constant 30735 : i32
      %add3A_131 = arith.addi %add3A_130, %add3A_53 : i32
      %get3A_132 = arith.index_cast %add3A_131 : i32 to index
      %get3A_133 = tpu.vector_load %arg11[%get3A_132] {strides = array<i32>} : memref<32784xi32, #tpu.memory_space<vmem>>, vector<16xi32>,
      %add3A_134 = arith.addi %add3A_129, %get3A_133 : vector<16xi32>
      %mul3A_135 = arith.constant 16 : i32
      %mul3A_136 = arith.muli %scan3A_48, %mul3A_135 : i32
      %swap3A_137 = arith.constant 1 : i32
      %swap3A_138 = arith.index_cast %swap3A_137 : i32 to index
      %swap3A_139 = arith.index_cast %mul3A_136 : i32 to index
      %swap3A_140 = tpu.vector_load %arg12[%swap3A_138, %swap3A_139] {strides = array<i32>} : memref<2x1024xi32, #tpu.memory_space<vmem>>, vector<16xi32>,
      tpu.vector_store %arg12[%swap3A_138, %swap3A_139], %add3A_134 {strides = array<i32>} : memref<2x1024xi32, #tpu.memory_space<vmem>>, vector<16xi32>,
      %scan3A_141 = arith.constant 0 : i32
      scf.yield %scan3A_141 : i32
    }
    %scan3A_47 = arith.constant 64 : i32
    "tpu.region"() ({
      %run_scoped3A = tpu.sem_alloc : memref<!tpu.dma_semaphore, #tpu.memory_space<semaphore_mem>>
      %dma_start3A_48 = arith.constant 0 : i32
      %dma_start3A_49 = arith.constant 0 : i32
      %dma_start3A_50 = tpu.memref_slice %arg4[%add3A, %dma_start3A_48, %dma_start3A_49] : memref<32x2x1024xi32, #tpu.memory_space<hbm>> -> memref<1x2x1024xi32, #tpu.memory_space<hbm>>
      %dma_start3A_51 = tpu.memref_squeeze %dma_start3A_50 : memref<1x2x1024xi32, #tpu.memory_space<hbm>> -> memref<2x1024xi32, #tpu.memory_space<hbm>>
      %dma_start3A_52 = arith.constant 0 : i32
      %dma_start3A_53 = arith.constant 0 : i32
      %dma_start3A_54 = tpu.memref_slice %arg4[%add3A, %dma_start3A_52, %dma_start3A_53] : memref<32x2x1024xi32, #tpu.memory_space<hbm>> -> memref<1x2x1024xi32, #tpu.memory_space<hbm>>
      %dma_start3A_55 = tpu.memref_squeeze %dma_start3A_54 : memref<1x2x1024xi32, #tpu.memory_space<hbm>> -> memref<2x1024xi32, #tpu.memory_space<hbm>>
      tpu.enqueue_dma source(%arg12 : memref<2x1024xi32, #tpu.memory_space<vmem>>) target(%dma_start3A_55 : memref<2x1024xi32, #tpu.memory_space<hbm>>) target_semaphore(%run_scoped3A : memref<!tpu.dma_semaphore, #tpu.memory_space<semaphore_mem>>)
      %dma_wait3A = arith.constant 0 : i32
      %dma_wait3A_56 = arith.constant 0 : i32
      %dma_wait3A_57 = tpu.memref_slice %arg4[%add3A, %dma_wait3A, %dma_wait3A_56] : memref<32x2x1024xi32, #tpu.memory_space<hbm>> -> memref<1x2x1024xi32, #tpu.memory_space<hbm>>
      %dma_wait3A_58 = tpu.memref_squeeze %dma_wait3A_57 : memref<1x2x1024xi32, #tpu.memory_space<hbm>> -> memref<2x1024xi32, #tpu.memory_space<hbm>>
      %dma_wait3A_59 = arith.constant 0 : i32
      %dma_wait3A_60 = arith.constant 0 : i32
      %dma_wait3A_61 = tpu.memref_slice %arg4[%add3A, %dma_wait3A_59, %dma_wait3A_60] : memref<32x2x1024xi32, #tpu.memory_space<hbm>> -> memref<1x2x1024xi32, #tpu.memory_space<hbm>>
      %dma_wait3A_62 = tpu.memref_squeeze %dma_wait3A_61 : memref<1x2x1024xi32, #tpu.memory_space<hbm>> -> memref<2x1024xi32, #tpu.memory_space<hbm>>
      tpu.wait_dma2 semaphore(%run_scoped3A : memref<!tpu.dma_semaphore, #tpu.memory_space<semaphore_mem>>) src(%arg12 : memref<2x1024xi32, #tpu.memory_space<vmem>>) dst(%dma_wait3A_62 : memref<2x1024xi32, #tpu.memory_space<hbm>>)
      tpu.yield
    }) : () -> ()
    return
  }
}

module attributes {stable_mosaic.version = 14 : i64} {
  func.func @body(%arg0: memref<32x2x1024xi32, #tpu.memory_space<vmem>>, %arg1: memref<2x16xi32, #tpu.memory_space<vmem>>, %arg2: memref<2x16xi32, #tpu.memory_space<vmem>>, %arg3: memref<2x16xi32, #tpu.memory_space<vmem>>, %arg4: memref<2x16xi32, #tpu.memory_space<vmem>>) attributes {dimension_semantics = [], scalar_prefetch = 0 : i64, scratch_operands = 0 : i64, tpu.core_type = #tpu.core_type<tc>} {
    %get3A = arith.constant 0 : index
    %get3A_0 = arith.constant 0 : index
    %get3A_1 = arith.constant 0 : index
    %get3A_2 = vector.load %arg0[%get3A, %get3A_0, %get3A_1] : memref<32x2x1024xi32, #tpu.memory_space<vmem>>, vector<32x2x1024xi32>
    %reduce_sum3A = arith.constant dense<0> : vector<2x1024xi32>
    %reduce_sum3A_3 = vector.multi_reduction <add>, %get3A_2, %reduce_sum3A [0] : vector<32x2x1024xi32> to vector<2x1024xi32>
    %reduce_sum3A_4 = arith.constant dense<0> : vector<2xi32>
    %reduce_sum3A_5 = vector.multi_reduction <add>, %reduce_sum3A_3, %reduce_sum3A_4 [1] : vector<2x1024xi32> to vector<2xi32>
    %broadcast_in_dim3A = vector.shape_cast %reduce_sum3A_5 : vector<2xi32> to vector<2x1xi32>
    %iota3A = tpu.iota {dimensions = array<i32: 0>} : vector<2x1xi32>
    %eq3A = arith.constant 1 : i32
    %eq3A_6 = vector.broadcast %eq3A : i32 to vector<2x1xi32>
    %eq3A_7 = arith.cmpi eq, %iota3A, %eq3A_6 : vector<2x1xi32>
    %jit3A = arith.constant 2 : i32
    %jit3A_8 = arith.constant 10 : i32
    %broadcast_in_dim3A_9 = vector.broadcast %jit3A : i32 to vector<2x1xi32>
    %broadcast_in_dim3A_10 = vector.broadcast %jit3A_8 : i32 to vector<2x1xi32>
    %select_n3A = arith.select %eq3A_7, %broadcast_in_dim3A_9, %broadcast_in_dim3A_10 : vector<2x1xi1>, vector<2x1xi32>
    %div3A = arith.divsi %broadcast_in_dim3A, %select_n3A : vector<2x1xi32>
    %sign3A = arith.constant 0 : i32
    %sign3A_11 = vector.broadcast %sign3A : i32 to vector<2x1xi32>
    %sign3A_12 = arith.cmpi sgt, %broadcast_in_dim3A, %sign3A_11 : vector<2x1xi32>
    %sign3A_13 = arith.extui %sign3A_12 : vector<2x1xi1> to vector<2x1xi32>
    %sign3A_14 = arith.constant 0 : i32
    %sign3A_15 = vector.broadcast %sign3A_14 : i32 to vector<2x1xi32>
    %sign3A_16 = arith.cmpi slt, %broadcast_in_dim3A, %sign3A_15 : vector<2x1xi32>
    %sign3A_17 = arith.extui %sign3A_16 : vector<2x1xi1> to vector<2x1xi32>
    %sign3A_18 = arith.subi %sign3A_13, %sign3A_17 : vector<2x1xi32>
    %sign3A_19 = arith.constant 0 : i32
    %sign3A_20 = vector.broadcast %sign3A_19 : i32 to vector<2x1xi32>
    %sign3A_21 = arith.cmpi sgt, %select_n3A, %sign3A_20 : vector<2x1xi32>
    %sign3A_22 = arith.extui %sign3A_21 : vector<2x1xi1> to vector<2x1xi32>
    %sign3A_23 = arith.constant 0 : i32
    %sign3A_24 = vector.broadcast %sign3A_23 : i32 to vector<2x1xi32>
    %sign3A_25 = arith.cmpi slt, %select_n3A, %sign3A_24 : vector<2x1xi32>
    %sign3A_26 = arith.extui %sign3A_25 : vector<2x1xi1> to vector<2x1xi32>
    %sign3A_27 = arith.subi %sign3A_22, %sign3A_26 : vector<2x1xi32>
    %ne3A = arith.cmpi ne, %sign3A_18, %sign3A_27 : vector<2x1xi32>
    %rem3A = arith.remsi %broadcast_in_dim3A, %select_n3A : vector<2x1xi32>
    %ne3A_28 = arith.constant 0 : i32
    %ne3A_29 = vector.broadcast %ne3A_28 : i32 to vector<2x1xi32>
    %ne3A_30 = arith.cmpi ne, %rem3A, %ne3A_29 : vector<2x1xi32>
    %and3A = arith.andi %ne3A, %ne3A_30 : vector<2x1xi1>
    %sub3A = arith.constant 1 : i32
    %sub3A_31 = vector.broadcast %sub3A : i32 to vector<2x1xi32>
    %sub3A_32 = arith.subi %div3A, %sub3A_31 : vector<2x1xi32>
    %select_n3A_33 = arith.select %and3A, %sub3A_32, %div3A : vector<2x1xi1>, vector<2x1xi32>
    %max3A = arith.constant 1 : i32
    %max3A_34 = vector.broadcast %max3A : i32 to vector<2x1xi32>
    %max3A_35 = arith.maxsi %max3A_34, %select_n3A_33 : vector<2x1xi32>
    %broadcast_in_dim3A_36 = arith.constant 0 : i32
    %broadcast_in_dim3A_37 = vector.broadcast %broadcast_in_dim3A_36 : i32 to vector<2x1xi32>
    %slice3A = vector.extract_strided_slice %reduce_sum3A_3 {offsets = [0, 0], sizes = [2, 1023], strides = [1, 1]} : vector<2x1024xi32> to vector<2x1023xi32>
    %concatenate3A = tpu.concatenate %broadcast_in_dim3A_37, %slice3A in 1 : vector<2x1xi32>, vector<2x1023xi32> -> vector<2x1024xi32>
    %add3A = arith.addi %reduce_sum3A_3, %concatenate3A : vector<2x1024xi32>
    %broadcast_in_dim3A_38 = arith.constant 0 : i32
    %broadcast_in_dim3A_39 = vector.broadcast %broadcast_in_dim3A_38 : i32 to vector<2x2xi32>
    %slice3A_40 = vector.extract_strided_slice %add3A {offsets = [0, 0], sizes = [2, 1022], strides = [1, 1]} : vector<2x1024xi32> to vector<2x1022xi32>
    %concatenate3A_41 = tpu.concatenate %broadcast_in_dim3A_39, %slice3A_40 in 1 : vector<2x2xi32>, vector<2x1022xi32> -> vector<2x1024xi32>
    %add3A_42 = arith.addi %add3A, %concatenate3A_41 : vector<2x1024xi32>
    %broadcast_in_dim3A_43 = arith.constant 0 : i32
    %broadcast_in_dim3A_44 = vector.broadcast %broadcast_in_dim3A_43 : i32 to vector<2x4xi32>
    %slice3A_45 = vector.extract_strided_slice %add3A_42 {offsets = [0, 0], sizes = [2, 1020], strides = [1, 1]} : vector<2x1024xi32> to vector<2x1020xi32>
    %concatenate3A_46 = tpu.concatenate %broadcast_in_dim3A_44, %slice3A_45 in 1 : vector<2x4xi32>, vector<2x1020xi32> -> vector<2x1024xi32>
    %add3A_47 = arith.addi %add3A_42, %concatenate3A_46 : vector<2x1024xi32>
    %broadcast_in_dim3A_48 = arith.constant 0 : i32
    %broadcast_in_dim3A_49 = vector.broadcast %broadcast_in_dim3A_48 : i32 to vector<2x8xi32>
    %slice3A_50 = vector.extract_strided_slice %add3A_47 {offsets = [0, 0], sizes = [2, 1016], strides = [1, 1]} : vector<2x1024xi32> to vector<2x1016xi32>
    %concatenate3A_51 = tpu.concatenate %broadcast_in_dim3A_49, %slice3A_50 in 1 : vector<2x8xi32>, vector<2x1016xi32> -> vector<2x1024xi32>
    %add3A_52 = arith.addi %add3A_47, %concatenate3A_51 : vector<2x1024xi32>
    %broadcast_in_dim3A_53 = arith.constant 0 : i32
    %broadcast_in_dim3A_54 = vector.broadcast %broadcast_in_dim3A_53 : i32 to vector<2x16xi32>
    %slice3A_55 = vector.extract_strided_slice %add3A_52 {offsets = [0, 0], sizes = [2, 1008], strides = [1, 1]} : vector<2x1024xi32> to vector<2x1008xi32>
    %concatenate3A_56 = tpu.concatenate %broadcast_in_dim3A_54, %slice3A_55 in 1 : vector<2x16xi32>, vector<2x1008xi32> -> vector<2x1024xi32>
    %add3A_57 = arith.addi %add3A_52, %concatenate3A_56 : vector<2x1024xi32>
    %broadcast_in_dim3A_58 = arith.constant 0 : i32
    %broadcast_in_dim3A_59 = vector.broadcast %broadcast_in_dim3A_58 : i32 to vector<2x32xi32>
    %slice3A_60 = vector.extract_strided_slice %add3A_57 {offsets = [0, 0], sizes = [2, 992], strides = [1, 1]} : vector<2x1024xi32> to vector<2x992xi32>
    %concatenate3A_61 = tpu.concatenate %broadcast_in_dim3A_59, %slice3A_60 in 1 : vector<2x32xi32>, vector<2x992xi32> -> vector<2x1024xi32>
    %add3A_62 = arith.addi %add3A_57, %concatenate3A_61 : vector<2x1024xi32>
    %broadcast_in_dim3A_63 = arith.constant 0 : i32
    %broadcast_in_dim3A_64 = vector.broadcast %broadcast_in_dim3A_63 : i32 to vector<2x64xi32>
    %slice3A_65 = vector.extract_strided_slice %add3A_62 {offsets = [0, 0], sizes = [2, 960], strides = [1, 1]} : vector<2x1024xi32> to vector<2x960xi32>
    %concatenate3A_66 = tpu.concatenate %broadcast_in_dim3A_64, %slice3A_65 in 1 : vector<2x64xi32>, vector<2x960xi32> -> vector<2x1024xi32>
    %add3A_67 = arith.addi %add3A_62, %concatenate3A_66 : vector<2x1024xi32>
    %broadcast_in_dim3A_68 = arith.constant 0 : i32
    %broadcast_in_dim3A_69 = vector.broadcast %broadcast_in_dim3A_68 : i32 to vector<2x128xi32>
    %slice3A_70 = vector.extract_strided_slice %add3A_67 {offsets = [0, 0], sizes = [2, 896], strides = [1, 1]} : vector<2x1024xi32> to vector<2x896xi32>
    %concatenate3A_71 = tpu.concatenate %broadcast_in_dim3A_69, %slice3A_70 in 1 : vector<2x128xi32>, vector<2x896xi32> -> vector<2x1024xi32>
    %add3A_72 = arith.addi %add3A_67, %concatenate3A_71 : vector<2x1024xi32>
    %broadcast_in_dim3A_73 = arith.constant 0 : i32
    %broadcast_in_dim3A_74 = vector.broadcast %broadcast_in_dim3A_73 : i32 to vector<2x256xi32>
    %slice3A_75 = vector.extract_strided_slice %add3A_72 {offsets = [0, 0], sizes = [2, 768], strides = [1, 1]} : vector<2x1024xi32> to vector<2x768xi32>
    %concatenate3A_76 = tpu.concatenate %broadcast_in_dim3A_74, %slice3A_75 in 1 : vector<2x256xi32>, vector<2x768xi32> -> vector<2x1024xi32>
    %add3A_77 = arith.addi %add3A_72, %concatenate3A_76 : vector<2x1024xi32>
    %broadcast_in_dim3A_78 = arith.constant 0 : i32
    %broadcast_in_dim3A_79 = vector.broadcast %broadcast_in_dim3A_78 : i32 to vector<2x512xi32>
    %slice3A_80 = vector.extract_strided_slice %add3A_77 {offsets = [0, 0], sizes = [2, 512], strides = [1, 1]} : vector<2x1024xi32> to vector<2x512xi32>
    %concatenate3A_81 = tpu.concatenate %broadcast_in_dim3A_79, %slice3A_80 in 1 : vector<2x512xi32>, vector<2x512xi32> -> vector<2x1024xi32>
    %add3A_82 = arith.addi %add3A_77, %concatenate3A_81 : vector<2x1024xi32>
    %lt3A = vector.broadcast %max3A_35 : vector<2x1xi32> to vector<2x1024xi32>
    %lt3A_83 = arith.cmpi slt, %add3A_82, %lt3A : vector<2x1024xi32>
    %convert_element_type3A = arith.extui %lt3A_83 : vector<2x1024xi1> to vector<2x1024xi32>
    %reduce_sum3A_84 = arith.constant dense<0> : vector<2xi32>
    %reduce_sum3A_85 = vector.multi_reduction <add>, %convert_element_type3A, %reduce_sum3A_84 [1] : vector<2x1024xi32> to vector<2xi32>
    %broadcast_in_dim3A_86 = vector.shape_cast %reduce_sum3A_85 : vector<2xi32> to vector<2x1xi32>
    %jit3A_87 = arith.constant 0 : i32
    %broadcast_in_dim3A_88 = vector.broadcast %jit3A_87 : i32 to vector<2x1024xi32>
    %select_n3A_89 = arith.select %lt3A_83, %reduce_sum3A_3, %broadcast_in_dim3A_88 : vector<2x1024xi1>, vector<2x1024xi32>
    %reduce_sum3A_90 = arith.constant dense<0> : vector<2xi32>
    %reduce_sum3A_91 = vector.multi_reduction <add>, %select_n3A_89, %reduce_sum3A_90 [1] : vector<2x1024xi32> to vector<2xi32>
    %broadcast_in_dim3A_92 = vector.shape_cast %reduce_sum3A_91 : vector<2xi32> to vector<2x1xi32>
    %broadcast_in_dim3A_93 = vector.shape_cast %broadcast_in_dim3A_86 : vector<2x1xi32> to vector<2x1xi32>
    %broadcast_in_dim3A_94 = vector.broadcast %broadcast_in_dim3A_93 : vector<2x1xi32> to vector<2x16xi32>
    %swap3A = arith.constant 0 : index
    %swap3A_95 = arith.constant 0 : index
    %swap3A_96 = vector.load %arg1[%swap3A, %swap3A_95] : memref<2x16xi32, #tpu.memory_space<vmem>>, vector<2x16xi32>
    tpu.vector_store %arg1[%swap3A, %swap3A_95], %broadcast_in_dim3A_94 {strides = array<i32>} : memref<2x16xi32, #tpu.memory_space<vmem>>, vector<2x16xi32>,
    %broadcast_in_dim3A_97 = vector.shape_cast %broadcast_in_dim3A_92 : vector<2x1xi32> to vector<2x1xi32>
    %broadcast_in_dim3A_98 = vector.broadcast %broadcast_in_dim3A_97 : vector<2x1xi32> to vector<2x16xi32>
    %swap3A_99 = arith.constant 0 : index
    %swap3A_100 = arith.constant 0 : index
    %swap3A_101 = vector.load %arg2[%swap3A_99, %swap3A_100] : memref<2x16xi32, #tpu.memory_space<vmem>>, vector<2x16xi32>
    tpu.vector_store %arg2[%swap3A_99, %swap3A_100], %broadcast_in_dim3A_98 {strides = array<i32>} : memref<2x16xi32, #tpu.memory_space<vmem>>, vector<2x16xi32>,
    %broadcast_in_dim3A_102 = vector.shape_cast %max3A_35 : vector<2x1xi32> to vector<2x1xi32>
    %broadcast_in_dim3A_103 = vector.broadcast %broadcast_in_dim3A_102 : vector<2x1xi32> to vector<2x16xi32>
    %swap3A_104 = arith.constant 0 : index
    %swap3A_105 = arith.constant 0 : index
    %swap3A_106 = vector.load %arg3[%swap3A_104, %swap3A_105] : memref<2x16xi32, #tpu.memory_space<vmem>>, vector<2x16xi32>
    tpu.vector_store %arg3[%swap3A_104, %swap3A_105], %broadcast_in_dim3A_103 {strides = array<i32>} : memref<2x16xi32, #tpu.memory_space<vmem>>, vector<2x16xi32>,
    %broadcast_in_dim3A_107 = vector.shape_cast %broadcast_in_dim3A : vector<2x1xi32> to vector<2x1xi32>
    %broadcast_in_dim3A_108 = vector.broadcast %broadcast_in_dim3A_107 : vector<2x1xi32> to vector<2x16xi32>
    %swap3A_109 = arith.constant 0 : index
    %swap3A_110 = arith.constant 0 : index
    %swap3A_111 = vector.load %arg4[%swap3A_109, %swap3A_110] : memref<2x16xi32, #tpu.memory_space<vmem>>, vector<2x16xi32>
    tpu.vector_store %arg4[%swap3A_109, %swap3A_110], %broadcast_in_dim3A_108 {strides = array<i32>} : memref<2x16xi32, #tpu.memory_space<vmem>>, vector<2x16xi32>,
    return
  }
}

module attributes {stable_mosaic.version = 14 : i64} {
  func.func @body(%arg0: memref<32x2x1024xi32, #tpu.memory_space<vmem>>, %arg1: memref<32x2x1024xf32, #tpu.memory_space<vmem>>, %arg2: memref<32x2x16xf32, #tpu.memory_space<vmem>>, %arg3: memref<2x16xi32, #tpu.memory_space<vmem>>, %arg4: memref<2x16xi32, #tpu.memory_space<vmem>>, %arg5: memref<2x16xi32, #tpu.memory_space<vmem>>, %arg6: memref<1x1xf32, #tpu.memory_space<vmem>>) attributes {dimension_semantics = [], scalar_prefetch = 0 : i64, scratch_operands = 0 : i64, tpu.core_type = #tpu.core_type<tc>} {
    %get3A = arith.constant 0 : index
    %get3A_0 = arith.constant 0 : index
    %get3A_1 = arith.constant 0 : index
    %get3A_2 = vector.load %arg0[%get3A, %get3A_0, %get3A_1] : memref<32x2x1024xi32, #tpu.memory_space<vmem>>, vector<32x2x1024xi32>
    %reduce_sum3A = arith.constant dense<0> : vector<2x1024xi32>
    %reduce_sum3A_3 = vector.multi_reduction <add>, %get3A_2, %reduce_sum3A [0] : vector<32x2x1024xi32> to vector<2x1024xi32>
    %get3A_4 = arith.constant 0 : index
    %get3A_5 = arith.constant 0 : index
    %get3A_6 = arith.constant 0 : index
    %get3A_7 = vector.load %arg1[%get3A_4, %get3A_5, %get3A_6] : memref<32x2x1024xf32, #tpu.memory_space<vmem>>, vector<32x2x1024xf32>
    %reduce_sum3A_8 = arith.constant dense<0.000000e+00> : vector<2x1024xf32>
    %reduce_sum3A_9 = vector.multi_reduction <add>, %get3A_7, %reduce_sum3A_8 [0] : vector<32x2x1024xf32> to vector<2x1024xf32>
    %get3A_10 = arith.constant 0 : index
    %get3A_11 = arith.constant 0 : index
    %get3A_12 = arith.constant 0 : index
    %get3A_13 = vector.load %arg2[%get3A_10, %get3A_11, %get3A_12] : memref<32x2x16xf32, #tpu.memory_space<vmem>>, vector<32x2x16xf32>
    %reduce_sum3A_14 = arith.constant dense<0.000000e+00> : vector<2x16xf32>
    %reduce_sum3A_15 = vector.multi_reduction <add>, %get3A_13, %reduce_sum3A_14 [0] : vector<32x2x16xf32> to vector<2x16xf32>
    %reduce_sum3A_16 = arith.constant dense<0.000000e+00> : vector<2xf32>
    %reduce_sum3A_17 = vector.multi_reduction <add>, %reduce_sum3A_15, %reduce_sum3A_16 [1] : vector<2x16xf32> to vector<2xf32>
    %broadcast_in_dim3A = vector.shape_cast %reduce_sum3A_17 : vector<2xf32> to vector<2x1xf32>
    %get3A_18 = arith.constant 0 : index
    %get3A_19 = arith.constant 0 : index
    %get3A_20 = vector.load %arg3[%get3A_18, %get3A_19] : memref<2x16xi32, #tpu.memory_space<vmem>>, vector<2x1xi32>
    %get3A_21 = arith.constant 0 : index
    %get3A_22 = arith.constant 0 : index
    %get3A_23 = vector.load %arg4[%get3A_21, %get3A_22] : memref<2x16xi32, #tpu.memory_space<vmem>>, vector<2x1xi32>
    %get3A_24 = arith.constant 0 : index
    %get3A_25 = arith.constant 0 : index
    %get3A_26 = vector.load %arg5[%get3A_24, %get3A_25] : memref<2x16xi32, #tpu.memory_space<vmem>>, vector<2x1xi32>
    %sub3A = arith.subi %get3A_23, %get3A_20 : vector<2x1xi32>
    %broadcast_in_dim3A_27 = arith.constant 0 : i32
    %broadcast_in_dim3A_28 = vector.broadcast %broadcast_in_dim3A_27 : i32 to vector<2x1xi32>
    %slice3A = vector.extract_strided_slice %reduce_sum3A_3 {offsets = [0, 0], sizes = [2, 1023], strides = [1, 1]} : vector<2x1024xi32> to vector<2x1023xi32>
    %concatenate3A = tpu.concatenate %broadcast_in_dim3A_28, %slice3A in 1 : vector<2x1xi32>, vector<2x1023xi32> -> vector<2x1024xi32>
    %add3A = arith.addi %reduce_sum3A_3, %concatenate3A : vector<2x1024xi32>
    %broadcast_in_dim3A_29 = arith.constant 0 : i32
    %broadcast_in_dim3A_30 = vector.broadcast %broadcast_in_dim3A_29 : i32 to vector<2x2xi32>
    %slice3A_31 = vector.extract_strided_slice %add3A {offsets = [0, 0], sizes = [2, 1022], strides = [1, 1]} : vector<2x1024xi32> to vector<2x1022xi32>
    %concatenate3A_32 = tpu.concatenate %broadcast_in_dim3A_30, %slice3A_31 in 1 : vector<2x2xi32>, vector<2x1022xi32> -> vector<2x1024xi32>
    %add3A_33 = arith.addi %add3A, %concatenate3A_32 : vector<2x1024xi32>
    %broadcast_in_dim3A_34 = arith.constant 0 : i32
    %broadcast_in_dim3A_35 = vector.broadcast %broadcast_in_dim3A_34 : i32 to vector<2x4xi32>
    %slice3A_36 = vector.extract_strided_slice %add3A_33 {offsets = [0, 0], sizes = [2, 1020], strides = [1, 1]} : vector<2x1024xi32> to vector<2x1020xi32>
    %concatenate3A_37 = tpu.concatenate %broadcast_in_dim3A_35, %slice3A_36 in 1 : vector<2x4xi32>, vector<2x1020xi32> -> vector<2x1024xi32>
    %add3A_38 = arith.addi %add3A_33, %concatenate3A_37 : vector<2x1024xi32>
    %broadcast_in_dim3A_39 = arith.constant 0 : i32
    %broadcast_in_dim3A_40 = vector.broadcast %broadcast_in_dim3A_39 : i32 to vector<2x8xi32>
    %slice3A_41 = vector.extract_strided_slice %add3A_38 {offsets = [0, 0], sizes = [2, 1016], strides = [1, 1]} : vector<2x1024xi32> to vector<2x1016xi32>
    %concatenate3A_42 = tpu.concatenate %broadcast_in_dim3A_40, %slice3A_41 in 1 : vector<2x8xi32>, vector<2x1016xi32> -> vector<2x1024xi32>
    %add3A_43 = arith.addi %add3A_38, %concatenate3A_42 : vector<2x1024xi32>
    %broadcast_in_dim3A_44 = arith.constant 0 : i32
    %broadcast_in_dim3A_45 = vector.broadcast %broadcast_in_dim3A_44 : i32 to vector<2x16xi32>
    %slice3A_46 = vector.extract_strided_slice %add3A_43 {offsets = [0, 0], sizes = [2, 1008], strides = [1, 1]} : vector<2x1024xi32> to vector<2x1008xi32>
    %concatenate3A_47 = tpu.concatenate %broadcast_in_dim3A_45, %slice3A_46 in 1 : vector<2x16xi32>, vector<2x1008xi32> -> vector<2x1024xi32>
    %add3A_48 = arith.addi %add3A_43, %concatenate3A_47 : vector<2x1024xi32>
    %broadcast_in_dim3A_49 = arith.constant 0 : i32
    %broadcast_in_dim3A_50 = vector.broadcast %broadcast_in_dim3A_49 : i32 to vector<2x32xi32>
    %slice3A_51 = vector.extract_strided_slice %add3A_48 {offsets = [0, 0], sizes = [2, 992], strides = [1, 1]} : vector<2x1024xi32> to vector<2x992xi32>
    %concatenate3A_52 = tpu.concatenate %broadcast_in_dim3A_50, %slice3A_51 in 1 : vector<2x32xi32>, vector<2x992xi32> -> vector<2x1024xi32>
    %add3A_53 = arith.addi %add3A_48, %concatenate3A_52 : vector<2x1024xi32>
    %broadcast_in_dim3A_54 = arith.constant 0 : i32
    %broadcast_in_dim3A_55 = vector.broadcast %broadcast_in_dim3A_54 : i32 to vector<2x64xi32>
    %slice3A_56 = vector.extract_strided_slice %add3A_53 {offsets = [0, 0], sizes = [2, 960], strides = [1, 1]} : vector<2x1024xi32> to vector<2x960xi32>
    %concatenate3A_57 = tpu.concatenate %broadcast_in_dim3A_55, %slice3A_56 in 1 : vector<2x64xi32>, vector<2x960xi32> -> vector<2x1024xi32>
    %add3A_58 = arith.addi %add3A_53, %concatenate3A_57 : vector<2x1024xi32>
    %broadcast_in_dim3A_59 = arith.constant 0 : i32
    %broadcast_in_dim3A_60 = vector.broadcast %broadcast_in_dim3A_59 : i32 to vector<2x128xi32>
    %slice3A_61 = vector.extract_strided_slice %add3A_58 {offsets = [0, 0], sizes = [2, 896], strides = [1, 1]} : vector<2x1024xi32> to vector<2x896xi32>
    %concatenate3A_62 = tpu.concatenate %broadcast_in_dim3A_60, %slice3A_61 in 1 : vector<2x128xi32>, vector<2x896xi32> -> vector<2x1024xi32>
    %add3A_63 = arith.addi %add3A_58, %concatenate3A_62 : vector<2x1024xi32>
    %broadcast_in_dim3A_64 = arith.constant 0 : i32
    %broadcast_in_dim3A_65 = vector.broadcast %broadcast_in_dim3A_64 : i32 to vector<2x256xi32>
    %slice3A_66 = vector.extract_strided_slice %add3A_63 {offsets = [0, 0], sizes = [2, 768], strides = [1, 1]} : vector<2x1024xi32> to vector<2x768xi32>
    %concatenate3A_67 = tpu.concatenate %broadcast_in_dim3A_65, %slice3A_66 in 1 : vector<2x256xi32>, vector<2x768xi32> -> vector<2x1024xi32>
    %add3A_68 = arith.addi %add3A_63, %concatenate3A_67 : vector<2x1024xi32>
    %broadcast_in_dim3A_69 = arith.constant 0 : i32
    %broadcast_in_dim3A_70 = vector.broadcast %broadcast_in_dim3A_69 : i32 to vector<2x512xi32>
    %slice3A_71 = vector.extract_strided_slice %add3A_68 {offsets = [0, 0], sizes = [2, 512], strides = [1, 1]} : vector<2x1024xi32> to vector<2x512xi32>
    %concatenate3A_72 = tpu.concatenate %broadcast_in_dim3A_70, %slice3A_71 in 1 : vector<2x512xi32>, vector<2x512xi32> -> vector<2x1024xi32>
    %add3A_73 = arith.addi %add3A_68, %concatenate3A_72 : vector<2x1024xi32>
    %lt3A = vector.broadcast %sub3A : vector<2x1xi32> to vector<2x1024xi32>
    %lt3A_74 = arith.cmpi slt, %add3A_73, %lt3A : vector<2x1024xi32>
    %jit3A = arith.constant 0 : i32
    %broadcast_in_dim3A_75 = vector.broadcast %jit3A : i32 to vector<2x1024xi32>
    %select_n3A = arith.select %lt3A_74, %reduce_sum3A_3, %broadcast_in_dim3A_75 : vector<2x1024xi1>, vector<2x1024xi32>
    %reduce_sum3A_76 = arith.constant dense<0> : vector<2xi32>
    %reduce_sum3A_77 = vector.multi_reduction <add>, %select_n3A, %reduce_sum3A_76 [1] : vector<2x1024xi32> to vector<2xi32>
    %broadcast_in_dim3A_78 = vector.shape_cast %reduce_sum3A_77 : vector<2xi32> to vector<2x1xi32>
    %jit3A_79 = arith.constant 0.000000e+00 : f32
    %broadcast_in_dim3A_80 = vector.broadcast %jit3A_79 : f32 to vector<2x1024xf32>
    %select_n3A_81 = arith.select %lt3A_74, %reduce_sum3A_9, %broadcast_in_dim3A_80 : vector<2x1024xi1>, vector<2x1024xf32>
    %reduce_sum3A_82 = arith.constant dense<0.000000e+00> : vector<2xf32>
    %reduce_sum3A_83 = vector.multi_reduction <add>, %select_n3A_81, %reduce_sum3A_82 [1] : vector<2x1024xf32> to vector<2xf32>
    %broadcast_in_dim3A_84 = vector.shape_cast %reduce_sum3A_83 : vector<2xf32> to vector<2x1xf32>
    %not3A = arith.constant dense<true> : vector<2x1024xi1>
    %not3A_85 = arith.xori %lt3A_74, %not3A : vector<2x1024xi1>
    %sub3A_86 = arith.subi %add3A_73, %reduce_sum3A_3 : vector<2x1024xi32>
    %lt3A_87 = vector.broadcast %sub3A : vector<2x1xi32> to vector<2x1024xi32>
    %lt3A_88 = arith.cmpi slt, %sub3A_86, %lt3A_87 : vector<2x1024xi32>
    %and3A = arith.andi %not3A_85, %lt3A_88 : vector<2x1024xi1>
    %jit3A_89 = arith.constant 0 : i32
    %broadcast_in_dim3A_90 = vector.broadcast %jit3A_89 : i32 to vector<2x1024xi32>
    %select_n3A_91 = arith.select %and3A, %reduce_sum3A_3, %broadcast_in_dim3A_90 : vector<2x1024xi1>, vector<2x1024xi32>
    %reduce_sum3A_92 = arith.constant dense<0> : vector<2xi32>
    %reduce_sum3A_93 = vector.multi_reduction <add>, %select_n3A_91, %reduce_sum3A_92 [1] : vector<2x1024xi32> to vector<2xi32>
    %broadcast_in_dim3A_94 = vector.shape_cast %reduce_sum3A_93 : vector<2xi32> to vector<2x1xi32>
    %jit3A_95 = arith.constant 0.000000e+00 : f32
    %broadcast_in_dim3A_96 = vector.broadcast %jit3A_95 : f32 to vector<2x1024xf32>
    %select_n3A_97 = arith.select %and3A, %reduce_sum3A_9, %broadcast_in_dim3A_96 : vector<2x1024xi1>, vector<2x1024xf32>
    %reduce_sum3A_98 = arith.constant dense<0.000000e+00> : vector<2xf32>
    %reduce_sum3A_99 = vector.multi_reduction <add>, %select_n3A_97, %reduce_sum3A_98 [1] : vector<2x1024xf32> to vector<2xf32>
    %broadcast_in_dim3A_100 = vector.shape_cast %reduce_sum3A_99 : vector<2xf32> to vector<2x1xf32>
    %sub3A_101 = arith.subi %sub3A, %broadcast_in_dim3A_78 : vector<2x1xi32>
    %convert_element_type3A = arith.sitofp %sub3A_101 : vector<2x1xi32> to vector<2x1xf32>
    %add3A_102 = arith.addf %broadcast_in_dim3A, %broadcast_in_dim3A_84 : vector<2x1xf32>
    %mul3A = arith.mulf %convert_element_type3A, %broadcast_in_dim3A_100 : vector<2x1xf32>
    %max3A = arith.constant 1 : i32
    %max3A_103 = vector.broadcast %max3A : i32 to vector<2x1xi32>
    %max3A_104 = arith.maxsi %broadcast_in_dim3A_94, %max3A_103 : vector<2x1xi32>
    %convert_element_type3A_105 = arith.sitofp %max3A_104 : vector<2x1xi32> to vector<2x1xf32>
    %div3A = arith.divf %mul3A, %convert_element_type3A_105 : vector<2x1xf32>
    %add3A_106 = arith.addf %add3A_102, %div3A : vector<2x1xf32>
    %convert_element_type3A_107 = arith.sitofp %get3A_23 : vector<2x1xi32> to vector<2x1xf32>
    %div3A_108 = arith.divf %add3A_106, %convert_element_type3A_107 : vector<2x1xf32>
    %reduce_sum3A_109 = vector.shape_cast %div3A_108 : vector<2x1xf32> to vector<1x2x1xf32>
    %reduce_sum3A_110 = arith.constant dense<0.000000e+00> : vector<1xf32>
    %reduce_sum3A_111 = vector.multi_reduction <add>, %reduce_sum3A_109, %reduce_sum3A_110 [1, 2] : vector<1x2x1xf32> to vector<1xf32>
    %reduce_sum3A_112 = vector.shape_cast %reduce_sum3A_111 : vector<1xf32> to vector<1x1x1xf32>
    %reduce_sum3A_113 = vector.extract %reduce_sum3A_112[0, 0, 0] : f32 from vector<1x1x1xf32>
    %sub3A_114 = arith.constant 5.000000e+00 : f32
    %sub3A_115 = arith.subf %sub3A_114, %reduce_sum3A_113 : f32
    %max3A_116 = arith.constant 0.000000e+00 : f32
    %max3A_117 = arith.maximumf %sub3A_115, %max3A_116 : f32
    %eq3A = arith.constant 0 : i32
    %eq3A_118 = vector.broadcast %eq3A : i32 to vector<2x1xi32>
    %eq3A_119 = arith.cmpi eq, %get3A_26, %eq3A_118 : vector<2x1xi32>
    %jit3A_120 = arith.constant 1 : i32
    %jit3A_121 = arith.constant 0 : i32
    %broadcast_in_dim3A_122 = vector.broadcast %jit3A_120 : i32 to vector<2x1xi32>
    %broadcast_in_dim3A_123 = vector.broadcast %jit3A_121 : i32 to vector<2x1xi32>
    %select_n3A_124 = arith.select %eq3A_119, %broadcast_in_dim3A_122, %broadcast_in_dim3A_123 : vector<2x1xi1>, vector<2x1xi32>
    %reduce_sum3A_125 = vector.shape_cast %select_n3A_124 : vector<2x1xi32> to vector<1x2x1xi32>
    %reduce_sum3A_126 = arith.constant dense<0> : vector<1xi32>
    %reduce_sum3A_127 = vector.multi_reduction <add>, %reduce_sum3A_125, %reduce_sum3A_126 [1, 2] : vector<1x2x1xi32> to vector<1xi32>
    %reduce_sum3A_128 = vector.shape_cast %reduce_sum3A_127 : vector<1xi32> to vector<1x1x1xi32>
    %reduce_sum3A_129 = vector.extract %reduce_sum3A_128[0, 0, 0] : i32 from vector<1x1x1xi32>
    %gt3A = arith.constant 0 : i32
    %gt3A_130 = arith.cmpi sgt, %reduce_sum3A_129, %gt3A : i32
    %jit3A_131 = arith.constant 0.000000e+00 : f32
    %select_n3A_132 = arith.select %gt3A_130, %jit3A_131, %max3A_117 : f32
    %broadcast_in_dim3A_133 = vector.broadcast %select_n3A_132 : f32 to vector<1x1xf32>
    %swap3A = arith.constant 0 : index
    %swap3A_134 = arith.constant 0 : index
    %swap3A_135 = vector.load %arg6[%swap3A, %swap3A_134] : memref<1x1xf32, #tpu.memory_space<vmem>>, vector<1x1xf32>
    tpu.vector_store %arg6[%swap3A, %swap3A_134], %broadcast_in_dim3A_133 {strides = array<i32>} : memref<1x1xf32, #tpu.memory_space<vmem>>, vector<1x1xf32>,
    return
  }
}

</mosaic_0001>

<sc_bundles>
// kernel: kernel.6.cloned.1.call-start
scs
__scs_entry_jumppad:
0x0: {  	(pc) =	sbr.rel $0x88, $3  }
0x1: {  	(tag) =	ssettag $0x0;
	lr =	simm.s32 $0x1  }
0x2: {  	[smem:$0x3F9F] =	sst lr;
	_ =	strace $0xD0000000  }
0x3: {  	_ = 	snop  }
0x4: {  	_ = 	snop  }
0x5: {  	_ = 	snop  }
0x6: {  	_ = 	snop  }
0x7: {  	_ = 	snop  }
__scs_overlays_trampoline_lowered:
0x8: {  	[smem:$0x3FAE] =	sst s0  }
0x9: {  	[smem:$0x3FAF] =	sst s1  }
0xa: {  	[smem:$0x3FB0] =	sst s2  }
0xb: {  	[smem:$0x3FB1] =	sst s3  }
0xc: {  	[smem:$0x3FB2] =	sst s4  }
0xd: {  	[smem:$0x3FB3] =	sst s5  }
0xe: {  	[smem:$0x3FB4] =	sst s6  }
0xf: {  	[smem:$0x3FB5] =	sst s7  }
0x10: {  	[smem:$0x3FB6] =	sst s8  }
0x11: {  	[smem:$0x3FB7] =	sst s9;
	s0 =	simm.s32 @!p0 $0x0  }
0x12: {  	s1 =	sld [smem:$0x3F9D];
	s0 =	simm.s32 @p0 $0x1  }
0x13: {  	[smem:$0x3FB8] =	sst s0;
	s0 =	simm.s32 @!p1 $0x0  }
0x14: {  	s2 =	sld [smem:$0x3F9C];
	s0 =	simm.s32 @p1 $0x1  }
0x15: {  	[smem:$0x3FB9] =	sst s0;
	s0 =	simm.s32 @!p2 $0x0  }
0x16: {  	s3 =	sld [smem:$0x3FDB];
	s0 =	simm.s32 @p2 $0x1  }
0x17: {  	s4 =	simm.s32 $0x1BF5;
	[smem:$0x3FBB] =	sst s0  }
0x18: {  	s0 =	sld [smem:$0x3F9E];
	_ =	swait.ge [sflag:s4], $0x0  }
0x19: {  	s7 =	sld [smem:$0x3F9F]  }
0x1a: {  	s8 =	sadd.s32 $0xFFFFE003, lr  }
0x1b: {  	s9 =	sadd.s32 $0xFFFFFEF7, lr;
	s5 =	simm.s32 $0xFFFFFFFF;
	p2 =	slt.u32 s8, $0xFFFFF086  }
0x1c: {  	p1 =	slt.u32 s9, $0xF7A;
	s5 =	simm.s32 @!p2 $0x0  }
0x1d: {  	s5 =	simm.s32 @p1 $0x1;
	p0 =	seq.s32 s7, s2  }
0x1e: {  	s7 =	smul.u32 @!p0 $0xF7A, s2;
	p2 =	seq.s32 @!p0 s5, $0x0  }
0x1f: {  	s9 =	smul.u32 $0xF7A, s1;
	s8 =	simm.s32 @!p0 $0x1BF5;
	p2 =	por !p2, p0  }
0x20: {  	[sflag:s8] =	ssyncset.s32 @!p0 $0xFFFFF086;
	s6 =	sadd.s32 @!p0 s3, s7;
	s7 =	simm.s32 @!p0 $0x108  }
0x21: {  	s3 =	sadd.s32 s3, s9;
	s6 =	sadd.s32 @!p0 $0x88, s6;
	s7 =	simm.s32 @p2 $0x1082  }
0x22: {  	[simem:s7], [sflag:s8] =	dma.local @!p0 [hbm:s6], $0xF7A  }
0x23: {  	s9 =	sor.u32 $0xD0000000, s2;
	s6 =	simm.s32 $0x108;
	_ =	swait.ge @!p0 [sflag:s8], $0x0  }
0x24: {  	s3 =	sadd.s32 $0x88, s3;
	s6 =	simm.s32 @!p1 $0x1082;
	[sflag:s4] =	ssyncset.s32 $0xFFFFF086  }
0x25: {  	[simem:s6], [sflag:s4] =	dma.local [hbm:s3], $0xF7A  }
0x26: {  	[smem:$0x3F9F] =	sst s1;
	(tag) =	ssettag s2;
	_ =	strace s9  }
0x27: {  	s1 =	sld [smem:$0x3FAF]  }
0x28: {  	s2 =	sld [smem:$0x3FB0]  }
0x29: {  	s4 =	sld [smem:$0x3FB2]  }
0x2a: {  	p0 =	seq.s32 s5, $0x0;
	s5 =	sld [smem:$0x3FB3]  }
0x2b: {  	s6 =	sld [smem:$0x3FB4]  }
0x2c: {  	s7 =	sld [smem:$0x3FB5]  }
0x2d: {  	s3 =	simm.s32 $0x108;
	s8 =	sld [smem:$0x3FB6]  }
0x2e: {  	s3 =	simm.s32 @!p0 $0x1082;
	s9 =	sld [smem:$0x3FB7]  }
0x2f: {  	lr =	sadd.s32 s0, s3;
	s0 =	sld [smem:$0x3FAE]  }
0x30: {  	s3 =	sld [smem:$0x3FB1]  }
0x31: {  	[smem:$0x3FBA] =	sst s10  }
0x32: {  	s10 =	sld [smem:$0x3FB8];
	_ =	sdelay $0x3  }
0x33: {  	p0 =	seq.s32 s10, $0x1;
	s10 =	sld [smem:$0x3FBA];
	_ =	sdelay $0x3  }
0x34: {  	[smem:$0x3FBA] =	sst s10  }
0x35: {  	s10 =	sld [smem:$0x3FB9];
	_ =	sdelay $0x3  }
0x36: {  	p1 =	seq.s32 s10, $0x1;
	s10 =	sld [smem:$0x3FBA];
	_ =	sdelay $0x3  }
0x37: {  	[smem:$0x3FBA] =	sst s10  }
0x38: {  	s10 =	sld [smem:$0x3FBB]  }
0x39: {  	_ = 	snop;
	(pc) =	sbr.ind lr, $3  }
0x3a: {  	_ = 	snop  }
0x3b: {  	_ = 	snop  }
0x3c: {  	p2 =	seq.s32 s10, $0x1;
	s10 =	sld [smem:$0x3FBA]  }
0x3d: {  	_ =	shalt  }
0x3e: {  	_ =	shalt  }
0x3f: {  	_ =	shalt  }
0x40: {  	_ =	shalt  }
0x41: {  	_ =	shalt  }
0x42: {  	_ =	shalt  }
0x43: {  	_ =	shalt  }
0x44: {  	_ =	shalt  }
0x45: {  	_ =	shalt  }
0x46: {  	_ =	shalt  }
0x47: {  	_ =	shalt  }
0x48: {  	_ =	shalt  }
0x49: {  	_ =	shalt  }
0x4a: {  	_ =	shalt  }
0x4b: {  	_ =	shalt  }
0x4c: {  	_ =	shalt  }
0x4d: {  	_ =	shalt  }
0x4e: {  	_ =	shalt  }
0x4f: {  	_ =	shalt  }
0x50: {  	_ =	shalt  }
0x51: {  	_ =	shalt  }
0x52: {  	_ =	shalt  }
0x53: {  	_ =	shalt  }
0x54: {  	_ =	shalt  }
0x55: {  	_ =	shalt  }
0x56: {  	_ =	shalt  }
0x57: {  	_ =	shalt  }
0x58: {  	_ =	shalt  }
0x59: {  	_ =	shalt  }
0x5a: {  	_ =	shalt  }
0x5b: {  	_ =	shalt  }
0x5c: {  	_ =	shalt  }
0x5d: {  	_ =	shalt  }
0x5e: {  	_ =	shalt  }
0x5f: {  	_ =	shalt  }
0x60: {  	_ =	shalt  }
0x61: {  	_ =	shalt  }
0x62: {  	_ =	shalt  }
0x63: {  	_ =	shalt  }
0x64: {  	_ =	shalt  }
0x65: {  	_ =	shalt  }
0x66: {  	_ =	shalt  }
0x67: {  	_ =	shalt  }
0x68: {  	_ =	shalt  }
0x69: {  	_ =	shalt  }
0x6a: {  	_ =	shalt  }
0x6b: {  	_ =	shalt  }
0x6c: {  	_ =	shalt  }
0x6d: {  	_ =	shalt  }
0x6e: {  	_ =	shalt  }
0x6f: {  	_ =	shalt  }
0x70: {  	_ =	shalt  }
0x71: {  	_ =	shalt  }
0x72: {  	_ =	shalt  }
0x73: {  	_ =	shalt  }
0x74: {  	_ =	shalt  }
0x75: {  	_ =	shalt  }
0x76: {  	_ =	shalt  }
0x77: {  	_ =	shalt  }
0x78: {  	_ =	shalt  }
0x79: {  	_ =	shalt  }
0x7a: {  	_ =	shalt  }
0x7b: {  	_ =	shalt  }
0x7c: {  	_ =	shalt  }
0x7d: {  	_ =	shalt  }
0x7e: {  	_ =	shalt  }
0x7f: {  	_ =	shalt  }
0x80: {  	_ =	shalt  }
0x81: {  	_ =	shalt  }
0x82: {  	_ =	shalt  }
0x83: {  	_ =	shalt  }
0x84: {  	_ =	shalt  }
0x85: {  	_ =	shalt  }
0x86: {  	_ =	shalt  }
0x87: {  	_ =	shalt  }
.Lfunc_end0:
.L_simem_size_0:
called_computation_lowered:
.L_overlay_start_0:
0x88: {  	s2 =	sld [smem:$0x3FD9]  }
0x89: {  	s3 =	sld [smem:$0x3FFE];
	_ =	sdelay $0x1  }
0x8a: {  	s1 =	srdreg.scid  }
0x8b: {  	s0 =	sand.u32 $0x1, s1  }
0x8c: {  	s17 =	sshll.u32 s0, $0xA;
	s2 =	sadd.s32 s3, s2  }
0x8d: {  	s2 =	sadd.s32 s2, s17  }
0x8e: {  	[smem:$0x3FC6] =	sst s2  }
0x8f: {  	_ = 	snop  }
0x90: {  	s2 =	sld [smem:$0x3FC9]  }
0x91: {  	s18 =	sld [smem:$0x3FC8];
	(tm) =	ssettm $0x1  }
0x92: {  	s4 =	sld [smem:$0x3FFB];
	_ =	sdelay $0x3  }
0x93: {  	_ =	strace s4  }
0x94: {  	s4 =	sld [smem:$0x3FFC];
	_ =	sdelay $0x3  }
0x95: {  	_ =	strace s4  }
0x96: {  	s4 =	sld [smem:$0x3FFD];
	_ =	sdelay $0x3  }
0x97: {  	_ =	strace s4  }
0x98: {  	_ =	strace $0x8FFFFFFF  }
0x99: {  	s19 =	sld [smem:$0x3FDB];
	_ =	sdelay $0x1  }
0x9a: {  	s5 =	simm.s32 $_scs_section_size  }
0x9b: {  	s6 =	simm.s32 $_size__tile_overlayer_lowered;
	s7 =	simm.s32 $_tile_overlayer_lowered  }
0x9c: {  	s22 =	simm.s32 $0x1BFF;
	s21 =	sshll.u32 s7, $0x1;
	s4 =	sadd.s32 s5, s19  }
0x9d: {  	s8 =	simm.s32 $0x0;
	s20 =	sshll.u32 s6, $0x1;
	s6 =	sadd.s32 s21, s4  }
0x9e: {  	[timem:s8], [sflag:s22] =	dma.local [hbm:s6], s20  }
0x9f: {  	_ =	swait.ge [sflag:s22], s20  }
0xa0: {  	s5 =	ssub.s32 $0x0, s20;
	[sflag:s22] =	ssyncset.done $0x0  }
0xa1: {  	[sflag:s22] =	ssyncadd.s32 s5;
	_ =	sdelay $0x1  }
0xa2: {  	s23 =	simm.s32 $0x1B8B  }
0xa3: {  	_ =	swait.ge [sflag:s23], $0x1  }
0xa4: {  	[sflag:s23] =	ssyncset.done $0x0  }
0xa5: {  	s25 =	simm.s32 $0x1B8E;
	s24 =	sld [smem:$0x3FFE];
	[sflag:s23] =	ssyncadd.s32 $0xFFFFFFFF  }
0xa6: {  	s26 =	simm.s32 $execute0_lowered;
	[smem:$0x3FD2] =	sst s25  }
0xa7: {  	s6 =	sshll.u32 s26, $0x1;
	_ =	strace $0x80000046;
	[dreg:$0x1] =	wrdreg $0xFFFFFFFF  }
0xa8: {  	s28 =	simm.s32 $_size_execute0_lowered;
	s4 =	sadd.s32 s4, s6;
	[dreg:$0x0] =	wrdreg $0x0  }
0xa9: {  	s6 =	sshll.u32 s28, $0x1;
	[dreg:$0x2] =	wrdreg s4  }
0xaa: {  	[dreg:$0x3] =	wrdreg s6  }
0xab: {  	[dreg:$0x4] =	wrdreg $0xC0  }
0xac: {  	_ =	task [dreg:s8], $0x5FFFF  }
0xad: {  	[dreg:$0x1] =	wrdreg $0xFFFFFFFF  }
0xae: {  	[dreg:$0x0] =	wrdreg $0x60  }
0xaf: {  	[dreg:$0x2] =	wrdreg s2  }
0xb0: {  	[dreg:$0x3] =	wrdreg s18  }
0xb1: {  	[dreg:$0x4] =	wrdreg s24  }
0xb2: {  	[dreg:$0x5] =	wrdreg $0x9  }
0xb3: {  	_ =	task.clear_ibuf [dreg:s8], $0x6FFFF;
	_ =	strace $0x90000046  }
0xb4: {  	s29 =	simm.s32 $0x9;
	_ =	strace $0x80000048  }
0xb5: {  	_ =	swait.ge [sflag:s29], $0x1  }
0xb6: {  	[sflag:s29] =	ssyncadd.s32 $0xFFFFFFFF  }
0xb7: {  	_ =	strace $0x90000048  }
0xb8: {  	_ =	sfence  }
0xb9: {  	s30 =	sld [smem:$0x0];
	_ =	sdelay $0x2  }
0xba: {  	s31 =	sshll.u32 s1, $0xD;
	s1 =	sshrl.u32 s1, $0x2  }
0xbb: {  	s3 =	sand.u32 $0x4000, s31;
	s1 =	sadd.s32 s1, s30  }
0xbc: {  	s0 =	sor.u32 s3, s0;
	s1 =	sshll.u32 s1, $0x11  }
0xbd: {  	s0 =	sor.u32 s1, s0  }
0xbe: {  	s0 =	sadd.s32 $0x8F2B, s0  }
0xbf: {  	[sflag:s0] =	ssyncadd.remote.s32 $0x1  }
0xc0: {  	_ =	sfence.sel $0xFFFF  }
0xc1: {  	[dreg:$0x0] =	wrdreg $0xFFFFFFFF;
	(pc) =	sbr.abs _section_cstart, $3  }
0xc2: {  	[dreg:$0x1] =	wrdreg $0xFFFFFFFF  }
0xc3: {  	_ =	task.clear_ibuf [dreg:s8], $0x2FFFF;
	_ =	strace $0x9FFFFFFF  }
0xc4: {  	(tm) =	ssettm $0x7FFFFFFF  }
0xc5: {  	_ =	shalt  }
tec
execute0_lowered:
.L_overlay_start_1:
0x0: {  	(tag) =	ssettag $0x1  }
0x1: {  	s1 =	rddreg [dreg:$0x0]  }
0x2: {  	s3 =	rddreg [dreg:$0x1]  }
0x3: {  	s2 =	srdreg.scid;
	s0 =	stileid.u32  }
0x4: {  	s5 =	rddreg [dreg:$0x2];
	s4 =	simm.s32 $0x0;
	s13 =	simm.s32 $0x1000  }
0x5: {  	s14 =	simm.s32 $0x2000;
	s15 =	simm.s32 $0x3000;
	s16 =	simm.s32 $0x1  }
0x6: {  	s17 =	simm.s32 $0x4000;
	s18 =	simm.s32 $0x2;
	s19 =	simm.s32 $0xC080  }
0x7: {  	s20 =	simm.s32 $0x3;
	s6 =	sand.u32 $0x1, s2;
	s2 =	rddreg [dreg:$0x3]  }
0x8: {  	s21 =	simm.s32 $0x0;
	s7 =	sshll.u32 s0, $0x1;
	[smem:$0x7FF] =	sst s4  }
0x9: {  	s7 =	sor.u32 s6, s7;
	s6 =	ssub.s32 $0x2, s6;
	_ =	strace $0x80000047  }
0xa: {  	s8 =	sshll.u32 s7, $0x8;
	s30 =	sshrl.u32 s6, $0x1;
	s10 =	sshll.u32 s7, $0x11  }
0xb: {  	s7 =	sshll.u32 s7, $0xE;
	s11 =	sadd.s32 s8, s5;
	s12 =	ssub.s32 s6, s30  }
0xc: {  	s5 =	sadd.s32 s1, s7;
	s6 =	sadd.s32 s3, s7;
	s31 =	sor.u32 $0x200, s7  }
0xd: {  	v1 =	vlaneseq.u32;
	s9 =	sor.u32 $0x2000, s10;
	s10 =	sor.u32 $0x3000, s10;
	s7 =	sadd.s32 s1, s31  }
0xe: {  	v0 =	vimm.s32 $0x0;
	v2 =	vimm.s32 $0x1;
	v1 =	vmul.u32 $0x801, v1;
	s8 =	sadd.s32 s3, s31;
	s11 =	sadd.s32 $0x1800, s11;
	s12 =	smax.u32 s12, $0x1  }
.LBB2_1:
0xf: {  	s22 =	simm.s32 $0x80;
	s23 =	simm.s32 $0x0  }
.LBB2_2:
0x10: {  	p0 =	sne.s32 s22, $0x1FF80;
	[tilespmem:s23+$0x4000] =	vst v0;
	s24 =	smov.u32 s22;
	s22 =	sadd.s32 $0x80, s22  }
.Ltmp0:
0x11: {  	[tilespmem:s23+$0x4010] =	vst v0;
	(pc) =	sbr.rel @p0 .LBB2_2-.Ltmp0, $2  }
0x12: {  	_ =	sdelay $0x2  }
0x13: {  	s23 =	sshra.s32 s24, $0x2  }
0x14: {  	[tilespmem:s23+$0x4000] =	vst v0  }
0x15: {  	[tilespmem:s23+$0x4010] =	vst v0  }
0x16: {  	s23 =	simm.s32 $0x0;
	[tilespmem:$0xC000] =	vst v0  }
0x17: {  	[tilespmem:s23], [sflag:$0x1] =	stream.linear.gather [hbm4b:s5+s23], $0x1000, $0x38;
	[tilespmem:$0xC880] =	vst v63  }
0x18: {  	_ = 	snop  }
0x19: {  	[tilespmem:s13], [sflag:$0x1] =	stream.linear.gather [hbm4b:s6+s23], $0x1000, $0x38;
	[tilespmem:$0xC880] =	vst v63  }
0x1a: {  	_ = 	snop  }
0x1b: {  	[tilespmem:s14], [sflag:$0x2] =	stream.linear.gather [hbm4b:s7+s23], $0x1000, $0x38;
	[tilespmem:$0xC880] =	vst v63  }
0x1c: {  	_ = 	snop  }
0x1d: {  	[tilespmem:s15], [sflag:$0x2] =	stream.linear.gather [hbm4b:s8+s23], $0x1000, $0x38;
	[tilespmem:$0xC880] =	vst v63  }
.LBB2_4:
0x1e: {  	_ =	swait.ge [sflag:s16], $0x1000  }
0x1f: {  	[sflag:s16] =	ssyncset.done $0x0  }
0x20: {  	[sflag:s16] =	ssyncadd.s32 $0xFFFFF000  }
0x21: {  	_ =	swait.ge [sflag:s16], $0x1000  }
0x22: {  	[sflag:s16] =	ssyncset.done $0x0  }
0x23: {  	s22 =	simm.s32 $0x10;
	[sflag:s16] =	ssyncadd.s32 $0xFFFFF000  }
0x24: {  	s24 =	simm.s32 $0x1010;
	v3 =	vld [tilespmem:s22+$0x0]  }
0x25: {  	v5 =	vld [tilespmem:s24+$0x0];
	_ =	sdelay $0x2  }
0x26: {  	v7 =	vld [tilespmem:s22+$0xFFFFFFF0]  }
0x27: {  	v8 =	vld [tilespmem:s24+$0xFFFFFFF0];
	v4 =	vshra.s32 v3, $0x1F  }
0x28: {  	v9 =	vadd.s32 $0xFFFFFFFF, v5;
	v4 =	vor.u32 $0x80000000, v4  }
0x29: {  	v9 =	vxor.u32 v4, v9  }
0x2a: {  	s31 =	simm.s32 $0x30;
	v3 =	vxor.u32 v3, v9  }
0x2b: {  	v6 =	vld [tilespmem:s31+$0x0];
	s22 =	simm.s32 $0x1030;
	v10 =	vshra.s32 v7, $0x1F;
	v5 =	vshll.u32 v5, $0xA;
	v3 =	vshrl.u32 v3, $0x1  }
0x2c: {  	v4 =	vld [tilespmem:s22+$0x0];
	v9 =	vor.u32 $0x80000000, v10;
	v10 =	vadd.s32 $0xFFFFFFFF, v8;
	v3 =	vshrl.u32 v3, $0x15  }
0x2d: {  	v9 =	vxor.u32 v9, v10;
	v3 =	vor.u32 v3, v5;
	v5 =	vld [tilespmem:s31+$0xFFFFFFF0]  }
0x2e: {  	v7 =	vxor.u32 v7, v9  }
0x2f: {  	v10 =	vshrl.u32 v7, $0x1;
	v7 =	vld [tilespmem:s22+$0xFFFFFFF0]  }
0x30: {  	v8 =	vshll.u32 v8, $0xA;
	v9 =	vshra.s32 v6, $0x1F;
	v3 =	vadd.s32 v1, v3  }
0x31: {  	s25 =	simm.s32 $0x50;
	s24 =	simm.s32 $0x2;
	v9 =	vor.u32 $0x80000000, v9;
	v11 =	vadd.s32 $0xFFFFFFFF, v4;
	v10 =	vshrl.u32 v10, $0x15  }
.LBB2_5:
0x32: {  	v12 =	vld [tilespmem:s25+$0x0];
	s24 =	sadd.s32 $0x2, s24;
	v13 =	vshra.s32 v5, $0x1F;
	v9 =	vxor.u32 v9, v11;
	s22 =	sadd.s32 $0x20, s22;
	v8 =	vor.u32 v10, v8;
	v10 =	vmovc v5  }
0x33: {  	v14 =	vld [tilespmem:s22+$0x0];
	p0 =	slt.u32 s24, $0xFE;
	v11 =	vor.u32 $0x80000000, v13;
	v6 =	vxor.u32 v6, v9;
	v13 =	vadd.s32 v1, v8  }
.Ltmp1:
0x34: {  	v5 =	vld [tilespmem:s25+$0xFFFFFFF0];
	v9 =	vadd.s32 $0xFFFFFFFF, v7;
	v8 =	vshll.u32 v7, $0xA;
	v6 =	vshrl.u32 v6, $0x1;
	(pc) =	sbr.rel @p0 .LBB2_5-.Ltmp1, $4  }
0x35: {  	v4 =	vshll.u32 v4, $0xA;
	v9 =	vxor.u32 v11, v9;
	v11 =	vshrl.u32 v6, $0x15;
	[tilespmem:v3+s17+$0x0] =	vst.idx.add.s32.msk $0xffff, v2  }
0x36: {  	v7 =	vld [tilespmem:s22+$0xFFFFFFF0];
	v3 =	vxor.u32 v10, v9;
	v15 =	vor.u32 v11, v4  }
0x37: {  	v9 =	vshra.s32 v12, $0x1F;
	v10 =	vshrl.u32 v3, $0x1;
	v3 =	vadd.s32 v1, v15;
	v6 =	vmovc v12  }
0x38: {  	s25 =	sadd.s32 $0x20, s25;
	v9 =	vor.u32 $0x80000000, v9;
	v11 =	vadd.s32 $0xFFFFFFFF, v14;
	v10 =	vshrl.u32 v10, $0x15;
	[tilespmem:v13+s17+$0x0] =	vst.idx.add.s32.msk $0xffff, v2;
	v4 =	vmovc v14  }
0x39: {  	_ = 	snop  }
0x3a: {  	v12 =	vshra.s32 v5, $0x1F  }
0x3b: {  	v9 =	vxor.u32 v9, v11;
	v11 =	vor.u32 $0x80000000, v12;
	v63 =	vadd.s32 $0xFFFFFFFF, v7  }
0x3c: {  	v8 =	vor.u32 v10, v8;
	v6 =	vxor.u32 v6, v9;
	v9 =	vxor.u32 v11, v63  }
0x3d: {  	v4 =	vshll.u32 v4, $0xA;
	v6 =	vshrl.u32 v6, $0x1;
	v5 =	vxor.u32 v5, v9  }
0x3e: {  	v8 =	vadd.s32 v1, v8;
	v6 =	vshrl.u32 v6, $0x15;
	v5 =	vshrl.u32 v5, $0x1  }
0x3f: {  	v7 =	vshll.u32 v7, $0xA;
	v4 =	vor.u32 v6, v4;
	v5 =	vshrl.u32 v5, $0x15  }
0x40: {  	v4 =	vadd.s32 v1, v4;
	v5 =	vor.u32 v5, v7  }
0x41: {  	v5 =	vadd.s32 v1, v5;
	_ =	sdelay $0x1  }
0x42: {  	[tilespmem:v3+s17+$0x0] =	vst.idx.add.s32.msk $0xffff, v2;
	s24 =	sshll.u32 s23, $0xD;
	p0 =	seq.s32 s23, $0xF  }
0x43: {  	s22 =	sadd.s32 @!p0 s24, s9;
	[tilespmem:v8+s17+$0x0] =	vst.idx.add.s32.msk $0xffff, v2  }
0x44: {  	s22 =	sshrl.u32 @!p0 s22, $0x3;
	[tilespmem:v4+s17+$0x0] =	vst.idx.add.s32.msk $0xffff, v2  }
0x45: {  	s26 =	simm.s32 @!p0 $0x0;
	s25 =	sadd.s32 @!p0 s1, s22;
	[tilespmem:v5+s17+$0x0] =	vst.idx.add.s32.msk $0xffff, v2  }
0x46: {  	[tilespmem:s26], [sflag:$0x1] =	stream.linear.gather @!p0 [hbm4b:s25+s26], $0x1000, $0x38;
	[tilespmem:$0xC880] =	vst v63  }
0x47: {  	s22 =	sadd.s32 @!p0 s3, s22;
	s25 =	simm.s32 @!p0 $0x1000  }
0x48: {  	[tilespmem:s25], [sflag:$0x1] =	stream.linear.gather @!p0 [hbm4b:s22+s26], $0x1000, $0x38;
	[tilespmem:$0xC880] =	vst v63  }
0x49: {  	_ =	swait.ge [sflag:s18], $0x1000  }
0x4a: {  	[sflag:s18] =	ssyncset.done $0x0  }
0x4b: {  	[sflag:s18] =	ssyncadd.s32 $0xFFFFF000  }
0x4c: {  	_ =	swait.ge [sflag:s18], $0x1000  }
0x4d: {  	[sflag:s18] =	ssyncset.done $0x0  }
0x4e: {  	s29 =	simm.s32 $0x2010;
	[sflag:s18] =	ssyncadd.s32 $0xFFFFF000  }
0x4f: {  	s30 =	simm.s32 $0x3010;
	v3 =	vld [tilespmem:s29+$0x0]  }
0x50: {  	v5 =	vld [tilespmem:s30+$0x0];
	_ =	sdelay $0x2  }
0x51: {  	v7 =	vld [tilespmem:s29+$0xFFFFFFF0]  }
0x52: {  	v8 =	vld [tilespmem:s30+$0xFFFFFFF0];
	v4 =	vshra.s32 v3, $0x1F  }
0x53: {  	v9 =	vadd.s32 $0xFFFFFFFF, v5;
	v4 =	vor.u32 $0x80000000, v4  }
0x54: {  	v9 =	vxor.u32 v4, v9  }
0x55: {  	s31 =	simm.s32 $0x2030;
	v3 =	vxor.u32 v3, v9  }
0x56: {  	s22 =	simm.s32 $0x3030;
	v6 =	vld [tilespmem:s31+$0x0];
	v10 =	vshra.s32 v7, $0x1F;
	v5 =	vshll.u32 v5, $0xA;
	v3 =	vshrl.u32 v3, $0x1  }
0x57: {  	v4 =	vld [tilespmem:s22+$0x0];
	v9 =	vor.u32 $0x80000000, v10;
	v10 =	vadd.s32 $0xFFFFFFFF, v8;
	v3 =	vshrl.u32 v3, $0x15  }
0x58: {  	v9 =	vxor.u32 v9, v10;
	v3 =	vor.u32 v3, v5;
	v5 =	vld [tilespmem:s31+$0xFFFFFFF0]  }
0x59: {  	v7 =	vxor.u32 v7, v9  }
0x5a: {  	v10 =	vshrl.u32 v7, $0x1;
	v7 =	vld [tilespmem:s22+$0xFFFFFFF0]  }
0x5b: {  	v8 =	vshll.u32 v8, $0xA;
	v9 =	vshra.s32 v6, $0x1F;
	v3 =	vadd.s32 v1, v3  }
0x5c: {  	s25 =	simm.s32 $0x2;
	s26 =	simm.s32 $0x2050;
	v9 =	vor.u32 $0x80000000, v9;
	v11 =	vadd.s32 $0xFFFFFFFF, v4;
	v10 =	vshrl.u32 v10, $0x15  }
.LBB2_7:
0x5d: {  	v12 =	vld [tilespmem:s26+$0x0];
	s25 =	sadd.s32 $0x2, s25;
	v13 =	vshra.s32 v5, $0x1F;
	v9 =	vxor.u32 v9, v11;
	s22 =	sadd.s32 $0x20, s22;
	v8 =	vor.u32 v10, v8;
	v10 =	vmovc v5  }
0x5e: {  	v14 =	vld [tilespmem:s22+$0x0];
	p1 =	slt.u32 s25, $0xFE;
	v11 =	vor.u32 $0x80000000, v13;
	v6 =	vxor.u32 v6, v9;
	v13 =	vadd.s32 v1, v8  }
.Ltmp2:
0x5f: {  	v5 =	vld [tilespmem:s26+$0xFFFFFFF0];
	v9 =	vadd.s32 $0xFFFFFFFF, v7;
	v8 =	vshll.u32 v7, $0xA;
	v6 =	vshrl.u32 v6, $0x1;
	(pc) =	sbr.rel @p1 .LBB2_7-.Ltmp2, $4  }
0x60: {  	v4 =	vshll.u32 v4, $0xA;
	v9 =	vxor.u32 v11, v9;
	v11 =	vshrl.u32 v6, $0x15;
	[tilespmem:v3+s17+$0x0] =	vst.idx.add.s32.msk $0xffff, v2  }
0x61: {  	v7 =	vld [tilespmem:s22+$0xFFFFFFF0];
	v3 =	vxor.u32 v10, v9;
	v15 =	vor.u32 v11, v4  }
0x62: {  	v9 =	vshra.s32 v12, $0x1F;
	v10 =	vshrl.u32 v3, $0x1;
	v3 =	vadd.s32 v1, v15;
	v6 =	vmovc v12  }
0x63: {  	s26 =	sadd.s32 $0x20, s26;
	v9 =	vor.u32 $0x80000000, v9;
	v11 =	vadd.s32 $0xFFFFFFFF, v14;
	v10 =	vshrl.u32 v10, $0x15;
	[tilespmem:v13+s17+$0x0] =	vst.idx.add.s32.msk $0xffff, v2;
	v4 =	vmovc v14  }
0x64: {  	_ = 	snop  }
0x65: {  	v12 =	vshra.s32 v5, $0x1F  }
0x66: {  	v9 =	vxor.u32 v9, v11;
	v59 =	vor.u32 $0x80000000, v12;
	v60 =	vadd.s32 $0xFFFFFFFF, v7  }
0x67: {  	v8 =	vor.u32 v10, v8;
	v6 =	vxor.u32 v6, v9;
	v61 =	vxor.u32 v59, v60  }
0x68: {  	v4 =	vshll.u32 v4, $0xA;
	v6 =	vshrl.u32 v6, $0x1;
	v62 =	vxor.u32 v5, v61  }
0x69: {  	v8 =	vadd.s32 v1, v8;
	v6 =	vshrl.u32 v6, $0x15;
	v5 =	vshrl.u32 v62, $0x1  }
0x6a: {  	v63 =	vshll.u32 v7, $0xA;
	v4 =	vor.u32 v6, v4;
	v5 =	vshrl.u32 v5, $0x15  }
0x6b: {  	v4 =	vadd.s32 v1, v4;
	v5 =	vor.u32 v5, v63  }
0x6c: {  	v5 =	vadd.s32 v1, v5  }
.Ltmp3:
0x6d: {  	_ = 	snop;
	(pc) =	sbr.rel @p0 .LBB2_10-.Ltmp3, $4  }
0x6e: {  	[tilespmem:v3+s17+$0x0] =	vst.idx.add.s32.msk $0xffff, v2  }
0x6f: {  	[tilespmem:v8+s17+$0x0] =	vst.idx.add.s32.msk $0xffff, v2  }
0x70: {  	[tilespmem:v4+s17+$0x0] =	vst.idx.add.s32.msk $0xffff, v2  }
0x71: {  	s22 =	simm.s32 $0x0;
	[tilespmem:v5+s17+$0x0] =	vst.idx.add.s32.msk $0xffff, v2  }
0x72: {  	s22 =	sadd.s32 s24, s10  }
.Ltmp4:
0x73: {  	s22 =	sshrl.u32 s22, $0x3;
	(pc) =	sbr.rel .LBB2_4-.Ltmp4, $4  }
0x74: {  	s31 =	sadd.s32 s1, s22  }
0x75: {  	[tilespmem:s14], [sflag:$0x2] =	stream.linear.gather [hbm4b:s31+s4], $0x1000, $0x38;
	[tilespmem:$0xC880] =	vst v63  }
0x76: {  	s23 =	sadd.s32 $0x1, s23;
	s22 =	sadd.s32 s3, s22  }
0x77: {  	[tilespmem:s15], [sflag:$0x2] =	stream.linear.gather [hbm4b:s22+s4], $0x1000, $0x38;
	[tilespmem:$0xC880] =	vst v63  }
.LBB2_10:
0x78: {  	s23 =	sshra.s32 s22, $0x2  }
0x79: {  	v3 =	vld [tilespmem:s23+$0x4801]  }
0x7a: {  	v4 =	vld [tilespmem:s23+$0x4000]  }
0x7b: {  	v5 =	vld [tilespmem:s23+$0x5002]  }
0x7c: {  	v6 =	vld [tilespmem:s23+$0x5803]  }
0x7d: {  	v7 =	vld [tilespmem:s23+$0x6004]  }
0x7e: {  	v8 =	vld [tilespmem:s23+$0x6805]  }
0x7f: {  	v3 =	vadd.s32 v4, v3;
	v4 =	vld [tilespmem:s23+$0x7006]  }
0x80: {  	v3 =	vadd.s32 v5, v3;
	v5 =	vld [tilespmem:s23+$0x7807]  }
0x81: {  	v58 =	vld [tilespmem:s23+$0x8008];
	v3 =	vadd.s32 v6, v3  }
0x82: {  	v59 =	vld [tilespmem:s23+$0x8809];
	v3 =	vadd.s32 v7, v3  }
0x83: {  	v60 =	vld [tilespmem:s23+$0x900A];
	v3 =	vadd.s32 v8, v3  }
0x84: {  	v3 =	vadd.s32 v4, v3;
	v4 =	vld [tilespmem:s23+$0x980B]  }
0x85: {  	v3 =	vadd.s32 v5, v3;
	v5 =	vld [tilespmem:s23+$0xA00C]  }
0x86: {  	v61 =	vld [tilespmem:s23+$0xA80D];
	v3 =	vadd.s32 v58, v3  }
0x87: {  	v62 =	vld [tilespmem:s23+$0xB00E];
	v3 =	vadd.s32 v59, v3  }
0x88: {  	v63 =	vld [tilespmem:s23+$0xB80F];
	v3 =	vadd.s32 v60, v3  }
0x89: {  	v3 =	vadd.s32 v4, v3  }
0x8a: {  	v3 =	vadd.s32 v5, v3  }
0x8b: {  	v3 =	vadd.s32 v61, v3  }
0x8c: {  	s31 =	sand.u32 $0x70, s22;
	s24 =	sand.u32 $0x700, s22;
	v3 =	vadd.s32 v62, v3  }
0x8d: {  	s26 =	sadd.s32 $0x40, s22;
	s23 =	sor.u32 s31, s24;
	v3 =	vadd.s32 v63, v3  }
0x8e: {  	s25 =	sshra.s32 s26, $0x2;
	[tilespmem:s23+$0xC080] =	vst v3  }
0x8f: {  	s26 =	sadd.s32 $0x40, s26;
	s24 =	simm.s32 $0x0;
	s23 =	simm.s32 $0x0;
	v3 =	vld [tilespmem:s25+$0x4801]  }
.LBB2_11:
0x90: {  	p0 =	sne.s32 s26, $0xFC0;
	v4 =	vld [tilespmem:s25+$0x4000]  }
0x91: {  	v5 =	vld [tilespmem:s25+$0x5002]  }
0x92: {  	v6 =	vld [tilespmem:s25+$0x5803]  }
0x93: {  	v7 =	vld [tilespmem:s25+$0x6004]  }
0x94: {  	v8 =	vld [tilespmem:s25+$0x6805]  }
0x95: {  	v3 =	vadd.s32 v4, v3;
	v4 =	vld [tilespmem:s25+$0x7006]  }
0x96: {  	v3 =	vadd.s32 v5, v3;
	v5 =	vld [tilespmem:s25+$0x7807]  }
0x97: {  	v3 =	vadd.s32 v6, v3;
	v6 =	vld [tilespmem:s25+$0x8008]  }
0x98: {  	v3 =	vadd.s32 v7, v3;
	v7 =	vld [tilespmem:s25+$0x8809]  }
0x99: {  	v3 =	vadd.s32 v8, v3;
	v8 =	vld [tilespmem:s25+$0x900A]  }
0x9a: {  	v3 =	vadd.s32 v4, v3;
	v4 =	vld [tilespmem:s25+$0x980B]  }
0x9b: {  	v3 =	vadd.s32 v5, v3;
	v5 =	vld [tilespmem:s25+$0xA00C]  }
0x9c: {  	v3 =	vadd.s32 v6, v3;
	v6 =	vld [tilespmem:s25+$0xA80D]  }
0x9d: {  	v3 =	vadd.s32 v7, v3;
	v7 =	vld [tilespmem:s25+$0xB00E]  }
0x9e: {  	v3 =	vadd.s32 v8, v3;
	v8 =	vld [tilespmem:s25+$0xB80F]  }
0x9f: {  	v3 =	vadd.s32 v4, v3  }
0xa0: {  	v3 =	vadd.s32 v5, v3  }
.Ltmp5:
0xa1: {  	s23 =	sadd.s32 $0x20, s23;
	s24 =	sadd.s32 $0x10, s24;
	v3 =	vadd.s32 v6, v3;
	(pc) =	sbr.rel @p0 .LBB2_11-.Ltmp5, $4  }
0xa2: {  	s28 =	sand.u32 $0x700, s23;
	s25 =	sand.u32 $0x70, s24;
	v3 =	vadd.s32 v7, v3  }
0xa3: {  	s28 =	sor.u32 s25, s28;
	v3 =	vadd.s32 v8, v3  }
0xa4: {  	s25 =	sshra.s32 s26, $0x2;
	[tilespmem:s28+$0xC080] =	vst v3  }
0xa5: {  	s26 =	sadd.s32 $0x40, s26;
	v3 =	vld [tilespmem:s25+$0x4801]  }
0xa6: {  	v4 =	vld [tilespmem:s25+$0x4000]  }
0xa7: {  	v5 =	vld [tilespmem:s25+$0x5002]  }
0xa8: {  	v6 =	vld [tilespmem:s25+$0x5803]  }
0xa9: {  	v7 =	vld [tilespmem:s25+$0x6004]  }
0xaa: {  	v8 =	vld [tilespmem:s25+$0x6805]  }
0xab: {  	v3 =	vadd.s32 v4, v3;
	v4 =	vld [tilespmem:s25+$0x7006]  }
0xac: {  	v3 =	vadd.s32 v5, v3;
	v5 =	vld [tilespmem:s25+$0x7807]  }
0xad: {  	v49 =	vld [tilespmem:s25+$0x8008];
	v3 =	vadd.s32 v6, v3  }
0xae: {  	v50 =	vld [tilespmem:s25+$0x8809];
	v3 =	vadd.s32 v7, v3  }
0xaf: {  	v51 =	vld [tilespmem:s25+$0x900A];
	v3 =	vadd.s32 v8, v3  }
0xb0: {  	v3 =	vadd.s32 v4, v3;
	v4 =	vld [tilespmem:s25+$0x980B]  }
0xb1: {  	v3 =	vadd.s32 v5, v3;
	v5 =	vld [tilespmem:s25+$0xA00C]  }
0xb2: {  	v52 =	vld [tilespmem:s25+$0xA80D];
	v3 =	vadd.s32 v49, v3  }
0xb3: {  	v53 =	vld [tilespmem:s25+$0xB00E];
	v3 =	vadd.s32 v50, v3  }
0xb4: {  	v54 =	vld [tilespmem:s25+$0xB80F];
	v3 =	vadd.s32 v51, v3  }
0xb5: {  	v3 =	vadd.s32 v4, v3  }
0xb6: {  	v3 =	vadd.s32 v5, v3  }
0xb7: {  	s23 =	sadd.s32 $0x20, s23;
	s24 =	sadd.s32 $0x10, s24;
	v3 =	vadd.s32 v52, v3  }
0xb8: {  	s24 =	sand.u32 $0x70, s24;
	s23 =	sand.u32 $0x700, s23;
	v3 =	vadd.s32 v53, v3  }
0xb9: {  	s23 =	sor.u32 s24, s23;
	v3 =	vadd.s32 v54, v3  }
0xba: {  	s28 =	simm.s32 $0x0;
	[tilespmem:s23+$0xC080] =	vst v3  }
0xbb: {  	s29 =	sand.u32 $0x3F0, s22;
	v3 =	vld [tilespmem:s28+$0x4C01]  }
0xbc: {  	v4 =	vld [tilespmem:s29+$0x4400]  }
0xbd: {  	v5 =	vld [tilespmem:s28+$0x5402]  }
0xbe: {  	v55 =	vld [tilespmem:s28+$0x5C03]  }
0xbf: {  	v56 =	vld [tilespmem:s28+$0x6404]  }
0xc0: {  	v57 =	vld [tilespmem:s28+$0x6C05]  }
0xc1: {  	v3 =	vadd.s32 v4, v3;
	v4 =	vld [tilespmem:s28+$0x7406]  }
0xc2: {  	v3 =	vadd.s32 v5, v3;
	v5 =	vld [tilespmem:s28+$0x7C07]  }
0xc3: {  	v58 =	vld [tilespmem:s28+$0x8408];
	v3 =	vadd.s32 v55, v3  }
0xc4: {  	v59 =	vld [tilespmem:s28+$0x8C09];
	v3 =	vadd.s32 v56, v3  }
0xc5: {  	v60 =	vld [tilespmem:s28+$0x940A];
	v3 =	vadd.s32 v57, v3  }
0xc6: {  	v3 =	vadd.s32 v4, v3;
	v4 =	vld [tilespmem:s28+$0x9C0B]  }
0xc7: {  	v3 =	vadd.s32 v5, v3;
	v5 =	vld [tilespmem:s28+$0xA40C]  }
0xc8: {  	v61 =	vld [tilespmem:s28+$0xAC0D];
	v3 =	vadd.s32 v58, v3  }
0xc9: {  	v62 =	vld [tilespmem:s28+$0xB40E];
	v3 =	vadd.s32 v59, v3  }
0xca: {  	v63 =	vld [tilespmem:s28+$0xBC0F];
	v3 =	vadd.s32 v60, v3  }
0xcb: {  	v3 =	vadd.s32 v4, v3  }
0xcc: {  	v3 =	vadd.s32 v5, v3  }
0xcd: {  	v3 =	vadd.s32 v61, v3  }
0xce: {  	s30 =	sand.u32 $0x70, s22;
	s31 =	sand.u32 $0x700, s22;
	v3 =	vadd.s32 v62, v3  }
0xcf: {  	s23 =	sor.u32 s30, s31;
	v3 =	vadd.s32 v63, v3  }
0xd0: {  	s24 =	simm.s32 $0x10;
	[tilespmem:s23+$0xC100] =	vst v3;
	s23 =	simm.s32 $0x10  }
0xd1: {  	s25 =	simm.s32 $0x80;
	s26 =	sand.u32 $0x3F0, s23;
	v3 =	vld [tilespmem:s24+$0x4C01]  }
.LBB2_13:
0xd2: {  	p0 =	sne.s32 s25, $0xFC0;
	v4 =	vld [tilespmem:s26+$0x4400]  }
0xd3: {  	v5 =	vld [tilespmem:s24+$0x5402]  }
0xd4: {  	v6 =	vld [tilespmem:s24+$0x5C03]  }
0xd5: {  	v7 =	vld [tilespmem:s24+$0x6404]  }
0xd6: {  	v8 =	vld [tilespmem:s24+$0x6C05]  }
0xd7: {  	v3 =	vadd.s32 v4, v3;
	v4 =	vld [tilespmem:s24+$0x7406]  }
0xd8: {  	v3 =	vadd.s32 v5, v3;
	v5 =	vld [tilespmem:s24+$0x7C07]  }
0xd9: {  	v3 =	vadd.s32 v6, v3;
	v6 =	vld [tilespmem:s24+$0x8408]  }
0xda: {  	v3 =	vadd.s32 v7, v3;
	v7 =	vld [tilespmem:s24+$0x8C09]  }
0xdb: {  	v3 =	vadd.s32 v8, v3;
	v8 =	vld [tilespmem:s24+$0x940A]  }
0xdc: {  	v3 =	vadd.s32 v4, v3;
	v4 =	vld [tilespmem:s24+$0x9C0B]  }
0xdd: {  	v3 =	vadd.s32 v5, v3;
	v5 =	vld [tilespmem:s24+$0xA40C]  }
0xde: {  	v3 =	vadd.s32 v6, v3;
	v6 =	vld [tilespmem:s24+$0xAC0D]  }
0xdf: {  	v3 =	vadd.s32 v7, v3;
	v7 =	vld [tilespmem:s24+$0xB40E]  }
0xe0: {  	v3 =	vadd.s32 v8, v3;
	v8 =	vld [tilespmem:s24+$0xBC0F]  }
0xe1: {  	v3 =	vadd.s32 v4, v3  }
0xe2: {  	v3 =	vadd.s32 v5, v3  }
.Ltmp6:
0xe3: {  	s22 =	sadd.s32 $0x20, s22;
	v3 =	vadd.s32 v6, v3;
	(pc) =	sbr.rel @p0 .LBB2_13-.Ltmp6, $4  }
0xe4: {  	s26 =	sand.u32 $0x700, s22;
	s24 =	sand.u32 $0x70, s23;
	v3 =	vadd.s32 v7, v3  }
0xe5: {  	s26 =	sor.u32 s24, s26;
	v3 =	vadd.s32 v8, v3  }
0xe6: {  	s23 =	sadd.s32 $0x10, s23;
	s24 =	sshra.s32 s25, $0x2;
	[tilespmem:s26+$0xC100] =	vst v3  }
0xe7: {  	s25 =	sadd.s32 $0x40, s25;
	s26 =	sand.u32 $0x3F0, s23;
	v3 =	vld [tilespmem:s24+$0x4C01]  }
0xe8: {  	v4 =	vld [tilespmem:s26+$0x4400]  }
0xe9: {  	v5 =	vld [tilespmem:s24+$0x5402]  }
0xea: {  	v6 =	vld [tilespmem:s24+$0x5C03]  }
0xeb: {  	v7 =	vld [tilespmem:s24+$0x6404]  }
0xec: {  	v8 =	vld [tilespmem:s24+$0x6C05]  }
0xed: {  	v54 =	vld [tilespmem:s24+$0x7406];
	v3 =	vadd.s32 v4, v3  }
0xee: {  	v55 =	vld [tilespmem:s24+$0x7C07];
	v3 =	vadd.s32 v5, v3  }
0xef: {  	v56 =	vld [tilespmem:s24+$0x8408];
	v3 =	vadd.s32 v6, v3  }
0xf0: {  	v57 =	vld [tilespmem:s24+$0x8C09];
	v3 =	vadd.s32 v7, v3  }
0xf1: {  	v58 =	vld [tilespmem:s24+$0x940A];
	v3 =	vadd.s32 v8, v3  }
0xf2: {  	v59 =	vld [tilespmem:s24+$0x9C0B];
	v3 =	vadd.s32 v54, v3  }
0xf3: {  	v60 =	vld [tilespmem:s24+$0xA40C];
	v3 =	vadd.s32 v55, v3  }
0xf4: {  	v61 =	vld [tilespmem:s24+$0xAC0D];
	v3 =	vadd.s32 v56, v3  }
0xf5: {  	v62 =	vld [tilespmem:s24+$0xB40E];
	v3 =	vadd.s32 v57, v3  }
0xf6: {  	v63 =	vld [tilespmem:s24+$0xBC0F];
	v3 =	vadd.s32 v58, v3  }
0xf7: {  	v3 =	vadd.s32 v59, v3  }
0xf8: {  	v3 =	vadd.s32 v60, v3  }
0xf9: {  	s22 =	sadd.s32 $0x20, s22;
	v3 =	vadd.s32 v61, v3  }
0xfa: {  	s23 =	sand.u32 $0x70, s23;
	s21 =	sadd.s32 $0x1, s21;
	s22 =	sand.u32 $0x700, s22;
	v3 =	vadd.s32 v62, v3  }
0xfb: {  	p0 =	sne.s32 s21, s12;
	s22 =	sor.u32 s23, s22;
	v3 =	vadd.s32 v63, v3  }
.Ltmp7:
0xfc: {  	[tilespmem:s22+$0xC100] =	vst v3;
	(pc) =	sbr.rel @p0 .LBB2_1-.Ltmp7, $4  }
0xfd: {  	[hbm4b:s11+s4] =	stream.linear.scatter [tilespmem:s19], [sflag:$0x3], $0x800, $0x38;
	[tilespmem:$0xC880] =	vst v63  }
0xfe: {  	_ =	swait.ge [sflag:s20], $0x800  }
0xff: {  	[sflag:s20] =	ssyncset.done $0x0  }
0x100: {  	[sflag:s20] =	ssyncadd.s32 $0xFFFFF800  }
0x101: {  	_ =	sfence.sel $0x180000  }
0x102: {  	[bflag:$0x0] =	sbarrier.arrive $0xFFFF  }
0x103: {  	p0 =	sne.s32 s0, $0x0;
	_ =	strace $0x90000047  }
0x104: {  	s0 =	sadd.s32 @!p0 $0x100000, s2;
	[bflag:$0x2] =	sbarrier.arrive $0xFFFF  }
0x105: {  	[sflag:s0] =	ssyncadd.tile.s32 @!p0 $0x1;
	_ =	shalt  }
.Lfunc_end2:
_tile_overlayer_lowered:
.L_overlay_start_2:
0x106: {  	(tag) =	ssettag $0x2  }
0x107: {  	s0 =	rddreg [dreg:$0x0];
	s2 =	stileid.u32  }
0x108: {  	s1 =	rddreg [dreg:$0x1];
	p0 =	sne.s32 s2, $0x0  }
0x109: {  	s3 =	rddreg [dreg:$0x2];
	[bflag:$0x3] =	sbarrier.arrive $0xFFFF;
	s2 =	simm.s32 @!p0 $0x1C03  }
0x10a: {  	[timem:s3], [sflag:s2] =	dma.local @!p0 [hbm:s0], s1  }
0x10b: {  	s0 =	simm.s32 @!p0 $0x3  }
0x10c: {  	_ =	swait.ge @!p0 [sflag:s0], s1  }
0x10d: {  	s1 =	ssub.s32 @!p0 $0x0, s1;
	[sflag:s0] =	ssyncset.done @!p0 $0x0  }
0x10e: {  	[sflag:s0] =	ssyncadd.s32 @!p0 s1  }
0x10f: {  	[bflag:$0x3] =	sbarrier.arrive $0xFFFF  }
0x110: {  	_ =	shalt  }

// kernel: kernel.9.cloned.1.call-start
scs
__scs_entry_jumppad:
0x0: {  	(pc) =	sbr.rel $0x88, $3  }
0x1: {  	(tag) =	ssettag $0x0;
	lr =	simm.s32 $0x1  }
0x2: {  	[smem:$0x3F9F] =	sst lr;
	_ =	strace $0xD0000000  }
0x3: {  	_ = 	snop  }
0x4: {  	_ = 	snop  }
0x5: {  	_ = 	snop  }
0x6: {  	_ = 	snop  }
0x7: {  	_ = 	snop  }
__scs_overlays_trampoline_lowered:
0x8: {  	[smem:$0x3FAE] =	sst s0  }
0x9: {  	[smem:$0x3FAF] =	sst s1  }
0xa: {  	[smem:$0x3FB0] =	sst s2  }
0xb: {  	[smem:$0x3FB1] =	sst s3  }
0xc: {  	[smem:$0x3FB2] =	sst s4  }
0xd: {  	[smem:$0x3FB3] =	sst s5  }
0xe: {  	[smem:$0x3FB4] =	sst s6  }
0xf: {  	[smem:$0x3FB5] =	sst s7  }
0x10: {  	[smem:$0x3FB6] =	sst s8  }
0x11: {  	[smem:$0x3FB7] =	sst s9;
	s0 =	simm.s32 @!p0 $0x0  }
0x12: {  	s1 =	sld [smem:$0x3F9D];
	s0 =	simm.s32 @p0 $0x1  }
0x13: {  	[smem:$0x3FB8] =	sst s0;
	s0 =	simm.s32 @!p1 $0x0  }
0x14: {  	s2 =	sld [smem:$0x3F9C];
	s0 =	simm.s32 @p1 $0x1  }
0x15: {  	[smem:$0x3FB9] =	sst s0;
	s0 =	simm.s32 @!p2 $0x0  }
0x16: {  	s3 =	sld [smem:$0x3FDB];
	s0 =	simm.s32 @p2 $0x1  }
0x17: {  	s4 =	simm.s32 $0x1BF5;
	[smem:$0x3FBB] =	sst s0  }
0x18: {  	s0 =	sld [smem:$0x3F9E];
	_ =	swait.ge [sflag:s4], $0x0  }
0x19: {  	s7 =	sld [smem:$0x3F9F]  }
0x1a: {  	s8 =	sadd.s32 $0xFFFFE003, lr  }
0x1b: {  	s9 =	sadd.s32 $0xFFFFFEF7, lr;
	s5 =	simm.s32 $0xFFFFFFFF;
	p2 =	slt.u32 s8, $0xFFFFF086  }
0x1c: {  	p1 =	slt.u32 s9, $0xF7A;
	s5 =	simm.s32 @!p2 $0x0  }
0x1d: {  	s5 =	simm.s32 @p1 $0x1;
	p0 =	seq.s32 s7, s2  }
0x1e: {  	s7 =	smul.u32 @!p0 $0xF7A, s2;
	p2 =	seq.s32 @!p0 s5, $0x0  }
0x1f: {  	s9 =	smul.u32 $0xF7A, s1;
	s8 =	simm.s32 @!p0 $0x1BF5;
	p2 =	por !p2, p0  }
0x20: {  	[sflag:s8] =	ssyncset.s32 @!p0 $0xFFFFF086;
	s6 =	sadd.s32 @!p0 s3, s7;
	s7 =	simm.s32 @!p0 $0x108  }
0x21: {  	s3 =	sadd.s32 s3, s9;
	s6 =	sadd.s32 @!p0 $0x88, s6;
	s7 =	simm.s32 @p2 $0x1082  }
0x22: {  	[simem:s7], [sflag:s8] =	dma.local @!p0 [hbm:s6], $0xF7A  }
0x23: {  	s9 =	sor.u32 $0xD0000000, s2;
	s6 =	simm.s32 $0x108;
	_ =	swait.ge @!p0 [sflag:s8], $0x0  }
0x24: {  	s3 =	sadd.s32 $0x88, s3;
	s6 =	simm.s32 @!p1 $0x1082;
	[sflag:s4] =	ssyncset.s32 $0xFFFFF086  }
0x25: {  	[simem:s6], [sflag:s4] =	dma.local [hbm:s3], $0xF7A  }
0x26: {  	[smem:$0x3F9F] =	sst s1;
	(tag) =	ssettag s2;
	_ =	strace s9  }
0x27: {  	s1 =	sld [smem:$0x3FAF]  }
0x28: {  	s2 =	sld [smem:$0x3FB0]  }
0x29: {  	s4 =	sld [smem:$0x3FB2]  }
0x2a: {  	p0 =	seq.s32 s5, $0x0;
	s5 =	sld [smem:$0x3FB3]  }
0x2b: {  	s6 =	sld [smem:$0x3FB4]  }
0x2c: {  	s7 =	sld [smem:$0x3FB5]  }
0x2d: {  	s3 =	simm.s32 $0x108;
	s8 =	sld [smem:$0x3FB6]  }
0x2e: {  	s3 =	simm.s32 @!p0 $0x1082;
	s9 =	sld [smem:$0x3FB7]  }
0x2f: {  	lr =	sadd.s32 s0, s3;
	s0 =	sld [smem:$0x3FAE]  }
0x30: {  	s3 =	sld [smem:$0x3FB1]  }
0x31: {  	[smem:$0x3FBA] =	sst s10  }
0x32: {  	s10 =	sld [smem:$0x3FB8];
	_ =	sdelay $0x3  }
0x33: {  	p0 =	seq.s32 s10, $0x1;
	s10 =	sld [smem:$0x3FBA];
	_ =	sdelay $0x3  }
0x34: {  	[smem:$0x3FBA] =	sst s10  }
0x35: {  	s10 =	sld [smem:$0x3FB9];
	_ =	sdelay $0x3  }
0x36: {  	p1 =	seq.s32 s10, $0x1;
	s10 =	sld [smem:$0x3FBA];
	_ =	sdelay $0x3  }
0x37: {  	[smem:$0x3FBA] =	sst s10  }
0x38: {  	s10 =	sld [smem:$0x3FBB]  }
0x39: {  	_ = 	snop;
	(pc) =	sbr.ind lr, $3  }
0x3a: {  	_ = 	snop  }
0x3b: {  	_ = 	snop  }
0x3c: {  	p2 =	seq.s32 s10, $0x1;
	s10 =	sld [smem:$0x3FBA]  }
0x3d: {  	_ =	shalt  }
0x3e: {  	_ =	shalt  }
0x3f: {  	_ =	shalt  }
0x40: {  	_ =	shalt  }
0x41: {  	_ =	shalt  }
0x42: {  	_ =	shalt  }
0x43: {  	_ =	shalt  }
0x44: {  	_ =	shalt  }
0x45: {  	_ =	shalt  }
0x46: {  	_ =	shalt  }
0x47: {  	_ =	shalt  }
0x48: {  	_ =	shalt  }
0x49: {  	_ =	shalt  }
0x4a: {  	_ =	shalt  }
0x4b: {  	_ =	shalt  }
0x4c: {  	_ =	shalt  }
0x4d: {  	_ =	shalt  }
0x4e: {  	_ =	shalt  }
0x4f: {  	_ =	shalt  }
0x50: {  	_ =	shalt  }
0x51: {  	_ =	shalt  }
0x52: {  	_ =	shalt  }
0x53: {  	_ =	shalt  }
0x54: {  	_ =	shalt  }
0x55: {  	_ =	shalt  }
0x56: {  	_ =	shalt  }
0x57: {  	_ =	shalt  }
0x58: {  	_ =	shalt  }
0x59: {  	_ =	shalt  }
0x5a: {  	_ =	shalt  }
0x5b: {  	_ =	shalt  }
0x5c: {  	_ =	shalt  }
0x5d: {  	_ =	shalt  }
0x5e: {  	_ =	shalt  }
0x5f: {  	_ =	shalt  }
0x60: {  	_ =	shalt  }
0x61: {  	_ =	shalt  }
0x62: {  	_ =	shalt  }
0x63: {  	_ =	shalt  }
0x64: {  	_ =	shalt  }
0x65: {  	_ =	shalt  }
0x66: {  	_ =	shalt  }
0x67: {  	_ =	shalt  }
0x68: {  	_ =	shalt  }
0x69: {  	_ =	shalt  }
0x6a: {  	_ =	shalt  }
0x6b: {  	_ =	shalt  }
0x6c: {  	_ =	shalt  }
0x6d: {  	_ =	shalt  }
0x6e: {  	_ =	shalt  }
0x6f: {  	_ =	shalt  }
0x70: {  	_ =	shalt  }
0x71: {  	_ =	shalt  }
0x72: {  	_ =	shalt  }
0x73: {  	_ =	shalt  }
0x74: {  	_ =	shalt  }
0x75: {  	_ =	shalt  }
0x76: {  	_ =	shalt  }
0x77: {  	_ =	shalt  }
0x78: {  	_ =	shalt  }
0x79: {  	_ =	shalt  }
0x7a: {  	_ =	shalt  }
0x7b: {  	_ =	shalt  }
0x7c: {  	_ =	shalt  }
0x7d: {  	_ =	shalt  }
0x7e: {  	_ =	shalt  }
0x7f: {  	_ =	shalt  }
0x80: {  	_ =	shalt  }
0x81: {  	_ =	shalt  }
0x82: {  	_ =	shalt  }
0x83: {  	_ =	shalt  }
0x84: {  	_ =	shalt  }
0x85: {  	_ =	shalt  }
0x86: {  	_ =	shalt  }
0x87: {  	_ =	shalt  }
.Lfunc_end0:
.L_simem_size_0:
called_computation.1_lowered:
.L_overlay_start_0:
0x88: {  	s2 =	sld [smem:$0x3FD9]  }
0x89: {  	s3 =	sld [smem:$0x3FFE];
	_ =	sdelay $0x1  }
0x8a: {  	s1 =	srdreg.scid  }
0x8b: {  	s0 =	sand.u32 $0x1, s1  }
0x8c: {  	s17 =	sshll.u32 s0, $0xA;
	s2 =	sadd.s32 s3, s2  }
0x8d: {  	s2 =	sadd.s32 s2, s17  }
0x8e: {  	[smem:$0x3FC6] =	sst s2  }
0x8f: {  	_ = 	snop  }
0x90: {  	s2 =	sld [smem:$0x3FC9]  }
0x91: {  	s18 =	sld [smem:$0x3FC8];
	(tm) =	ssettm $0x1  }
0x92: {  	s4 =	sld [smem:$0x3FFB];
	_ =	sdelay $0x3  }
0x93: {  	_ =	strace s4  }
0x94: {  	s4 =	sld [smem:$0x3FFC];
	_ =	sdelay $0x3  }
0x95: {  	_ =	strace s4  }
0x96: {  	s4 =	sld [smem:$0x3FFD];
	_ =	sdelay $0x3  }
0x97: {  	_ =	strace s4  }
0x98: {  	_ =	strace $0x8FFFFFFF  }
0x99: {  	s19 =	sld [smem:$0x3FDB];
	_ =	sdelay $0x1  }
0x9a: {  	s5 =	simm.s32 $_scs_section_size  }
0x9b: {  	s6 =	simm.s32 $_size__tile_overlayer_lowered;
	s7 =	simm.s32 $_tile_overlayer_lowered  }
0x9c: {  	s22 =	simm.s32 $0x1BFF;
	s21 =	sshll.u32 s7, $0x1;
	s4 =	sadd.s32 s5, s19  }
0x9d: {  	s8 =	simm.s32 $0x0;
	s20 =	sshll.u32 s6, $0x1;
	s6 =	sadd.s32 s21, s4  }
0x9e: {  	[timem:s8], [sflag:s22] =	dma.local [hbm:s6], s20  }
0x9f: {  	_ =	swait.ge [sflag:s22], s20  }
0xa0: {  	s5 =	ssub.s32 $0x0, s20;
	[sflag:s22] =	ssyncset.done $0x0  }
0xa1: {  	[sflag:s22] =	ssyncadd.s32 s5;
	_ =	sdelay $0x1  }
0xa2: {  	s23 =	simm.s32 $0x1B8B  }
0xa3: {  	_ =	swait.ge [sflag:s23], $0x1  }
0xa4: {  	[sflag:s23] =	ssyncset.done $0x0  }
0xa5: {  	s25 =	simm.s32 $0x1B8E;
	s24 =	sld [smem:$0x3FFE];
	[sflag:s23] =	ssyncadd.s32 $0xFFFFFFFF  }
0xa6: {  	s26 =	simm.s32 $execute0_lowered;
	[smem:$0x3FD2] =	sst s25  }
0xa7: {  	s6 =	sshll.u32 s26, $0x1;
	_ =	strace $0x80000049;
	[dreg:$0x1] =	wrdreg $0xFFFFFFFF  }
0xa8: {  	s28 =	simm.s32 $_size_execute0_lowered;
	s4 =	sadd.s32 s4, s6;
	[dreg:$0x0] =	wrdreg $0x0  }
0xa9: {  	s6 =	sshll.u32 s28, $0x1;
	[dreg:$0x2] =	wrdreg s4  }
0xaa: {  	[dreg:$0x3] =	wrdreg s6  }
0xab: {  	[dreg:$0x4] =	wrdreg $0xC0  }
0xac: {  	_ =	task [dreg:s8], $0x5FFFF  }
0xad: {  	[dreg:$0x1] =	wrdreg $0xFFFFFFFF  }
0xae: {  	[dreg:$0x0] =	wrdreg $0x60  }
0xaf: {  	[dreg:$0x2] =	wrdreg s2  }
0xb0: {  	[dreg:$0x3] =	wrdreg s18  }
0xb1: {  	[dreg:$0x4] =	wrdreg s24  }
0xb2: {  	[dreg:$0x5] =	wrdreg $0x9  }
0xb3: {  	_ =	task.clear_ibuf [dreg:s8], $0x6FFFF;
	_ =	strace $0x90000049  }
0xb4: {  	s29 =	simm.s32 $0x9;
	_ =	strace $0x8000004B  }
0xb5: {  	_ =	swait.ge [sflag:s29], $0x1  }
0xb6: {  	[sflag:s29] =	ssyncadd.s32 $0xFFFFFFFF  }
0xb7: {  	_ =	strace $0x9000004B  }
0xb8: {  	_ =	sfence  }
0xb9: {  	s30 =	sld [smem:$0x0];
	_ =	sdelay $0x2  }
0xba: {  	s31 =	sshll.u32 s1, $0xD;
	s1 =	sshrl.u32 s1, $0x2  }
0xbb: {  	s3 =	sand.u32 $0x4000, s31;
	s1 =	sadd.s32 s1, s30  }
0xbc: {  	s0 =	sor.u32 s3, s0;
	s1 =	sshll.u32 s1, $0x11  }
0xbd: {  	s0 =	sor.u32 s1, s0  }
0xbe: {  	s0 =	sadd.s32 $0x8F2B, s0  }
0xbf: {  	[sflag:s0] =	ssyncadd.remote.s32 $0x1  }
0xc0: {  	_ =	sfence.sel $0xFFFF  }
0xc1: {  	[dreg:$0x0] =	wrdreg $0xFFFFFFFF;
	(pc) =	sbr.abs _section_cstart, $3  }
0xc2: {  	[dreg:$0x1] =	wrdreg $0xFFFFFFFF  }
0xc3: {  	_ =	task.clear_ibuf [dreg:s8], $0x2FFFF;
	_ =	strace $0x9FFFFFFF  }
0xc4: {  	(tm) =	ssettm $0x7FFFFFFF  }
0xc5: {  	_ =	shalt  }
tec
execute0_lowered:
.L_overlay_start_1:
0x0: {  	(tag) =	ssettag $0x1  }
0x1: {  	s1 =	rddreg [dreg:$0x0]  }
0x2: {  	s2 =	rddreg [dreg:$0x1]  }
0x3: {  	s0 =	rddreg [dreg:$0x2]  }
0x4: {  	s4 =	simm.s32 $0x0;
	s3 =	srdreg.scid;
	s5 =	stileid.u32  }
0x5: {  	s18 =	simm.s32 $0x3;
	s21 =	simm.s32 $0x2000;
	s22 =	simm.s32 $0x3000  }
0x6: {  	s23 =	simm.s32 $0x1;
	s24 =	simm.s32 $0x4000;
	s25 =	simm.s32 $0xC080  }
0x7: {  	s26 =	simm.s32 $0x14100;
	s28 =	simm.s32 $0x2;
	[smem:$0x7FF] =	sst s4  }
0x8: {  	s3 =	sand.u32 $0x1, s3;
	s6 =	sshll.u32 s5, $0x1;
	s5 =	sadd.s32 $0x1800, s0  }
0x9: {  	_ =	strace $0x8000004A;
	s6 =	sor.u32 s3, s6;
	s3 =	ssub.s32 $0x2, s3  }
0xa: {  	s7 =	sshll.u32 s6, $0x8;
	s8 =	sshll.u32 s6, $0x5;
	s29 =	sshrl.u32 s3, $0x1  }
0xb: {  	s12 =	sshll.u32 s6, $0x11;
	s30 =	sshll.u32 s6, $0xE;
	s6 =	sadd.s32 $0x1810, s0  }
0xc: {  	s14 =	sadd.s32 s7, s0;
	s15 =	sadd.s32 s8, s0;
	s3 =	ssub.s32 s3, s29  }
0xd: {  	v4 =	vlaneseq.u32;
	s7 =	sadd.s32 s1, s30;
	s31 =	sor.u32 $0x200, s30;
	s8 =	sadd.s32 s2, s30  }
0xe: {  	v0 =	vmul.u32 $0x3, v4;
	s11 =	sor.u32 $0x2000, s12;
	s12 =	sor.u32 $0x3000, s12;
	s0 =	simm.s32 $0x0  }
0xf: {  	v1 =	vimm.s32 $0x0;
	v2 =	vimm.f32 $0.0e+00;
	s9 =	sadd.s32 s1, s31;
	s10 =	sadd.s32 s2, s31;
	s13 =	sadd.s32 $0x1A00, s14  }
0x10: {  	v3 =	vimm.s32 $0x1;
	v4 =	vmul.u32 $0x801, v4;
	v5 =	vadd.s32 $0x1, v0;
	s14 =	sadd.s32 $0x3A00, s14;
	s15 =	sadd.s32 $0x5A00, s15;
	s16 =	smax.u32 s3, $0x1  }
.LBB2_1:
0x11: {  	s3 =	simm.s32 $0x80;
	s17 =	simm.s32 $0x0  }
.LBB2_2:
0x12: {  	p0 =	sne.s32 s3, $0x1FF80;
	[tilespmem:s17+$0x4000] =	vst v1;
	s19 =	smov.u32 s3;
	s3 =	sadd.s32 $0x80, s3  }
.Ltmp0:
0x13: {  	[tilespmem:s17+$0x4010] =	vst v1;
	(pc) =	sbr.rel @p0 .LBB2_2-.Ltmp0, $2  }
0x14: {  	_ =	sdelay $0x2  }
0x15: {  	s17 =	sshra.s32 s19, $0x2  }
0x16: {  	[tilespmem:s17+$0x4000] =	vst v1  }
0x17: {  	[tilespmem:s17+$0x4010] =	vst v1  }
0x18: {  	s3 =	simm.s32 $0x80;
	s17 =	simm.s32 $0x0;
	[tilespmem:$0xC000] =	vst v1  }
.LBB2_4:
0x19: {  	p0 =	sne.s32 s3, $0x1FF80;
	[tilespmem:s17+$0xC080] =	vst v2;
	s19 =	smov.u32 s3;
	s3 =	sadd.s32 $0x80, s3  }
.Ltmp1:
0x1a: {  	[tilespmem:s17+$0xC090] =	vst v2;
	(pc) =	sbr.rel @p0 .LBB2_4-.Ltmp1, $2  }
0x1b: {  	_ =	sdelay $0x2  }
0x1c: {  	s17 =	sshra.s32 s19, $0x2  }
0x1d: {  	[tilespmem:s17+$0xC080] =	vst v2  }
0x1e: {  	[tilespmem:s17+$0xC090] =	vst v2  }
0x1f: {  	[tilespmem:$0x14080] =	vst v2  }
0x20: {  	[tilespmem:$0x14100] =	vst v2  }
0x21: {  	[tilespmem:$0x14110] =	vst v2  }
0x22: {  	s3 =	simm.s32 $0x0;
	s29 =	simm.s32 $0x15280;
	[tilespmem:$0x14120] =	vst v2  }
0x23: {  	[tilespmem:s29], [sflag:$0x3] =	stream.linear.gather [hbm4b:s5+s3], $0x80, $0x38;
	[tilespmem:$0x15380] =	vst v63  }
0x24: {  	_ =	swait.ge [sflag:s18], $0x80  }
0x25: {  	[sflag:s18] =	ssyncset.done $0x0  }
0x26: {  	s30 =	simm.s32 $0x15300;
	[sflag:s18] =	ssyncadd.s32 $0xFFFFFF80  }
0x27: {  	[tilespmem:s30], [sflag:$0x3] =	stream.linear.gather [hbm4b:s6+s3], $0x80, $0x38;
	[tilespmem:$0x15380] =	vst v63  }
0x28: {  	_ =	swait.ge [sflag:s18], $0x80  }
0x29: {  	[sflag:s18] =	ssyncset.done $0x0  }
0x2a: {  	[sflag:s18] =	ssyncadd.s32 $0xFFFFFF80  }
0x2b: {  	v6 =	vld [tilespmem:$0x15280]  }
0x2c: {  	v7 =	vld [tilespmem:$0x15300];
	[tilespmem:s3], [sflag:$0x1] =	stream.linear.gather [hbm4b:s7+s3], $0x1000, $0x38  }
0x2d: {  	s31 =	simm.s32 $0x1000  }
0x2e: {  	[tilespmem:s31], [sflag:$0x1] =	stream.linear.gather [hbm4b:s8+s3], $0x1000, $0x38;
	[tilespmem:$0x15380] =	vst v63  }
0x2f: {  	_ = 	snop  }
0x30: {  	[tilespmem:s21], [sflag:$0x2] =	stream.linear.gather [hbm4b:s9+s3], $0x1000, $0x38;
	[tilespmem:$0x15380] =	vst v63  }
0x31: {  	_ = 	snop  }
0x32: {  	[tilespmem:s22], [sflag:$0x2] =	stream.linear.gather [hbm4b:s10+s3], $0x1000, $0x38;
	[tilespmem:$0x15380] =	vst v63  }
.LBB2_6:
0x33: {  	_ =	swait.ge [sflag:s23], $0x1000  }
0x34: {  	[sflag:s23] =	ssyncset.done $0x0  }
0x35: {  	[sflag:s23] =	ssyncadd.s32 $0xFFFFF000  }
0x36: {  	_ =	swait.ge [sflag:s23], $0x1000  }
0x37: {  	[sflag:s23] =	ssyncset.done $0x0  }
0x38: {  	s17 =	simm.s32 $0x10;
	[sflag:s23] =	ssyncadd.s32 $0xFFFFF000  }
0x39: {  	s19 =	simm.s32 $0x1010;
	v11 =	vld [tilespmem:s17+$0x0]  }
0x3a: {  	v9 =	vld [tilespmem:s19+$0x0]  }
0x3b: {  	v13 =	vld [tilespmem:s17+$0xFFFFFFF0]  }
0x3c: {  	v14 =	vld [tilespmem:s19+$0xFFFFFFF0];
	_ =	sdelay $0x2  }
0x3d: {  	v8 =	vshra.s32 v11, $0x1F;
	v10 =	vadd.s32 $0xFFFFFFFF, v9  }
0x3e: {  	v12 =	vshra.s32 v13, $0x1F;
	vm1 =	veq.s32 v9, $0x1;
	v17 =	vshll.u32 v9, $0xA  }
0x3f: {  	vm3 =	veq.s32 v14, $0x1;
	v19 =	vadd.s32 v0, v9;
	v8 =	vor.u32 $0x80000000, v8  }
0x40: {  	v21 =	vshll.u32 v14, $0xA;
	v22 =	vsub.f32 $0.0e+00, v11;
	v8 =	vxor.u32 v8, v10  }
0x41: {  	v18 =	vsel vm1, v7, v6;
	v10 =	vor.u32 $0x80000000, v12;
	v8 =	vxor.u32 v11, v8  }
0x42: {  	v12 =	vadd.s32 $0xFFFFFFFF, v14;
	v16 =	vshrl.u32 v8, $0xC;
	v8 =	vshrl.u32 v8, $0x16  }
0x43: {  	s31 =	simm.s32 $0x30;
	v10 =	vxor.u32 v10, v12;
	v16 =	vand.u32 $0x3FF, v16;
	vm2 =	veq.s32 v8, v18  }
0x44: {  	s17 =	simm.s32 $0x1030;
	v12 =	vor.u32 v16, v17;
	v16 =	vxor.u32 v13, v10;
	v10 =	vsub.s32 v8, v18;
	v8 =	vld [tilespmem:s31+$0x0]  }
0x45: {  	v17 =	vadd.s32 v4, v12;
	v12 =	vshrl.u32 v16, $0xC;
	vm4 =	vlt.s32 v10, $0x0;
	v10 =	vld [tilespmem:s17+$0x0]  }
0x46: {  	v9 =	vld [tilespmem:s31+$0xFFFFFFF0];
	v20 =	vsel vm3, v7, v6;
	v16 =	vshrl.u32 v16, $0x16;
	v18 =	vand.u32 $0x3FF, v12  }
0x47: {  	v23 =	vsub.s32 v16, v20;
	vm5 =	veq.s32 v16, v20;
	v16 =	vor.u32 v18, v21  }
0x48: {  	v15 =	vsub.f32 $0.0e+00, v13;
	v14 =	vadd.s32 v0, v14;
	v16 =	vadd.s32 v4, v16  }
0x49: {  	v12 =	vld [tilespmem:s17+$0xFFFFFFF0];
	vm0 =	vlt.s32 v23, $0x0;
	v18 =	vsel vm1, v11, v22;
	v60 =	vshra.s32 v8, $0x1F  }
0x4a: {  	v11 =	vsel vm3, v13, v15;
	[tilespmem:v17+s24+$0x0] =	vst.idx.add.s32.msk vm2, v3;
	v15 =	vor.u32 $0x80000000, v60;
	v61 =	vadd.s32 $0xFFFFFFFF, v10  }
0x4b: {  	v13 =	vsub.f32 $0.0e+00, v9;
	vm1 =	veq.s32 v10, $0x1;
	[tilespmem:v17+s25+$0x0] =	vst.idx.add.f32.msk vm2, v18;
	v15 =	vxor.u32 v15, v61  }
0x4c: {  	v62 =	vshll.u32 v10, $0xA;
	v17 =	vshra.s32 v9, $0x1F;
	[tilespmem:v19+s26+$0x0] =	vst.idx.add.f32.msk vm4, v18;
	v15 =	vxor.u32 v8, v15  }
0x4d: {  	v63 =	vsel vm1, v7, v6;
	v17 =	vor.u32 $0x80000000, v17;
	v19 =	vshrl.u32 v15, $0xC;
	[tilespmem:v16+s24+$0x0] =	vst.idx.add.s32.msk vm5, v3  }
0x4e: {  	v18 =	vadd.s32 $0xFFFFFFFF, v12;
	v15 =	vshrl.u32 v15, $0x16;
	v19 =	vand.u32 $0x3FF, v19;
	[tilespmem:v16+s25+$0x0] =	vst.idx.add.f32.msk vm5, v11  }
0x4f: {  	v16 =	vxor.u32 v17, v18;
	vm2 =	veq.s32 v15, v63;
	v18 =	vor.u32 v19, v62  }
0x50: {  	s20 =	simm.s32 $0x50;
	s19 =	simm.s32 $0x2;
	v17 =	vsub.s32 v15, v63;
	v16 =	vxor.u32 v9, v16;
	v15 =	vadd.s32 v4, v18  }
.LBB2_7:
0x51: {  	vm6 =	veq.s32 v12, $0x1  }
0x52: {  	v18 =	vld [tilespmem:s20+$0x0];
	v19 =	vshrl.u32 v16, $0xC;
	vm5 =	vlt.s32 v17, $0x0;
	s17 =	sadd.s32 $0x20, s17;
	vm4 =	vmmov vm0  }
0x53: {  	v16 =	vshrl.u32 v16, $0x16;
	v17 =	vand.u32 $0x3FF, v19;
	v19 =	vadd.s32 v0, v10;
	v10 =	vld [tilespmem:s17+$0x0]  }
0x54: {  	s19 =	sadd.s32 $0x2, s19;
	v22 =	vshll.u32 v12, $0xA;
	v23 =	vsub.f32 $0.0e+00, v8;
	v21 =	vsel vm6, v7, v6;
	v20 =	vld [tilespmem:s20+$0xFFFFFFF0]  }
0x55: {  	p0 =	slt.u32 s19, $0xFE;
	v25 =	vsub.s32 v16, v21;
	vm3 =	veq.s32 v16, v21;
	v16 =	vor.u32 v17, v22;
	v24 =	vld [tilespmem:s17+$0xFFFFFFF0]  }
0x56: {  	v23 =	vsel vm1, v8, v23;
	vm0 =	vlt.s32 v25, $0x0;
	v16 =	vadd.s32 v4, v16;
	[tilespmem:v15+s24+$0x0] =	vst.idx.add.s32.msk vm2, v3  }
0x57: {  	v21 =	vsel vm6, v9, v13;
	v22 =	vadd.s32 v0, v12;
	v17 =	vshra.s32 v18, $0x1F;
	[tilespmem:v15+s25+$0x0] =	vst.idx.add.f32.msk vm2, v23  }
0x58: {  	v8 =	vmov v18;
	v17 =	vor.u32 $0x80000000, v17;
	v25 =	vadd.s32 $0xFFFFFFFF, v10;
	[tilespmem:v19+s26+$0x0] =	vst.idx.add.f32.msk vm5, v23  }
0x59: {  	v15 =	vshra.s32 v20, $0x1F;
	v13 =	vsub.f32 $0.0e+00, v20;
	v19 =	vxor.u32 v17, v25;
	[tilespmem:v14+s26+$0x0] =	vst.idx.add.f32.msk vm4, v11;
	v9 =	vmovc v20  }
.Ltmp2:
0x5a: {  	v11 =	vmovc v21;
	v15 =	vor.u32 $0x80000000, v15;
	v17 =	vadd.s32 $0xFFFFFFFF, v24;
	v18 =	vxor.u32 v8, v19;
	v12 =	vmovc v24;
	(pc) =	sbr.rel @p0 .LBB2_7-.Ltmp2, $4  }
0x5b: {  	vm1 =	veq.s32 v10, $0x1;
	v20 =	vshll.u32 v10, $0xA;
	v14 =	vmovc v22;
	v19 =	vshrl.u32 v18, $0xC;
	[tilespmem:v16+s24+$0x0] =	vst.idx.add.s32.msk vm3, v3  }
0x5c: {  	v21 =	vsel vm1, v7, v6;
	v18 =	vshrl.u32 v18, $0x16;
	v19 =	vand.u32 $0x3FF, v19;
	[tilespmem:v16+s25+$0x0] =	vst.idx.add.f32.msk vm3, v11  }
0x5d: {  	v15 =	vxor.u32 v15, v17;
	vm2 =	veq.s32 v18, v21;
	v19 =	vor.u32 v19, v20  }
0x5e: {  	s20 =	sadd.s32 $0x20, s20;
	v16 =	vxor.u32 v9, v15;
	v17 =	vsub.s32 v18, v21;
	v15 =	vadd.s32 v4, v19  }
0x5f: {  	vm3 =	veq.s32 v12, $0x1  }
0x60: {  	v18 =	vshrl.u32 v16, $0xC;
	vm4 =	vlt.s32 v17, $0x0;
	vm0 =	vmmov vm0  }
0x61: {  	v16 =	vshrl.u32 v16, $0x16;
	v10 =	vadd.s32 v0, v10;
	v19 =	vshll.u32 v12, $0xA  }
0x62: {  	v20 =	vsub.f32 $0.0e+00, v8;
	v17 =	vand.u32 $0x3FF, v18;
	v18 =	vsel vm3, v7, v6  }
0x63: {  	v21 =	vsub.s32 v16, v18;
	vm5 =	veq.s32 v16, v18;
	v16 =	vor.u32 v17, v19  }
0x64: {  	v16 =	vadd.s32 v4, v16  }
0x65: {  	[tilespmem:v15+s24+$0x0] =	vst.idx.add.s32.msk vm2, v3;
	v8 =	vsel vm1, v8, v20;
	vm6 =	vlt.s32 v21, $0x0  }
0x66: {  	v12 =	vadd.s32 v0, v12;
	[tilespmem:v15+s25+$0x0] =	vst.idx.add.f32.msk vm2, v8  }
0x67: {  	[tilespmem:v10+s26+$0x0] =	vst.idx.add.f32.msk vm4, v8  }
0x68: {  	s19 =	sshll.u32 s3, $0xD;
	p0 =	seq.s32 s3, $0xF;
	[tilespmem:v14+s26+$0x0] =	vst.idx.add.f32.msk vm0, v11  }
0x69: {  	s17 =	sadd.s32 @!p0 s19, s11;
	v8 =	vsel vm3, v9, v13;
	[tilespmem:v16+s24+$0x0] =	vst.idx.add.s32.msk vm5, v3  }
0x6a: {  	s17 =	sshrl.u32 @!p0 s17, $0x3;
	[tilespmem:v16+s25+$0x0] =	vst.idx.add.f32.msk vm5, v8  }
0x6b: {  	s29 =	simm.s32 @!p0 $0x0;
	s20 =	sadd.s32 @!p0 s1, s17;
	[tilespmem:v12+s26+$0x0] =	vst.idx.add.f32.msk vm6, v8  }
0x6c: {  	[tilespmem:s29], [sflag:$0x1] =	stream.linear.gather @!p0 [hbm4b:s20+s29], $0x1000, $0x38;
	[tilespmem:$0x15380] =	vst v63  }
0x6d: {  	s17 =	sadd.s32 @!p0 s2, s17;
	s20 =	simm.s32 @!p0 $0x1000  }
0x6e: {  	[tilespmem:s20], [sflag:$0x1] =	stream.linear.gather @!p0 [hbm4b:s17+s29], $0x1000, $0x38;
	[tilespmem:$0x15380] =	vst v63  }
0x6f: {  	_ =	swait.ge [sflag:s28], $0x1000  }
0x70: {  	[sflag:s28] =	ssyncset.done $0x0  }
0x71: {  	[sflag:s28] =	ssyncadd.s32 $0xFFFFF000  }
0x72: {  	_ =	swait.ge [sflag:s28], $0x1000  }
0x73: {  	[sflag:s28] =	ssyncset.done $0x0  }
0x74: {  	s20 =	simm.s32 $0x2010;
	[sflag:s28] =	ssyncadd.s32 $0xFFFFF000  }
0x75: {  	s30 =	simm.s32 $0x3010;
	v11 =	vld [tilespmem:s20+$0x0]  }
0x76: {  	v9 =	vld [tilespmem:s30+$0x0]  }
0x77: {  	v13 =	vld [tilespmem:s20+$0xFFFFFFF0];
	_ =	sdelay $0x1  }
0x78: {  	v14 =	vld [tilespmem:s30+$0xFFFFFFF0];
	_ =	sdelay $0x1  }
0x79: {  	vm1 =	vmmov vm6  }
0x7a: {  	v8 =	vshra.s32 v11, $0x1F;
	v10 =	vadd.s32 $0xFFFFFFFF, v9;
	v12 =	vshra.s32 v13, $0x1F  }
0x7b: {  	v15 =	vsub.f32 $0.0e+00, v13;
	vm1 =	veq.s32 v9, $0x1;
	v17 =	vshll.u32 v9, $0xA  }
0x7c: {  	vm3 =	veq.s32 v14, $0x1;
	v19 =	vadd.s32 v0, v9;
	v8 =	vor.u32 $0x80000000, v8  }
0x7d: {  	v59 =	vshll.u32 v14, $0xA;
	v22 =	vsub.f32 $0.0e+00, v11;
	v8 =	vxor.u32 v8, v10  }
0x7e: {  	v18 =	vsel vm1, v7, v6;
	v10 =	vor.u32 $0x80000000, v12;
	v8 =	vxor.u32 v11, v8  }
0x7f: {  	v12 =	vadd.s32 $0xFFFFFFFF, v14;
	v16 =	vshrl.u32 v8, $0xC;
	v8 =	vshrl.u32 v8, $0x16  }
0x80: {  	s31 =	simm.s32 $0x2030;
	v10 =	vxor.u32 v10, v12;
	v16 =	vand.u32 $0x3FF, v16;
	vm2 =	veq.s32 v8, v18  }
0x81: {  	s17 =	simm.s32 $0x3030;
	v12 =	vor.u32 v16, v17;
	v16 =	vxor.u32 v13, v10;
	v10 =	vsub.s32 v8, v18;
	v8 =	vld [tilespmem:s31+$0x0]  }
0x82: {  	v17 =	vadd.s32 v4, v12;
	v12 =	vshrl.u32 v16, $0xC;
	vm14 =	vlt.s32 v10, $0x0;
	v10 =	vld [tilespmem:s17+$0x0]  }
0x83: {  	v9 =	vld [tilespmem:s31+$0xFFFFFFF0];
	v58 =	vsel vm3, v7, v6;
	v16 =	vshrl.u32 v16, $0x16;
	v18 =	vand.u32 $0x3FF, v12  }
0x84: {  	v23 =	vsub.s32 v16, v58;
	vm15 =	veq.s32 v16, v58;
	v16 =	vor.u32 v18, v59  }
0x85: {  	vm0 =	vlt.s32 v23, $0x0;
	v16 =	vadd.s32 v4, v16  }
0x86: {  	v12 =	vld [tilespmem:s17+$0xFFFFFFF0];
	v18 =	vsel vm1, v11, v22;
	v11 =	vsel vm3, v13, v15;
	v60 =	vshra.s32 v8, $0x1F  }
0x87: {  	v13 =	vadd.s32 v0, v14;
	[tilespmem:v17+s24+$0x0] =	vst.idx.add.s32.msk vm2, v3;
	v15 =	vor.u32 $0x80000000, v60;
	v61 =	vadd.s32 $0xFFFFFFFF, v10  }
0x88: {  	v14 =	vsub.f32 $0.0e+00, v9;
	vm1 =	veq.s32 v10, $0x1;
	[tilespmem:v17+s25+$0x0] =	vst.idx.add.f32.msk vm2, v18;
	v15 =	vxor.u32 v15, v61  }
0x89: {  	v62 =	vshll.u32 v10, $0xA;
	v17 =	vshra.s32 v9, $0x1F;
	[tilespmem:v19+s26+$0x0] =	vst.idx.add.f32.msk vm14, v18;
	v15 =	vxor.u32 v8, v15  }
0x8a: {  	v63 =	vsel vm1, v7, v6;
	v17 =	vor.u32 $0x80000000, v17;
	v19 =	vshrl.u32 v15, $0xC;
	[tilespmem:v16+s24+$0x0] =	vst.idx.add.s32.msk vm15, v3  }
0x8b: {  	v18 =	vadd.s32 $0xFFFFFFFF, v12;
	v15 =	vshrl.u32 v15, $0x16;
	v19 =	vand.u32 $0x3FF, v19;
	[tilespmem:v16+s25+$0x0] =	vst.idx.add.f32.msk vm15, v11  }
0x8c: {  	v16 =	vxor.u32 v17, v18;
	vm2 =	veq.s32 v15, v63;
	v18 =	vor.u32 v19, v62  }
0x8d: {  	s29 =	simm.s32 $0x2050;
	s20 =	simm.s32 $0x2;
	v17 =	vsub.s32 v15, v63;
	v16 =	vxor.u32 v9, v16;
	v15 =	vadd.s32 v4, v18  }
.LBB2_9:
0x8e: {  	vm6 =	veq.s32 v12, $0x1  }
0x8f: {  	v18 =	vld [tilespmem:s29+$0x0];
	v19 =	vshrl.u32 v16, $0xC;
	vm5 =	vlt.s32 v17, $0x0;
	s17 =	sadd.s32 $0x20, s17;
	vm4 =	vmmov vm0  }
0x90: {  	v16 =	vshrl.u32 v16, $0x16;
	v17 =	vand.u32 $0x3FF, v19;
	v19 =	vadd.s32 v0, v10;
	v10 =	vld [tilespmem:s17+$0x0]  }
0x91: {  	s20 =	sadd.s32 $0x2, s20;
	v22 =	vshll.u32 v12, $0xA;
	v23 =	vsub.f32 $0.0e+00, v8;
	v21 =	vsel vm6, v7, v6;
	v20 =	vld [tilespmem:s29+$0xFFFFFFF0]  }
0x92: {  	p1 =	slt.u32 s20, $0xFE;
	v25 =	vsub.s32 v16, v21;
	vm3 =	veq.s32 v16, v21;
	v16 =	vor.u32 v17, v22;
	v24 =	vld [tilespmem:s17+$0xFFFFFFF0]  }
0x93: {  	v23 =	vsel vm1, v8, v23;
	vm0 =	vlt.s32 v25, $0x0;
	v16 =	vadd.s32 v4, v16;
	[tilespmem:v15+s24+$0x0] =	vst.idx.add.s32.msk vm2, v3  }
0x94: {  	v21 =	vsel vm6, v9, v14;
	v22 =	vadd.s32 v0, v12;
	v17 =	vshra.s32 v18, $0x1F;
	[tilespmem:v15+s25+$0x0] =	vst.idx.add.f32.msk vm2, v23  }
0x95: {  	v8 =	vmov v18;
	v17 =	vor.u32 $0x80000000, v17;
	v25 =	vadd.s32 $0xFFFFFFFF, v10;
	[tilespmem:v19+s26+$0x0] =	vst.idx.add.f32.msk vm5, v23  }
0x96: {  	v15 =	vshra.s32 v20, $0x1F;
	v14 =	vsub.f32 $0.0e+00, v20;
	v19 =	vxor.u32 v17, v25;
	[tilespmem:v13+s26+$0x0] =	vst.idx.add.f32.msk vm4, v11;
	v9 =	vmovc v20  }
.Ltmp3:
0x97: {  	v11 =	vmovc v21;
	v15 =	vor.u32 $0x80000000, v15;
	v17 =	vadd.s32 $0xFFFFFFFF, v24;
	v18 =	vxor.u32 v8, v19;
	v12 =	vmovc v24;
	(pc) =	sbr.rel @p1 .LBB2_9-.Ltmp3, $4  }
0x98: {  	vm1 =	veq.s32 v10, $0x1;
	v20 =	vshll.u32 v10, $0xA;
	v13 =	vmovc v22;
	v19 =	vshrl.u32 v18, $0xC;
	[tilespmem:v16+s24+$0x0] =	vst.idx.add.s32.msk vm3, v3  }
0x99: {  	v21 =	vsel vm1, v7, v6;
	v18 =	vshrl.u32 v18, $0x16;
	v19 =	vand.u32 $0x3FF, v19;
	[tilespmem:v16+s25+$0x0] =	vst.idx.add.f32.msk vm3, v11  }
0x9a: {  	v15 =	vxor.u32 v15, v17;
	vm2 =	veq.s32 v18, v21;
	v19 =	vor.u32 v19, v20  }
0x9b: {  	s29 =	sadd.s32 $0x20, s29;
	v16 =	vxor.u32 v9, v15;
	v17 =	vsub.s32 v18, v21;
	v15 =	vadd.s32 v4, v19  }
0x9c: {  	vm3 =	veq.s32 v12, $0x1;
	v18 =	vshrl.u32 v16, $0xC;
	vm4 =	vlt.s32 v17, $0x0  }
0x9d: {  	vm0 =	vmmov vm0;
	v59 =	vshrl.u32 v16, $0x16;
	v10 =	vadd.s32 v0, v10  }
0x9e: {  	v19 =	vshll.u32 v12, $0xA;
	v60 =	vand.u32 $0x3FF, v18;
	v61 =	vsel vm3, v7, v6  }
0x9f: {  	v20 =	vsub.f32 $0.0e+00, v8;
	vm5 =	veq.s32 v59, v61;
	v62 =	vor.u32 v60, v19  }
0xa0: {  	v21 =	vsub.s32 v59, v61;
	v16 =	vadd.s32 v4, v62  }
0xa1: {  	[tilespmem:v15+s24+$0x0] =	vst.idx.add.s32.msk vm2, v3;
	v8 =	vsel vm1, v8, v20;
	vm6 =	vlt.s32 v21, $0x0  }
0xa2: {  	v63 =	vadd.s32 v0, v12;
	[tilespmem:v15+s25+$0x0] =	vst.idx.add.f32.msk vm2, v8  }
.Ltmp4:
0xa3: {  	[tilespmem:v10+s26+$0x0] =	vst.idx.add.f32.msk vm4, v8;
	(pc) =	sbr.rel @p0 .LBB2_12-.Ltmp4, $4  }
0xa4: {  	[tilespmem:v13+s26+$0x0] =	vst.idx.add.f32.msk vm0, v11  }
0xa5: {  	v8 =	vsel vm3, v9, v14;
	[tilespmem:v16+s24+$0x0] =	vst.idx.add.s32.msk vm5, v3  }
0xa6: {  	[tilespmem:v16+s25+$0x0] =	vst.idx.add.f32.msk vm5, v8  }
0xa7: {  	s17 =	simm.s32 $0x0;
	vm15 =	vmmov vm6;
	[tilespmem:v63+s26+$0x0] =	vst.idx.add.f32.msk vm6, v8  }
0xa8: {  	s17 =	sadd.s32 s19, s12  }
.Ltmp5:
0xa9: {  	s17 =	sshrl.u32 s17, $0x3;
	(pc) =	sbr.rel .LBB2_6-.Ltmp5, $4  }
0xaa: {  	s31 =	sadd.s32 s1, s17  }
0xab: {  	[tilespmem:s21], [sflag:$0x2] =	stream.linear.gather [hbm4b:s31+s4], $0x1000, $0x38;
	[tilespmem:$0x15380] =	vst v63  }
0xac: {  	s3 =	sadd.s32 $0x1, s3;
	s17 =	sadd.s32 s2, s17  }
0xad: {  	[tilespmem:s22], [sflag:$0x2] =	stream.linear.gather [hbm4b:s17+s4], $0x1000, $0x38;
	[tilespmem:$0x15380] =	vst v63  }
.LBB2_12:
0xae: {  	s3 =	sshra.s32 s17, $0x2  }
0xaf: {  	v6 =	vld [tilespmem:s3+$0x4801]  }
0xb0: {  	v7 =	vld [tilespmem:s3+$0x4000]  }
0xb1: {  	v8 =	vld [tilespmem:s3+$0x5002]  }
0xb2: {  	v9 =	vld [tilespmem:s3+$0x5803]  }
0xb3: {  	v10 =	vld [tilespmem:s3+$0x6004]  }
0xb4: {  	v11 =	vld [tilespmem:s3+$0x6805]  }
0xb5: {  	v6 =	vadd.s32 v7, v6;
	v7 =	vld [tilespmem:s3+$0x7006]  }
0xb6: {  	v6 =	vadd.s32 v8, v6;
	v8 =	vld [tilespmem:s3+$0x7807]  }
0xb7: {  	v58 =	vld [tilespmem:s3+$0x8008];
	v6 =	vadd.s32 v9, v6  }
0xb8: {  	v59 =	vld [tilespmem:s3+$0x8809];
	v6 =	vadd.s32 v10, v6  }
0xb9: {  	v60 =	vld [tilespmem:s3+$0x900A];
	v6 =	vadd.s32 v11, v6  }
0xba: {  	v6 =	vadd.s32 v7, v6;
	v7 =	vld [tilespmem:s3+$0x980B]  }
0xbb: {  	v6 =	vadd.s32 v8, v6;
	v8 =	vld [tilespmem:s3+$0xA00C]  }
0xbc: {  	v61 =	vld [tilespmem:s3+$0xA80D];
	v6 =	vadd.s32 v58, v6  }
0xbd: {  	v62 =	vld [tilespmem:s3+$0xB00E];
	v6 =	vadd.s32 v59, v6  }
0xbe: {  	v63 =	vld [tilespmem:s3+$0xB80F];
	v6 =	vadd.s32 v60, v6  }
0xbf: {  	v6 =	vadd.s32 v7, v6  }
0xc0: {  	v6 =	vadd.s32 v8, v6  }
0xc1: {  	v6 =	vadd.s32 v61, v6  }
0xc2: {  	s31 =	sand.u32 $0x70, s17;
	s19 =	sand.u32 $0x700, s17;
	v6 =	vadd.s32 v62, v6  }
0xc3: {  	s29 =	sadd.s32 $0x40, s17;
	s3 =	sor.u32 s31, s19;
	v6 =	vadd.s32 v63, v6  }
0xc4: {  	s20 =	sshra.s32 s29, $0x2;
	[tilespmem:s3+$0x14180] =	vst v6  }
0xc5: {  	s29 =	sadd.s32 $0x40, s29;
	s19 =	simm.s32 $0x0;
	s3 =	simm.s32 $0x0;
	v6 =	vld [tilespmem:s20+$0x4801]  }
.LBB2_13:
0xc6: {  	p0 =	sne.s32 s29, $0xFC0;
	v7 =	vld [tilespmem:s20+$0x4000]  }
0xc7: {  	v8 =	vld [tilespmem:s20+$0x5002]  }
0xc8: {  	v9 =	vld [tilespmem:s20+$0x5803]  }
0xc9: {  	v10 =	vld [tilespmem:s20+$0x6004]  }
0xca: {  	v11 =	vld [tilespmem:s20+$0x6805]  }
0xcb: {  	v6 =	vadd.s32 v7, v6;
	v7 =	vld [tilespmem:s20+$0x7006]  }
0xcc: {  	v6 =	vadd.s32 v8, v6;
	v8 =	vld [tilespmem:s20+$0x7807]  }
0xcd: {  	v6 =	vadd.s32 v9, v6;
	v9 =	vld [tilespmem:s20+$0x8008]  }
0xce: {  	v6 =	vadd.s32 v10, v6;
	v10 =	vld [tilespmem:s20+$0x8809]  }
0xcf: {  	v6 =	vadd.s32 v11, v6;
	v11 =	vld [tilespmem:s20+$0x900A]  }
0xd0: {  	v6 =	vadd.s32 v7, v6;
	v7 =	vld [tilespmem:s20+$0x980B]  }
0xd1: {  	v6 =	vadd.s32 v8, v6;
	v8 =	vld [tilespmem:s20+$0xA00C]  }
0xd2: {  	v6 =	vadd.s32 v9, v6;
	v9 =	vld [tilespmem:s20+$0xA80D]  }
0xd3: {  	v6 =	vadd.s32 v10, v6;
	v10 =	vld [tilespmem:s20+$0xB00E]  }
0xd4: {  	v6 =	vadd.s32 v11, v6;
	v11 =	vld [tilespmem:s20+$0xB80F]  }
0xd5: {  	v6 =	vadd.s32 v7, v6  }
0xd6: {  	v6 =	vadd.s32 v8, v6  }
.Ltmp6:
0xd7: {  	s3 =	sadd.s32 $0x20, s3;
	s19 =	sadd.s32 $0x10, s19;
	v6 =	vadd.s32 v9, v6;
	(pc) =	sbr.rel @p0 .LBB2_13-.Ltmp6, $4  }
0xd8: {  	s30 =	sand.u32 $0x700, s3;
	s20 =	sand.u32 $0x70, s19;
	v6 =	vadd.s32 v10, v6  }
0xd9: {  	s30 =	sor.u32 s20, s30;
	v6 =	vadd.s32 v11, v6  }
0xda: {  	s20 =	sshra.s32 s29, $0x2;
	[tilespmem:s30+$0x14180] =	vst v6  }
0xdb: {  	s29 =	sadd.s32 $0x40, s29;
	v6 =	vld [tilespmem:s20+$0x4801]  }
0xdc: {  	v7 =	vld [tilespmem:s20+$0x4000]  }
0xdd: {  	v8 =	vld [tilespmem:s20+$0x5002]  }
0xde: {  	v9 =	vld [tilespmem:s20+$0x5803]  }
0xdf: {  	v10 =	vld [tilespmem:s20+$0x6004]  }
0xe0: {  	v11 =	vld [tilespmem:s20+$0x6805]  }
0xe1: {  	v6 =	vadd.s32 v7, v6;
	v7 =	vld [tilespmem:s20+$0x7006]  }
0xe2: {  	v6 =	vadd.s32 v8, v6;
	v8 =	vld [tilespmem:s20+$0x7807]  }
0xe3: {  	v49 =	vld [tilespmem:s20+$0x8008];
	v6 =	vadd.s32 v9, v6  }
0xe4: {  	v50 =	vld [tilespmem:s20+$0x8809];
	v6 =	vadd.s32 v10, v6  }
0xe5: {  	v51 =	vld [tilespmem:s20+$0x900A];
	v6 =	vadd.s32 v11, v6  }
0xe6: {  	v6 =	vadd.s32 v7, v6;
	v7 =	vld [tilespmem:s20+$0x980B]  }
0xe7: {  	v6 =	vadd.s32 v8, v6;
	v8 =	vld [tilespmem:s20+$0xA00C]  }
0xe8: {  	v52 =	vld [tilespmem:s20+$0xA80D];
	v6 =	vadd.s32 v49, v6  }
0xe9: {  	v53 =	vld [tilespmem:s20+$0xB00E];
	v6 =	vadd.s32 v50, v6  }
0xea: {  	v54 =	vld [tilespmem:s20+$0xB80F];
	v6 =	vadd.s32 v51, v6  }
0xeb: {  	v6 =	vadd.s32 v7, v6  }
0xec: {  	v6 =	vadd.s32 v8, v6  }
0xed: {  	s3 =	sadd.s32 $0x20, s3;
	s19 =	sadd.s32 $0x10, s19;
	v6 =	vadd.s32 v52, v6  }
0xee: {  	s19 =	sand.u32 $0x70, s19;
	s3 =	sand.u32 $0x700, s3;
	v6 =	vadd.s32 v53, v6  }
0xef: {  	s3 =	sor.u32 s19, s3;
	v6 =	vadd.s32 v54, v6  }
0xf0: {  	s31 =	simm.s32 $0x0;
	[tilespmem:s3+$0x14180] =	vst v6  }
0xf1: {  	s20 =	sand.u32 $0x3F0, s17;
	v6 =	vld [tilespmem:s31+$0x4C01]  }
0xf2: {  	v7 =	vld [tilespmem:s20+$0x4400]  }
0xf3: {  	v8 =	vld [tilespmem:s31+$0x5402]  }
0xf4: {  	v55 =	vld [tilespmem:s31+$0x5C03]  }
0xf5: {  	v56 =	vld [tilespmem:s31+$0x6404]  }
0xf6: {  	v57 =	vld [tilespmem:s31+$0x6C05]  }
0xf7: {  	v6 =	vadd.s32 v7, v6;
	v7 =	vld [tilespmem:s31+$0x7406]  }
0xf8: {  	v6 =	vadd.s32 v8, v6;
	v8 =	vld [tilespmem:s31+$0x7C07]  }
0xf9: {  	v58 =	vld [tilespmem:s31+$0x8408];
	v6 =	vadd.s32 v55, v6  }
0xfa: {  	v59 =	vld [tilespmem:s31+$0x8C09];
	v6 =	vadd.s32 v56, v6  }
0xfb: {  	v60 =	vld [tilespmem:s31+$0x940A];
	v6 =	vadd.s32 v57, v6  }
0xfc: {  	v6 =	vadd.s32 v7, v6;
	v7 =	vld [tilespmem:s31+$0x9C0B]  }
0xfd: {  	v6 =	vadd.s32 v8, v6;
	v8 =	vld [tilespmem:s31+$0xA40C]  }
0xfe: {  	v61 =	vld [tilespmem:s31+$0xAC0D];
	v6 =	vadd.s32 v58, v6  }
0xff: {  	v62 =	vld [tilespmem:s31+$0xB40E];
	v6 =	vadd.s32 v59, v6  }
0x100: {  	v63 =	vld [tilespmem:s31+$0xBC0F];
	v6 =	vadd.s32 v60, v6  }
0x101: {  	v6 =	vadd.s32 v7, v6  }
0x102: {  	v6 =	vadd.s32 v8, v6  }
0x103: {  	v6 =	vadd.s32 v61, v6  }
0x104: {  	s30 =	sand.u32 $0x70, s17;
	s31 =	sand.u32 $0x700, s17;
	v6 =	vadd.s32 v62, v6  }
0x105: {  	s3 =	sor.u32 s30, s31;
	v6 =	vadd.s32 v63, v6  }
0x106: {  	s19 =	simm.s32 $0x10;
	[tilespmem:s3+$0x14200] =	vst v6;
	s3 =	simm.s32 $0x10  }
0x107: {  	s20 =	simm.s32 $0x80;
	s29 =	sand.u32 $0x3F0, s3;
	v6 =	vld [tilespmem:s19+$0x4C01]  }
.LBB2_15:
0x108: {  	p0 =	sne.s32 s20, $0xFC0;
	v7 =	vld [tilespmem:s29+$0x4400]  }
0x109: {  	v8 =	vld [tilespmem:s19+$0x5402]  }
0x10a: {  	v9 =	vld [tilespmem:s19+$0x5C03]  }
0x10b: {  	v10 =	vld [tilespmem:s19+$0x6404]  }
0x10c: {  	v11 =	vld [tilespmem:s19+$0x6C05]  }
0x10d: {  	v6 =	vadd.s32 v7, v6;
	v7 =	vld [tilespmem:s19+$0x7406]  }
0x10e: {  	v6 =	vadd.s32 v8, v6;
	v8 =	vld [tilespmem:s19+$0x7C07]  }
0x10f: {  	v6 =	vadd.s32 v9, v6;
	v9 =	vld [tilespmem:s19+$0x8408]  }
0x110: {  	v6 =	vadd.s32 v10, v6;
	v10 =	vld [tilespmem:s19+$0x8C09]  }
0x111: {  	v6 =	vadd.s32 v11, v6;
	v11 =	vld [tilespmem:s19+$0x940A]  }
0x112: {  	v6 =	vadd.s32 v7, v6;
	v7 =	vld [tilespmem:s19+$0x9C0B]  }
0x113: {  	v6 =	vadd.s32 v8, v6;
	v8 =	vld [tilespmem:s19+$0xA40C]  }
0x114: {  	v6 =	vadd.s32 v9, v6;
	v9 =	vld [tilespmem:s19+$0xAC0D]  }
0x115: {  	v6 =	vadd.s32 v10, v6;
	v10 =	vld [tilespmem:s19+$0xB40E]  }
0x116: {  	v6 =	vadd.s32 v11, v6;
	v11 =	vld [tilespmem:s19+$0xBC0F]  }
0x117: {  	v6 =	vadd.s32 v7, v6  }
0x118: {  	v6 =	vadd.s32 v8, v6  }
.Ltmp7:
0x119: {  	s17 =	sadd.s32 $0x20, s17;
	v6 =	vadd.s32 v9, v6;
	(pc) =	sbr.rel @p0 .LBB2_15-.Ltmp7, $4  }
0x11a: {  	s29 =	sand.u32 $0x700, s17;
	s19 =	sand.u32 $0x70, s3;
	v6 =	vadd.s32 v10, v6  }
0x11b: {  	s29 =	sor.u32 s19, s29;
	v6 =	vadd.s32 v11, v6  }
0x11c: {  	s3 =	sadd.s32 $0x10, s3;
	s19 =	sshra.s32 s20, $0x2;
	[tilespmem:s29+$0x14200] =	vst v6  }
0x11d: {  	s20 =	sadd.s32 $0x40, s20;
	s29 =	sand.u32 $0x3F0, s3;
	v6 =	vld [tilespmem:s19+$0x4C01]  }
0x11e: {  	v7 =	vld [tilespmem:s29+$0x4400]  }
0x11f: {  	v8 =	vld [tilespmem:s19+$0x5402]  }
0x120: {  	v9 =	vld [tilespmem:s19+$0x5C03]  }
0x121: {  	v10 =	vld [tilespmem:s19+$0x6404]  }
0x122: {  	v11 =	vld [tilespmem:s19+$0x6C05]  }
0x123: {  	v6 =	vadd.s32 v7, v6;
	v7 =	vld [tilespmem:s19+$0x7406]  }
0x124: {  	v56 =	vld [tilespmem:s19+$0x7C07];
	v6 =	vadd.s32 v8, v6  }
0x125: {  	v57 =	vld [tilespmem:s19+$0x8408];
	v6 =	vadd.s32 v9, v6  }
0x126: {  	v58 =	vld [tilespmem:s19+$0x8C09];
	v6 =	vadd.s32 v10, v6  }
0x127: {  	v59 =	vld [tilespmem:s19+$0x940A];
	v6 =	vadd.s32 v11, v6  }
0x128: {  	v6 =	vadd.s32 v7, v6;
	v7 =	vld [tilespmem:s19+$0x9C0B]  }
0x129: {  	v60 =	vld [tilespmem:s19+$0xA40C];
	v6 =	vadd.s32 v56, v6  }
0x12a: {  	v61 =	vld [tilespmem:s19+$0xAC0D];
	v6 =	vadd.s32 v57, v6  }
0x12b: {  	v62 =	vld [tilespmem:s19+$0xB40E];
	v6 =	vadd.s32 v58, v6  }
0x12c: {  	v63 =	vld [tilespmem:s19+$0xBC0F];
	v6 =	vadd.s32 v59, v6  }
0x12d: {  	p1 =	por $0x1, $0x1;
	v6 =	vadd.s32 v7, v6  }
.Ltmp8:
0x12e: {  	v6 =	vadd.s32 v60, v6;
	(pc) =	sbr.rel @!p1 .LBB2_17-.Ltmp8, $4  }
0x12f: {  	s17 =	sadd.s32 $0x20, s17;
	v6 =	vadd.s32 v61, v6  }
0x130: {  	s3 =	sand.u32 $0x70, s3;
	s17 =	sand.u32 $0x700, s17;
	v6 =	vadd.s32 v62, v6  }
0x131: {  	p0 =	por $0x0, $0x0;
	s17 =	sor.u32 s3, s17;
	v6 =	vadd.s32 v63, v6  }
0x132: {  	s3 =	simm.s32 $0x0;
	s19 =	simm.s32 $0x0;
	[tilespmem:s17+$0x14200] =	vst v6;
	s17 =	simm.s32 $0x40  }
0x133: {  	v6 =	vld [tilespmem:s19+$0xC080];
	_ =	sdelay $0x1  }
0x134: {  	v7 =	vld [tilespmem:s19+$0xC881];
	_ =	sdelay $0x1  }
0x135: {  	v8 =	vld [tilespmem:s19+$0xD082]  }
0x136: {  	v6 =	vadd.f32 $0.0e+00, v6  }
0x137: {  	v9 =	vld [tilespmem:s19+$0xD883]  }
0x138: {  	v6 =	vadd.f32 v7, v6  }
0x139: {  	v7 =	vld [tilespmem:s19+$0xE084]  }
0x13a: {  	v6 =	vadd.f32 v8, v6  }
0x13b: {  	v56 =	vld [tilespmem:s19+$0xE885]  }
0x13c: {  	v6 =	vadd.f32 v9, v6  }
0x13d: {  	v57 =	vld [tilespmem:s19+$0xF086]  }
0x13e: {  	v6 =	vadd.f32 v7, v6  }
0x13f: {  	v7 =	vld [tilespmem:s19+$0xF887]  }
0x140: {  	v6 =	vadd.f32 v56, v6  }
0x141: {  	v58 =	vld [tilespmem:s19+$0x10088]  }
0x142: {  	v6 =	vadd.f32 v57, v6  }
0x143: {  	v59 =	vld [tilespmem:s19+$0x10889]  }
0x144: {  	v6 =	vadd.f32 v7, v6  }
0x145: {  	v7 =	vld [tilespmem:s19+$0x1108A]  }
0x146: {  	v6 =	vadd.f32 v58, v6  }
0x147: {  	v60 =	vld [tilespmem:s19+$0x1188B]  }
0x148: {  	v6 =	vadd.f32 v59, v6  }
0x149: {  	v61 =	vld [tilespmem:s19+$0x1208C]  }
0x14a: {  	v6 =	vadd.f32 v7, v6  }
0x14b: {  	v7 =	vld [tilespmem:s19+$0x1288D]  }
0x14c: {  	v6 =	vadd.f32 v60, v6  }
0x14d: {  	v62 =	vld [tilespmem:s19+$0x1308E]  }
0x14e: {  	v6 =	vadd.f32 v61, v6  }
0x14f: {  	v63 =	vld [tilespmem:s19+$0x1388F]  }
0x150: {  	v6 =	vadd.f32 v7, v6  }
0x151: {  	p3 =	por $0x1, $0x1  }
.Ltmp9:
0x152: {  	v6 =	vadd.f32 v62, v6;
	(pc) =	sbr.rel @!p3 .LBB2_19-.Ltmp9, $4  }
0x153: {  	_ = 	snop  }
0x154: {  	s31 =	sand.u32 $0x70, s3;
	s20 =	sand.u32 $0x700, s3;
	v6 =	vadd.f32 v63, v6  }
0x155: {  	s30 =	simm.s32 $0x80;
	p2 =	por $0x1, $0x1;
	s20 =	sor.u32 s31, s20  }
0x156: {  	s29 =	simm.s32 $0x0;
	s19 =	simm.s32 $0x10;
	[tilespmem:s20+$0x14980] =	vst v6;
	s20 =	simm.s32 $0x0  }
.LBB2_20:
0x157: {  	p3 =	sne.s32 s30, $0xFC0;
	v6 =	vld [tilespmem:s19+$0xC080];
	_ =	sdelay $0x1  }
0x158: {  	v7 =	vld [tilespmem:s19+$0xC881];
	_ =	sdelay $0x1  }
0x159: {  	v8 =	vld [tilespmem:s19+$0xD082]  }
0x15a: {  	v6 =	vadd.f32 $0.0e+00, v6  }
0x15b: {  	v9 =	vld [tilespmem:s19+$0xD883]  }
0x15c: {  	v6 =	vadd.f32 v7, v6  }
0x15d: {  	v7 =	vld [tilespmem:s19+$0xE084]  }
0x15e: {  	v6 =	vadd.f32 v8, v6  }
0x15f: {  	v8 =	vld [tilespmem:s19+$0xE885]  }
0x160: {  	v6 =	vadd.f32 v9, v6  }
0x161: {  	v9 =	vld [tilespmem:s19+$0xF086]  }
0x162: {  	v6 =	vadd.f32 v7, v6  }
0x163: {  	v7 =	vld [tilespmem:s19+$0xF887]  }
0x164: {  	v6 =	vadd.f32 v8, v6  }
0x165: {  	v8 =	vld [tilespmem:s19+$0x10088]  }
0x166: {  	v6 =	vadd.f32 v9, v6  }
0x167: {  	v9 =	vld [tilespmem:s19+$0x10889]  }
0x168: {  	v6 =	vadd.f32 v7, v6  }
0x169: {  	v7 =	vld [tilespmem:s19+$0x1108A]  }
0x16a: {  	v6 =	vadd.f32 v8, v6  }
0x16b: {  	v8 =	vld [tilespmem:s19+$0x1188B]  }
0x16c: {  	v6 =	vadd.f32 v9, v6  }
0x16d: {  	v9 =	vld [tilespmem:s19+$0x1208C]  }
0x16e: {  	v6 =	vadd.f32 v7, v6  }
0x16f: {  	v7 =	vld [tilespmem:s19+$0x1288D]  }
0x170: {  	v6 =	vadd.f32 v8, v6  }
0x171: {  	v8 =	vld [tilespmem:s19+$0x1308E]  }
0x172: {  	v6 =	vadd.f32 v9, v6  }
0x173: {  	v9 =	vld [tilespmem:s19+$0x1388F]  }
0x174: {  	v6 =	vadd.f32 v7, v6;
	_ =	sdelay $0x1  }
.Ltmp10:
0x175: {  	v6 =	vadd.f32 v8, v6;
	(pc) =	sbr.rel @p3 .LBB2_20-.Ltmp10, $4  }
0x176: {  	s20 =	sadd.s32 $0x20, s20;
	s29 =	sadd.s32 $0x10, s29  }
0x177: {  	s31 =	sand.u32 $0x700, s20;
	s19 =	sand.u32 $0x70, s29;
	v6 =	vadd.f32 v9, v6  }
0x178: {  	s31 =	sor.u32 s19, s31  }
0x179: {  	s19 =	sshra.s32 s30, $0x2;
	s30 =	sadd.s32 $0x40, s30;
	[tilespmem:s31+$0x14980] =	vst v6  }
.LBB2_21:
0x17a: {  	v6 =	vld [tilespmem:s19+$0xC080];
	_ =	sdelay $0x1  }
0x17b: {  	v7 =	vld [tilespmem:s19+$0xC881];
	_ =	sdelay $0x1  }
0x17c: {  	v8 =	vld [tilespmem:s19+$0xD082]  }
0x17d: {  	v6 =	vadd.f32 $0.0e+00, v6  }
0x17e: {  	v9 =	vld [tilespmem:s19+$0xD883]  }
0x17f: {  	v6 =	vadd.f32 v7, v6  }
0x180: {  	v7 =	vld [tilespmem:s19+$0xE084]  }
0x181: {  	v6 =	vadd.f32 v8, v6  }
0x182: {  	v56 =	vld [tilespmem:s19+$0xE885]  }
0x183: {  	v6 =	vadd.f32 v9, v6  }
0x184: {  	v57 =	vld [tilespmem:s19+$0xF086]  }
0x185: {  	v6 =	vadd.f32 v7, v6  }
0x186: {  	v7 =	vld [tilespmem:s19+$0xF887]  }
0x187: {  	v6 =	vadd.f32 v56, v6  }
0x188: {  	v58 =	vld [tilespmem:s19+$0x10088]  }
0x189: {  	v6 =	vadd.f32 v57, v6  }
0x18a: {  	v59 =	vld [tilespmem:s19+$0x10889]  }
0x18b: {  	v6 =	vadd.f32 v7, v6  }
0x18c: {  	v7 =	vld [tilespmem:s19+$0x1108A]  }
0x18d: {  	v6 =	vadd.f32 v58, v6  }
0x18e: {  	v60 =	vld [tilespmem:s19+$0x1188B]  }
0x18f: {  	v6 =	vadd.f32 v59, v6  }
0x190: {  	v61 =	vld [tilespmem:s19+$0x1208C]  }
0x191: {  	v6 =	vadd.f32 v7, v6  }
0x192: {  	v7 =	vld [tilespmem:s19+$0x1288D]  }
0x193: {  	v6 =	vadd.f32 v60, v6  }
0x194: {  	v62 =	vld [tilespmem:s19+$0x1308E]  }
0x195: {  	v6 =	vadd.f32 v61, v6  }
0x196: {  	v63 =	vld [tilespmem:s19+$0x1388F]  }
0x197: {  	v6 =	vadd.f32 v7, v6  }
0x198: {  	s30 =	simm.s32 $0x0;
	s19 =	sadd.s32 @p2 $0x20, s20  }
.Ltmp11:
0x199: {  	s20 =	sadd.s32 @p2 $0x10, s29;
	s29 =	simm.s32 $0x0;
	v6 =	vadd.f32 v62, v6;
	(pc) =	sbr.rel @!p1 .LBB2_22-.Ltmp11, $4  }
0x19a: {  	s29 =	smov.u32 @p2 s20;
	s30 =	smov.u32 @p2 s19  }
0x19b: {  	s29 =	sand.u32 $0x70, s29;
	s31 =	sand.u32 $0x700, s30;
	v6 =	vadd.f32 v63, v6  }
0x19c: {  	s19 =	sor.u32 s29, s31  }
0x19d: {  	s30 =	sand.u32 $0x3F0, s3;
	[tilespmem:s19+$0x14980] =	vst v6  }
0x19e: {  	v6 =	vld [tilespmem:s30+$0xC480]  }
0x19f: {  	s19 =	simm.s32 $0x0  }
0x1a0: {  	v7 =	vld [tilespmem:s19+$0xCC81];
	_ =	sdelay $0x1  }
0x1a1: {  	v8 =	vld [tilespmem:s19+$0xD482]  }
0x1a2: {  	v6 =	vadd.f32 $0.0e+00, v6  }
0x1a3: {  	v9 =	vld [tilespmem:s19+$0xDC83]  }
0x1a4: {  	v6 =	vadd.f32 v7, v6  }
0x1a5: {  	v7 =	vld [tilespmem:s19+$0xE484]  }
0x1a6: {  	v6 =	vadd.f32 v8, v6  }
0x1a7: {  	v56 =	vld [tilespmem:s19+$0xEC85]  }
0x1a8: {  	v6 =	vadd.f32 v9, v6  }
0x1a9: {  	v57 =	vld [tilespmem:s19+$0xF486]  }
0x1aa: {  	v6 =	vadd.f32 v7, v6  }
0x1ab: {  	v7 =	vld [tilespmem:s19+$0xFC87]  }
0x1ac: {  	v6 =	vadd.f32 v56, v6  }
0x1ad: {  	v58 =	vld [tilespmem:s19+$0x10488]  }
0x1ae: {  	v6 =	vadd.f32 v57, v6  }
0x1af: {  	v59 =	vld [tilespmem:s19+$0x10C89]  }
0x1b0: {  	v6 =	vadd.f32 v7, v6  }
0x1b1: {  	v7 =	vld [tilespmem:s19+$0x1148A]  }
0x1b2: {  	v6 =	vadd.f32 v58, v6  }
0x1b3: {  	v60 =	vld [tilespmem:s19+$0x11C8B]  }
0x1b4: {  	v6 =	vadd.f32 v59, v6  }
0x1b5: {  	v61 =	vld [tilespmem:s19+$0x1248C]  }
0x1b6: {  	v6 =	vadd.f32 v7, v6  }
0x1b7: {  	v7 =	vld [tilespmem:s19+$0x12C8D]  }
0x1b8: {  	v6 =	vadd.f32 v60, v6  }
0x1b9: {  	v62 =	vld [tilespmem:s19+$0x1348E]  }
0x1ba: {  	v6 =	vadd.f32 v61, v6  }
0x1bb: {  	v63 =	vld [tilespmem:s19+$0x13C8F]  }
0x1bc: {  	v6 =	vadd.f32 v7, v6  }
0x1bd: {  	p1 =	por $0x1, $0x1  }
.Ltmp12:
0x1be: {  	v6 =	vadd.f32 v62, v6;
	(pc) =	sbr.rel @!p1 .LBB2_24-.Ltmp12, $4  }
0x1bf: {  	_ = 	snop  }
0x1c0: {  	s20 =	sand.u32 $0x70, s3;
	s29 =	sand.u32 $0x700, s3;
	v6 =	vadd.f32 v63, v6  }
0x1c1: {  	p0 =	por $0x1, $0x1;
	s20 =	sor.u32 s20, s29;
	s19 =	simm.s32 $0x10  }
0x1c2: {  	s29 =	simm.s32 $0x80;
	s30 =	sand.u32 $0x3F0, s19;
	[tilespmem:s20+$0x14A00] =	vst v6;
	s20 =	simm.s32 $0x0  }
.LBB2_25:
0x1c3: {  	p1 =	sne.s32 s29, $0xFC0;
	v6 =	vld [tilespmem:s30+$0xC480]  }
0x1c4: {  	s30 =	sshra.s32 s17, $0x2;
	s17 =	smov.u32 s29  }
0x1c5: {  	v7 =	vld [tilespmem:s30+$0xCC81];
	_ =	sdelay $0x1  }
0x1c6: {  	v8 =	vld [tilespmem:s30+$0xD482]  }
0x1c7: {  	v6 =	vadd.f32 $0.0e+00, v6  }
0x1c8: {  	v9 =	vld [tilespmem:s30+$0xDC83]  }
0x1c9: {  	v6 =	vadd.f32 v7, v6  }
0x1ca: {  	v7 =	vld [tilespmem:s30+$0xE484]  }
0x1cb: {  	v6 =	vadd.f32 v8, v6  }
0x1cc: {  	v8 =	vld [tilespmem:s30+$0xEC85]  }
0x1cd: {  	v6 =	vadd.f32 v9, v6  }
0x1ce: {  	v9 =	vld [tilespmem:s30+$0xF486]  }
0x1cf: {  	v6 =	vadd.f32 v7, v6  }
0x1d0: {  	v7 =	vld [tilespmem:s30+$0xFC87]  }
0x1d1: {  	v6 =	vadd.f32 v8, v6  }
0x1d2: {  	v8 =	vld [tilespmem:s30+$0x10488]  }
0x1d3: {  	v6 =	vadd.f32 v9, v6  }
0x1d4: {  	v9 =	vld [tilespmem:s30+$0x10C89]  }
0x1d5: {  	v6 =	vadd.f32 v7, v6  }
0x1d6: {  	v7 =	vld [tilespmem:s30+$0x1148A]  }
0x1d7: {  	v6 =	vadd.f32 v8, v6  }
0x1d8: {  	v8 =	vld [tilespmem:s30+$0x11C8B]  }
0x1d9: {  	v6 =	vadd.f32 v9, v6  }
0x1da: {  	v9 =	vld [tilespmem:s30+$0x1248C]  }
0x1db: {  	v6 =	vadd.f32 v7, v6  }
0x1dc: {  	v7 =	vld [tilespmem:s30+$0x12C8D]  }
0x1dd: {  	v6 =	vadd.f32 v8, v6  }
0x1de: {  	v8 =	vld [tilespmem:s30+$0x1348E]  }
0x1df: {  	v6 =	vadd.f32 v9, v6  }
0x1e0: {  	v9 =	vld [tilespmem:s30+$0x13C8F]  }
0x1e1: {  	v6 =	vadd.f32 v7, v6;
	_ =	sdelay $0x1  }
.Ltmp13:
0x1e2: {  	v6 =	vadd.f32 v8, v6;
	(pc) =	sbr.rel @p1 .LBB2_25-.Ltmp13, $4  }
0x1e3: {  	s20 =	sadd.s32 $0x20, s20  }
0x1e4: {  	s31 =	sand.u32 $0x700, s20;
	s30 =	sand.u32 $0x70, s19;
	v6 =	vadd.f32 v9, v6  }
0x1e5: {  	s19 =	sadd.s32 $0x10, s19;
	s31 =	sor.u32 s30, s31  }
0x1e6: {  	s29 =	sadd.s32 $0x40, s29;
	s30 =	sand.u32 $0x3F0, s19;
	[tilespmem:s31+$0x14A00] =	vst v6  }
.LBB2_26:
0x1e7: {  	v6 =	vld [tilespmem:s30+$0xC480]  }
0x1e8: {  	s17 =	sshra.s32 s17, $0x2  }
0x1e9: {  	v7 =	vld [tilespmem:s17+$0xCC81];
	_ =	sdelay $0x1  }
0x1ea: {  	v8 =	vld [tilespmem:s17+$0xD482]  }
0x1eb: {  	v6 =	vadd.f32 $0.0e+00, v6  }
0x1ec: {  	v9 =	vld [tilespmem:s17+$0xDC83]  }
0x1ed: {  	v6 =	vadd.f32 v7, v6  }
0x1ee: {  	v7 =	vld [tilespmem:s17+$0xE484]  }
0x1ef: {  	v6 =	vadd.f32 v8, v6  }
0x1f0: {  	v56 =	vld [tilespmem:s17+$0xEC85]  }
0x1f1: {  	v6 =	vadd.f32 v9, v6  }
0x1f2: {  	v57 =	vld [tilespmem:s17+$0xF486]  }
0x1f3: {  	v6 =	vadd.f32 v7, v6  }
0x1f4: {  	v7 =	vld [tilespmem:s17+$0xFC87]  }
0x1f5: {  	v6 =	vadd.f32 v56, v6  }
0x1f6: {  	v58 =	vld [tilespmem:s17+$0x10488]  }
0x1f7: {  	v6 =	vadd.f32 v57, v6  }
0x1f8: {  	v59 =	vld [tilespmem:s17+$0x10C89]  }
0x1f9: {  	v6 =	vadd.f32 v7, v6  }
0x1fa: {  	v7 =	vld [tilespmem:s17+$0x1148A]  }
0x1fb: {  	v6 =	vadd.f32 v58, v6  }
0x1fc: {  	v60 =	vld [tilespmem:s17+$0x11C8B]  }
0x1fd: {  	v6 =	vadd.f32 v59, v6  }
0x1fe: {  	v61 =	vld [tilespmem:s17+$0x1248C]  }
0x1ff: {  	v6 =	vadd.f32 v7, v6  }
0x200: {  	v7 =	vld [tilespmem:s17+$0x12C8D]  }
0x201: {  	v6 =	vadd.f32 v60, v6  }
0x202: {  	v62 =	vld [tilespmem:s17+$0x1348E]  }
0x203: {  	v6 =	vadd.f32 v61, v6  }
0x204: {  	v63 =	vld [tilespmem:s17+$0x13C8F]  }
0x205: {  	v6 =	vadd.f32 v7, v6;
	_ =	sdelay $0x1  }
0x206: {  	s17 =	sadd.s32 @p0 $0x20, s20;
	v6 =	vadd.f32 v62, v6  }
0x207: {  	s3 =	smov.u32 @p0 s17  }
0x208: {  	s20 =	sand.u32 $0x70, s19;
	s3 =	sand.u32 $0x700, s3;
	v6 =	vadd.f32 v63, v6  }
0x209: {  	s3 =	sor.u32 s20, s3  }
0x20a: {  	[tilespmem:s3+$0x14A00] =	vst v6  }
0x20b: {  	v6 =	vld.idx.msk [tilespmem:v0+s26+$0x0], $0xffff;
	_ =	sdelay $0x4  }
0x20c: {  	[tilespmem:$0x15180] =	vst v6  }
0x20d: {  	v6 =	vld.idx.msk [tilespmem:v5+s26+$0x0], $0xffff;
	_ =	sdelay $0x4  }
0x20e: {  	s29 =	simm.s32 $0x14180;
	[tilespmem:$0x15200] =	vst v6  }
0x20f: {  	[hbm4b:s13+s4] =	stream.linear.scatter [tilespmem:s29], [sflag:$0x3], $0x800, $0x38;
	[tilespmem:$0x15380] =	vst v63  }
0x210: {  	_ =	swait.ge [sflag:s18], $0x800  }
0x211: {  	[sflag:s18] =	ssyncset.done $0x0  }
0x212: {  	s30 =	simm.s32 $0x14980;
	[sflag:s18] =	ssyncadd.s32 $0xFFFFF800  }
0x213: {  	[hbm4b:s14+s4] =	stream.linear.scatter [tilespmem:s30], [sflag:$0x3], $0x800, $0x38;
	[tilespmem:$0x15380] =	vst v63  }
0x214: {  	_ =	swait.ge [sflag:s18], $0x800  }
0x215: {  	s0 =	sadd.s32 $0x1, s0;
	[sflag:s18] =	ssyncset.done $0x0  }
0x216: {  	s31 =	simm.s32 $0x15180;
	p0 =	sne.s32 s0, s16;
	[sflag:s18] =	ssyncadd.s32 $0xFFFFF800  }
0x217: {  	[hbm4b:s15+s4] =	stream.linear.scatter [tilespmem:s31], [sflag:$0x3], $0x100, $0x38;
	[tilespmem:$0x15380] =	vst v63  }
.Ltmp14:
0x218: {  	_ = 	snop;
	(pc) =	sbr.rel @p0 .LBB2_1-.Ltmp14, $4  }
.Ltmp15:
0x219: {  	_ = 	snop;
	(pc) =	sbr.rel @!p0 .LBB2_27-.Ltmp15, $4  }
0x21a: {  	_ =	swait.ge [sflag:s18], $0x100  }
0x21b: {  	[sflag:s18] =	ssyncset.done $0x0  }
0x21c: {  	[sflag:s18] =	ssyncadd.s32 $0xFFFFFF00  }
0x21d: {  	_ = 	snop  }
.LBB2_17:
.Ltmp16:
0x21e: {  	(pc) =	sbr.rel .LBB2_21-.Ltmp16, $2  }
0x21f: {  	_ =	sdelay $0x2  }
0x220: {  	s20 =	simm.s32 $0x0;
	s29 =	simm.s32 $0x0;
	p2 =	por $0x0, $0x0  }
.LBB2_22:
.Ltmp17:
0x221: {  	(pc) =	sbr.rel .LBB2_26-.Ltmp17, $2  }
0x222: {  	_ =	sdelay $0x2  }
0x223: {  	s17 =	simm.s32 $0x0;
	s20 =	simm.s32 $0x0;
	s19 =	simm.s32 $0x0  }
.LBB2_19:
.Ltmp18:
0x224: {  	(pc) =	sbr.rel .LBB2_21-.Ltmp18, $2  }
0x225: {  	_ =	sdelay $0x2  }
0x226: {  	s20 =	simm.s32 $0x0;
	s29 =	simm.s32 $0x0  }
.LBB2_24:
.Ltmp19:
0x227: {  	(pc) =	sbr.rel .LBB2_26-.Ltmp19, $2  }
0x228: {  	_ =	sdelay $0x2  }
0x229: {  	s20 =	simm.s32 $0x0  }
.LBB2_27:
0x22a: {  	_ =	sfence.sel $0x180000  }
0x22b: {  	[bflag:$0x0] =	sbarrier.arrive $0xFFFF  }
0x22c: {  	_ =	strace $0x9000004A  }
0x22d: {  	s0 =	stileid.u32;
	[bflag:$0x2] =	sbarrier.arrive $0xFFFF  }
0x22e: {  	p0 =	sne.s32 s0, $0x0;
	s0 =	rddreg [dreg:$0x3]  }
0x22f: {  	s0 =	sadd.s32 @!p0 $0x100000, s0  }
0x230: {  	[sflag:s0] =	ssyncadd.tile.s32 @!p0 $0x1;
	_ =	shalt  }
.Lfunc_end2:
_tile_overlayer_lowered:
.L_overlay_start_2:
0x231: {  	(tag) =	ssettag $0x2  }
0x232: {  	s0 =	rddreg [dreg:$0x0];
	s2 =	stileid.u32  }
0x233: {  	s1 =	rddreg [dreg:$0x1];
	p0 =	sne.s32 s2, $0x0  }
0x234: {  	s3 =	rddreg [dreg:$0x2];
	[bflag:$0x3] =	sbarrier.arrive $0xFFFF;
	s2 =	simm.s32 @!p0 $0x1C03  }
0x235: {  	[timem:s3], [sflag:s2] =	dma.local @!p0 [hbm:s0], s1  }
0x236: {  	s0 =	simm.s32 @!p0 $0x3  }
0x237: {  	_ =	swait.ge @!p0 [sflag:s0], s1  }
0x238: {  	s1 =	ssub.s32 @!p0 $0x0, s1;
	[sflag:s0] =	ssyncset.done @!p0 $0x0  }
0x239: {  	[sflag:s0] =	ssyncadd.s32 @!p0 s1  }
0x23a: {  	[bflag:$0x3] =	sbarrier.arrive $0xFFFF  }
0x23b: {  	_ =	shalt  }

</sc_bundles>
